<compile_context>
chip_gen: v7x
topology: tpu7x:2x2x1
jax: 0.10.2.dev20260603
libtpu: 0.0.44.dev20260713+nightly
codegen_flags: <defaults>
</compile_context>

<pallas_src>
import functools

import jax
import jax.numpy as jnp
from jax import lax
from jax.experimental import pallas as pl
from jax.experimental.pallas import tpu as pltpu
from jax.experimental.pallas import tpu_sc as plsc

N_EDGES = 800000
EMB = 64
NC = 2
NS = 16
NW = NC * NS
CHUNK = 320
NCHUNKS = N_EDGES // CHUNK
KMAX = (NCHUNKS + NW - 1) // NW
NGROUP = CHUNK // 16
CROWS = 126


def _body(c_hbm, a0_hbm, a1_hbm, a2_hbm, out_hbm,
          c_v, av0a, av0b, av1a, av1b, av2a, av2b, rows_v,
          s_idx0, s_idx1, s_o0, s_o1):
    wid = lax.axis_index("s") * NC + lax.axis_index("c")
    av0 = (av0a, av0b)
    av1 = (av1a, av1b)
    av2 = (av2a, av2b)
    s_idx = (s_idx0, s_idx1)
    s_o = (s_o0, s_o1)
    iota = lax.iota(jnp.int32, 16)

    pltpu.sync_copy(c_hbm, c_v)

    def stage_idx(c, p):
        off = pl.multiple_of(c * CHUNK, 8)
        pltpu.async_copy(a0_hbm.at[pl.ds(off, CHUNK)], av0[p], s_idx[p])
        pltpu.async_copy(a1_hbm.at[pl.ds(off, CHUNK)], av1[p], s_idx[p])
        pltpu.async_copy(a2_hbm.at[pl.ds(off, CHUNK)], av2[p], s_idx[p])

    def wait_idx(c, p):
        off = pl.multiple_of(c * CHUNK, 8)
        pltpu.make_async_copy(a0_hbm.at[pl.ds(off, CHUNK)], av0[p],
                              s_idx[p]).wait()
        pltpu.make_async_copy(a1_hbm.at[pl.ds(off, CHUNK)], av1[p],
                              s_idx[p]).wait()
        pltpu.make_async_copy(a2_hbm.at[pl.ds(off, CHUNK)], av2[p],
                              s_idx[p]).wait()

    def out_slice(c):
        return out_hbm.at[pl.ds(pl.multiple_of(c * CHUNK, 8), CHUNK)]

    def half(i, h):
        k = i * 2 + h
        c = wid + NW * k
        p = h

        @pl.when(c < NCHUNKS)
        def _():
            wait_idx(c, p)
            @pl.when(c + NW < NCHUNKS)
            def _():
                stage_idx(c + NW, 1 - p)
            @pl.when(k >= 2)
            def _():
                pltpu.make_async_copy(rows_v.at[p], out_slice(c - 2 * NW),
                                      s_o[p]).wait()

            rows_p = rows_v.at[p]

            def group(g, carry):
                g16 = pl.multiple_of(g * 16, 16)
                sl = pl.ds(g16, 16)
                c0 = jnp.clip(av0[p][sl], 0, 5)
                c1 = jnp.clip(av1[p][sl], 0, 6)
                c2 = jnp.clip(av2[p][sl], 0, 2)
                key = c0 + c1 * 6 + c2 * 42
                gkey = key * EMB
                srow = g16 + iota
                for b in range(0, EMB, 16):
                    offs = [(iota + (b + j)) & (EMB - 1) for j in range(16)]
                    vs = [plsc.load_gather(c_v, [gkey + offs[j]])
                          for j in range(16)]
                    for j in range(16):
                        plsc.store_scatter(rows_p, [srow, offs[j]], vs[j])
                return carry

            lax.fori_loop(0, NGROUP, group, 0)
            pltpu.async_copy(rows_p, out_slice(c), s_o[p])

    stage_idx(wid, 0)

    def pair(i, carry):
        half(i, 0)
        half(i, 1)
        return carry

    lax.fori_loop(0, (KMAX + 1) // 2, pair, 0)

    kk = (KMAX + 1) // 2 * 2
    for k in (kk - 2, kk - 1):
        c = wid + NW * k

        @pl.when(c < NCHUNKS)
        def _():
            pltpu.make_async_copy(rows_v.at[k % 2], out_slice(c),
                                  s_o[k % 2]).wait()


@functools.partial(jax.jit, donate_argnums=())
def kernel(edge_attr, W0, W1, W2):
    comb = (W2[:, None, None, :] + W1[None, :, None, :]
            + W0[None, None, :, :]).reshape(CROWS * EMB)
    ea = edge_attr.astype(jnp.int32)
    a0, a1, a2 = ea[:, 0], ea[:, 1], ea[:, 2]

    run = pl.kernel(
        _body,
        out_type=jax.ShapeDtypeStruct((N_EDGES, EMB), jnp.float32),
        mesh=plsc.VectorSubcoreMesh(core_axis_name="c", subcore_axis_name="s"),
        scratch_types=[
            pltpu.VMEM((CROWS * EMB,), jnp.float32),
            pltpu.VMEM((CHUNK,), jnp.int32),
            pltpu.VMEM((CHUNK,), jnp.int32),
            pltpu.VMEM((CHUNK,), jnp.int32),
            pltpu.VMEM((CHUNK,), jnp.int32),
            pltpu.VMEM((CHUNK,), jnp.int32),
            pltpu.VMEM((CHUNK,), jnp.int32),
            pltpu.VMEM((2, CHUNK, EMB), jnp.float32),
            pltpu.SemaphoreType.DMA,
            pltpu.SemaphoreType.DMA,
            pltpu.SemaphoreType.DMA,
            pltpu.SemaphoreType.DMA,
        ],
        compiler_params=pltpu.CompilerParams(
            needs_layout_passes=False, use_tc_tiling_on_sc=True,
            disable_bounds_checks=True),
    )
    return run(comb, a0, a1, a2)

# --- scband reference (transcript-rebuilt; emitter-appended) ---
"""Pipeline reference for scband-edge-encoder-24859270709898 (READ-ONLY COPY).

The authoritative reference and input builder live on the scoring server;
editing this copy changes nothing except your own understanding.
"""

import jax, jax.numpy as jnp
import numpy as np

BOND_FEATURE_DIMS = [5, 6, 2]  # OGB get_bond_feature_dims()
EMB_DIM = 64
N_EDGES = 800000

def _xavier_uniform(key, shape):
    fan_in, fan_out = shape[0], shape[1]
    a = float(np.sqrt(6.0 / (fan_in + fan_out)))
    return jax.random.uniform(key, shape, dtype=jnp.float32, minval=-a, maxval=a)

def setup_inputs(seed: int = 0) -> dict:
    key = jax.random.key(seed)
    k_idx, k0, k1, k2 = jax.random.split(key, 4)
    # values in [0, 3) are valid rows for all three tables (smallest table has 3 rows)
    edge_attr = jax.random.randint(k_idx, (N_EDGES, 3), 0, 3, dtype=jnp.int64)
    W0 = _xavier_uniform(k0, (BOND_FEATURE_DIMS[0] + 1, EMB_DIM))
    W1 = _xavier_uniform(k1, (BOND_FEATURE_DIMS[1] + 1, EMB_DIM))
    W2 = _xavier_uniform(k2, (BOND_FEATURE_DIMS[2] + 1, EMB_DIM))
    return {"edge_attr": edge_attr, "W0": W0, "W1": W1, "W2": W2}

def reference(edge_attr, W0, W1, W2):
    # bond_embedding = sum_i Embedding_i(edge_attr[:, i])
    tables = [W0, W1, W2]
    bond_embedding = jnp.zeros((edge_attr.shape[0], W0.shape[1]), dtype=W0.dtype)
    for i in range(edge_attr.shape[1]):
        bond_embedding = bond_embedding + jnp.take(tables[i], edge_attr[:, i], axis=0)
    return bond_embedding

if __name__ == "__main__":
    import jax
    _d = setup_inputs()
    print(jax.jit(kernel)(*tuple(_d.values())))

</pallas_src>

<mosaic_0001>
#map = affine_map<(d0, d1) -> (0)>
#map1 = affine_map<(d0, d1) -> (0, 0)>
module attributes {stable_mosaic.version = 14 : i64} {
  func.func @_body(%arg0: i32, %arg1: i32, %arg2: memref<8064xf32, #tpu.memory_space<hbm>>, %arg3: memref<800000xi32, #tpu.memory_space<hbm>>, %arg4: memref<800000xi32, #tpu.memory_space<hbm>>, %arg5: memref<800000xi32, #tpu.memory_space<hbm>>, %arg6: memref<800000x64xf32, #tpu.memory_space<hbm>>, %arg7: memref<8064xf32, #tpu.memory_space<vmem>>, %arg8: memref<320xi32, #tpu.memory_space<vmem>>, %arg9: memref<320xi32, #tpu.memory_space<vmem>>, %arg10: memref<320xi32, #tpu.memory_space<vmem>>, %arg11: memref<320xi32, #tpu.memory_space<vmem>>, %arg12: memref<320xi32, #tpu.memory_space<vmem>>, %arg13: memref<320xi32, #tpu.memory_space<vmem>>, %arg14: memref<2x320x64xf32, #tpu.memory_space<vmem>>, %arg15: memref<!tpu.dma_semaphore, #tpu.memory_space<semaphore_mem>>, %arg16: memref<!tpu.dma_semaphore, #tpu.memory_space<semaphore_mem>>, %arg17: memref<!tpu.dma_semaphore, #tpu.memory_space<semaphore_mem>>, %arg18: memref<!tpu.dma_semaphore, #tpu.memory_space<semaphore_mem>>) attributes {dimension_semantics = [#tpu.dimension_semantics<core_parallel>, #tpu.dimension_semantics<subcore_parallel>], iteration_bounds = array<i64: 2, 16>, scalar_prefetch = 0 : i64, scratch_operands = 12 : i64, tpu.core_type = #tpu.core_type<sc_vector_subcore>, window_params = [{transform_indices = #map}, {transform_indices = #map}, {transform_indices = #map}, {transform_indices = #map}, {transform_indices = #map1}]} {
    %mul3A = arith.constant 2 : i32
    %mul3A_0 = arith.muli %arg1, %mul3A : i32
    %add3A = arith.addi %mul3A_0, %arg0 : i32
    %iota3A = tpu.iota {dimensions = array<i32: 0>} : vector<16xi32>
    "tpu.region"() ({
      %run_scoped3A = tpu.sem_alloc : memref<!tpu.dma_semaphore, #tpu.memory_space<semaphore_mem>>
      tpu.enqueue_dma source(%arg2 : memref<8064xf32, #tpu.memory_space<hbm>>) target(%arg7 : memref<8064xf32, #tpu.memory_space<vmem>>) target_semaphore(%run_scoped3A : memref<!tpu.dma_semaphore, #tpu.memory_space<semaphore_mem>>)
      tpu.wait_dma2 semaphore(%run_scoped3A : memref<!tpu.dma_semaphore, #tpu.memory_space<semaphore_mem>>) src(%arg2 : memref<8064xf32, #tpu.memory_space<hbm>>) dst(%arg7 : memref<8064xf32, #tpu.memory_space<vmem>>)
      tpu.yield
    }) : () -> ()
    %mul3A_1 = arith.constant 320 : i32
    %mul3A_2 = arith.muli %add3A, %mul3A_1 : i32
    %multiple_of3A = tpu.assume_multiple %mul3A_2, 8 : i32
    %dma_start3A = tpu.memref_slice %arg3[%multiple_of3A] : memref<800000xi32, #tpu.memory_space<hbm>> -> memref<320xi32, #tpu.memory_space<hbm>>
    %dma_start3A_3 = tpu.memref_slice %arg3[%multiple_of3A] : memref<800000xi32, #tpu.memory_space<hbm>> -> memref<320xi32, #tpu.memory_space<hbm>>
    tpu.enqueue_dma source(%dma_start3A_3 : memref<320xi32, #tpu.memory_space<hbm>>) target(%arg8 : memref<320xi32, #tpu.memory_space<vmem>>) target_semaphore(%arg15 : memref<!tpu.dma_semaphore, #tpu.memory_space<semaphore_mem>>)
    %dma_start3A_4 = tpu.memref_slice %arg4[%multiple_of3A] : memref<800000xi32, #tpu.memory_space<hbm>> -> memref<320xi32, #tpu.memory_space<hbm>>
    %dma_start3A_5 = tpu.memref_slice %arg4[%multiple_of3A] : memref<800000xi32, #tpu.memory_space<hbm>> -> memref<320xi32, #tpu.memory_space<hbm>>
    tpu.enqueue_dma source(%dma_start3A_5 : memref<320xi32, #tpu.memory_space<hbm>>) target(%arg10 : memref<320xi32, #tpu.memory_space<vmem>>) target_semaphore(%arg15 : memref<!tpu.dma_semaphore, #tpu.memory_space<semaphore_mem>>)
    %dma_start3A_6 = tpu.memref_slice %arg5[%multiple_of3A] : memref<800000xi32, #tpu.memory_space<hbm>> -> memref<320xi32, #tpu.memory_space<hbm>>
    %dma_start3A_7 = tpu.memref_slice %arg5[%multiple_of3A] : memref<800000xi32, #tpu.memory_space<hbm>> -> memref<320xi32, #tpu.memory_space<hbm>>
    tpu.enqueue_dma source(%dma_start3A_7 : memref<320xi32, #tpu.memory_space<hbm>>) target(%arg12 : memref<320xi32, #tpu.memory_space<vmem>>) target_semaphore(%arg15 : memref<!tpu.dma_semaphore, #tpu.memory_space<semaphore_mem>>)
    %scan3A = arith.constant 0 : i32
    %scan3A_8 = arith.constant 0 : i32
    %scan3A_9 = arith.constant 40 : i32
    %scan3A_10 = arith.addi %scan3A_8, %scan3A_9 : i32
    %scan3A_11 = arith.constant 1 : i32
    scf.for %scan3A_24 = %scan3A_8 to %scan3A_10 step %scan3A_11  : i32 {
      %mul3A_25 = arith.constant 2 : i32
      %mul3A_26 = arith.muli %scan3A_24, %mul3A_25 : i32
      %add3A_27 = arith.constant 0 : i32
      %add3A_28 = arith.addi %mul3A_26, %add3A_27 : i32
      %mul3A_29 = arith.constant 32 : i32
      %mul3A_30 = arith.muli %mul3A_29, %add3A_28 : i32
      %add3A_31 = arith.addi %add3A, %mul3A_30 : i32
      %lt3A_32 = arith.constant 2500 : i32
      %lt3A_33 = arith.cmpi slt, %add3A_31, %lt3A_32 : i32
      %convert_element_type3A_34 = arith.extui %lt3A_33 : i1 to i32
      %cond3A_35 = arith.constant 0 : i32
      %cond3A_36 = arith.cmpi ne, %convert_element_type3A_34, %cond3A_35 : i32
      scf.if %cond3A_36 {
        %mul3A_49 = arith.constant 320 : i32
        %mul3A_50 = arith.muli %add3A_31, %mul3A_49 : i32
        %multiple_of3A_51 = tpu.assume_multiple %mul3A_50, 8 : i32
        %dma_wait3A = tpu.memref_slice %arg3[%multiple_of3A_51] : memref<800000xi32, #tpu.memory_space<hbm>> -> memref<320xi32, #tpu.memory_space<hbm>>
        %dma_wait3A_52 = tpu.memref_slice %arg3[%multiple_of3A_51] : memref<800000xi32, #tpu.memory_space<hbm>> -> memref<320xi32, #tpu.memory_space<hbm>>
        tpu.wait_dma2 semaphore(%arg15 : memref<!tpu.dma_semaphore, #tpu.memory_space<semaphore_mem>>) src(%dma_wait3A_52 : memref<320xi32, #tpu.memory_space<hbm>>) dst(%arg8 : memref<320xi32, #tpu.memory_space<vmem>>)
        %dma_wait3A_53 = tpu.memref_slice %arg4[%multiple_of3A_51] : memref<800000xi32, #tpu.memory_space<hbm>> -> memref<320xi32, #tpu.memory_space<hbm>>
        %dma_wait3A_54 = tpu.memref_slice %arg4[%multiple_of3A_51] : memref<800000xi32, #tpu.memory_space<hbm>> -> memref<320xi32, #tpu.memory_space<hbm>>
        tpu.wait_dma2 semaphore(%arg15 : memref<!tpu.dma_semaphore, #tpu.memory_space<semaphore_mem>>) src(%dma_wait3A_54 : memref<320xi32, #tpu.memory_space<hbm>>) dst(%arg10 : memref<320xi32, #tpu.memory_space<vmem>>)
        %dma_wait3A_55 = tpu.memref_slice %arg5[%multiple_of3A_51] : memref<800000xi32, #tpu.memory_space<hbm>> -> memref<320xi32, #tpu.memory_space<hbm>>
        %dma_wait3A_56 = tpu.memref_slice %arg5[%multiple_of3A_51] : memref<800000xi32, #tpu.memory_space<hbm>> -> memref<320xi32, #tpu.memory_space<hbm>>
        tpu.wait_dma2 semaphore(%arg15 : memref<!tpu.dma_semaphore, #tpu.memory_space<semaphore_mem>>) src(%dma_wait3A_56 : memref<320xi32, #tpu.memory_space<hbm>>) dst(%arg12 : memref<320xi32, #tpu.memory_space<vmem>>)
        %add3A_57 = arith.constant 32 : i32
        %add3A_58 = arith.addi %add3A_31, %add3A_57 : i32
        %lt3A_59 = arith.constant 2500 : i32
        %lt3A_60 = arith.cmpi slt, %add3A_58, %lt3A_59 : i32
        %convert_element_type3A_61 = arith.extui %lt3A_60 : i1 to i32
        %cond3A_62 = arith.constant 0 : i32
        %cond3A_63 = arith.cmpi ne, %convert_element_type3A_61, %cond3A_62 : i32
        scf.if %cond3A_63 {
          %add3A_91 = arith.constant 32 : i32
          %add3A_92 = arith.addi %add3A_31, %add3A_91 : i32
          %mul3A_93 = arith.constant 320 : i32
          %mul3A_94 = arith.muli %add3A_92, %mul3A_93 : i32
          %multiple_of3A_95 = tpu.assume_multiple %mul3A_94, 8 : i32
          %dma_start3A_96 = tpu.memref_slice %arg3[%multiple_of3A_95] : memref<800000xi32, #tpu.memory_space<hbm>> -> memref<320xi32, #tpu.memory_space<hbm>>
          %dma_start3A_97 = tpu.memref_slice %arg3[%multiple_of3A_95] : memref<800000xi32, #tpu.memory_space<hbm>> -> memref<320xi32, #tpu.memory_space<hbm>>
          tpu.enqueue_dma source(%dma_start3A_97 : memref<320xi32, #tpu.memory_space<hbm>>) target(%arg9 : memref<320xi32, #tpu.memory_space<vmem>>) target_semaphore(%arg16 : memref<!tpu.dma_semaphore, #tpu.memory_space<semaphore_mem>>)
          %dma_start3A_98 = tpu.memref_slice %arg4[%multiple_of3A_95] : memref<800000xi32, #tpu.memory_space<hbm>> -> memref<320xi32, #tpu.memory_space<hbm>>
          %dma_start3A_99 = tpu.memref_slice %arg4[%multiple_of3A_95] : memref<800000xi32, #tpu.memory_space<hbm>> -> memref<320xi32, #tpu.memory_space<hbm>>
          tpu.enqueue_dma source(%dma_start3A_99 : memref<320xi32, #tpu.memory_space<hbm>>) target(%arg11 : memref<320xi32, #tpu.memory_space<vmem>>) target_semaphore(%arg16 : memref<!tpu.dma_semaphore, #tpu.memory_space<semaphore_mem>>)
          %dma_start3A_100 = tpu.memref_slice %arg5[%multiple_of3A_95] : memref<800000xi32, #tpu.memory_space<hbm>> -> memref<320xi32, #tpu.memory_space<hbm>>
          %dma_start3A_101 = tpu.memref_slice %arg5[%multiple_of3A_95] : memref<800000xi32, #tpu.memory_space<hbm>> -> memref<320xi32, #tpu.memory_space<hbm>>
          tpu.enqueue_dma source(%dma_start3A_101 : memref<320xi32, #tpu.memory_space<hbm>>) target(%arg13 : memref<320xi32, #tpu.memory_space<vmem>>) target_semaphore(%arg16 : memref<!tpu.dma_semaphore, #tpu.memory_space<semaphore_mem>>)
        } else {
        }
        %ge3A = arith.constant 2 : i32
        %ge3A_64 = arith.cmpi sge, %add3A_28, %ge3A : i32
        %convert_element_type3A_65 = arith.extui %ge3A_64 : i1 to i32
        %cond3A_66 = arith.constant 0 : i32
        %cond3A_67 = arith.cmpi ne, %convert_element_type3A_65, %cond3A_66 : i32
        scf.if %cond3A_67 {
          %sub3A = arith.constant 64 : i32
          %sub3A_91 = arith.subi %add3A_31, %sub3A : i32
          %mul3A_92 = arith.constant 320 : i32
          %mul3A_93 = arith.muli %sub3A_91, %mul3A_92 : i32
          %multiple_of3A_94 = tpu.assume_multiple %mul3A_93, 8 : i32
          %dma_wait3A_95 = arith.constant 0 : i32
          %dma_wait3A_96 = arith.constant 0 : i32
          %dma_wait3A_97 = arith.constant 0 : i32
          %dma_wait3A_98 = tpu.memref_slice %arg14[%dma_wait3A_95, %dma_wait3A_96, %dma_wait3A_97] : memref<2x320x64xf32, #tpu.memory_space<vmem>> -> memref<1x320x64xf32, #tpu.memory_space<vmem>>
          %dma_wait3A_99 = tpu.memref_squeeze %dma_wait3A_98 : memref<1x320x64xf32, #tpu.memory_space<vmem>> -> memref<320x64xf32, #tpu.memory_space<vmem>>
          %dma_wait3A_100 = arith.constant 0 : i32
          %dma_wait3A_101 = tpu.memref_slice %arg6[%multiple_of3A_94, %dma_wait3A_100] : memref<800000x64xf32, #tpu.memory_space<hbm>> -> memref<320x64xf32, #tpu.memory_space<hbm>>
          %dma_wait3A_102 = arith.constant 0 : i32
          %dma_wait3A_103 = tpu.memref_slice %arg6[%multiple_of3A_94, %dma_wait3A_102] : memref<800000x64xf32, #tpu.memory_space<hbm>> -> memref<320x64xf32, #tpu.memory_space<hbm>>
          %dma_wait3A_104 = arith.constant 0 : i32
          %dma_wait3A_105 = arith.constant 0 : i32
          %dma_wait3A_106 = tpu.memref_slice %arg14[%dma_wait3A_95, %dma_wait3A_104, %dma_wait3A_105] : memref<2x320x64xf32, #tpu.memory_space<vmem>> -> memref<1x320x64xf32, #tpu.memory_space<vmem>>
          %dma_wait3A_107 = tpu.memref_squeeze %dma_wait3A_106 : memref<1x320x64xf32, #tpu.memory_space<vmem>> -> memref<320x64xf32, #tpu.memory_space<vmem>>
          tpu.wait_dma2 semaphore(%arg17 : memref<!tpu.dma_semaphore, #tpu.memory_space<semaphore_mem>>) src(%dma_wait3A_107 : memref<320x64xf32, #tpu.memory_space<vmem>>) dst(%dma_wait3A_103 : memref<320x64xf32, #tpu.memory_space<hbm>>)
        } else {
        }
        %scan3A_68 = arith.constant 0 : i32
        %scan3A_69 = arith.constant 0 : i32
        %scan3A_70 = arith.constant 0 : i32
        %scan3A_71 = arith.constant 20 : i32
        %scan3A_72 = arith.addi %scan3A_70, %scan3A_71 : i32
        %scan3A_73 = arith.constant 1 : i32
        scf.for %scan3A_91 = %scan3A_70 to %scan3A_72 step %scan3A_73  : i32 {
          %mul3A_92 = arith.constant 16 : i32
          %mul3A_93 = arith.muli %scan3A_91, %mul3A_92 : i32
          %multiple_of3A_94 = tpu.assume_multiple %mul3A_93, 16 : i32
          %get3A = arith.index_cast %multiple_of3A_94 : i32 to index
          %get3A_95 = tpu.vector_load %arg8[%get3A] {strides = array<i32>} : memref<320xi32, #tpu.memory_space<vmem>>, vector<16xi32>,
          %jit3A = arith.constant 0 : i32
          %jit3A_96 = arith.constant 5 : i32
          %max3A = vector.broadcast %jit3A : i32 to vector<16xi32>
          %max3A_97 = arith.maxsi %max3A, %get3A_95 : vector<16xi32>
          %min3A = vector.broadcast %jit3A_96 : i32 to vector<16xi32>
          %min3A_98 = arith.minsi %min3A, %max3A_97 : vector<16xi32>
          %get3A_99 = arith.index_cast %multiple_of3A_94 : i32 to index
          %get3A_100 = tpu.vector_load %arg10[%get3A_99] {strides = array<i32>} : memref<320xi32, #tpu.memory_space<vmem>>, vector<16xi32>,
          %jit3A_101 = arith.constant 0 : i32
          %jit3A_102 = arith.constant 6 : i32
          %max3A_103 = vector.broadcast %jit3A_101 : i32 to vector<16xi32>
          %max3A_104 = arith.maxsi %max3A_103, %get3A_100 : vector<16xi32>
          %min3A_105 = vector.broadcast %jit3A_102 : i32 to vector<16xi32>
          %min3A_106 = arith.minsi %min3A_105, %max3A_104 : vector<16xi32>
          %get3A_107 = arith.index_cast %multiple_of3A_94 : i32 to index
          %get3A_108 = tpu.vector_load %arg12[%get3A_107] {strides = array<i32>} : memref<320xi32, #tpu.memory_space<vmem>>, vector<16xi32>,
          %jit3A_109 = arith.constant 0 : i32
          %jit3A_110 = arith.constant 2 : i32
          %max3A_111 = vector.broadcast %jit3A_109 : i32 to vector<16xi32>
          %max3A_112 = arith.maxsi %max3A_111, %get3A_108 : vector<16xi32>
          %min3A_113 = vector.broadcast %jit3A_110 : i32 to vector<16xi32>
          %min3A_114 = arith.minsi %min3A_113, %max3A_112 : vector<16xi32>
          %mul3A_115 = arith.constant 6 : i32
          %mul3A_116 = vector.broadcast %mul3A_115 : i32 to vector<16xi32>
          %mul3A_117 = arith.muli %min3A_106, %mul3A_116 : vector<16xi32>
          %add3A_118 = arith.addi %min3A_98, %mul3A_117 : vector<16xi32>
          %mul3A_119 = arith.constant 42 : i32
          %mul3A_120 = vector.broadcast %mul3A_119 : i32 to vector<16xi32>
          %mul3A_121 = arith.muli %min3A_114, %mul3A_120 : vector<16xi32>
          %add3A_122 = arith.addi %add3A_118, %mul3A_121 : vector<16xi32>
          %mul3A_123 = arith.constant 64 : i32
          %mul3A_124 = vector.broadcast %mul3A_123 : i32 to vector<16xi32>
          %mul3A_125 = arith.muli %add3A_122, %mul3A_124 : vector<16xi32>
          %add3A_126 = vector.broadcast %multiple_of3A_94 : i32 to vector<16xi32>
          %add3A_127 = arith.addi %add3A_126, %iota3A : vector<16xi32>
          %add3A_128 = arith.constant 0 : i32
          %add3A_129 = vector.broadcast %add3A_128 : i32 to vector<16xi32>
          %add3A_130 = arith.addi %iota3A, %add3A_129 : vector<16xi32>
          %and3A = arith.constant 63 : i32
          %and3A_131 = vector.broadcast %and3A : i32 to vector<16xi32>
          %and3A_132 = arith.andi %add3A_130, %and3A_131 : vector<16xi32>
          %add3A_133 = arith.constant 1 : i32
          %add3A_134 = vector.broadcast %add3A_133 : i32 to vector<16xi32>
          %add3A_135 = arith.addi %iota3A, %add3A_134 : vector<16xi32>
          %and3A_136 = arith.constant 63 : i32
          %and3A_137 = vector.broadcast %and3A_136 : i32 to vector<16xi32>
          %and3A_138 = arith.andi %add3A_135, %and3A_137 : vector<16xi32>
          %add3A_139 = arith.constant 2 : i32
          %add3A_140 = vector.broadcast %add3A_139 : i32 to vector<16xi32>
          %add3A_141 = arith.addi %iota3A, %add3A_140 : vector<16xi32>
          %and3A_142 = arith.constant 63 : i32
          %and3A_143 = vector.broadcast %and3A_142 : i32 to vector<16xi32>
          %and3A_144 = arith.andi %add3A_141, %and3A_143 : vector<16xi32>
          %add3A_145 = arith.constant 3 : i32
          %add3A_146 = vector.broadcast %add3A_145 : i32 to vector<16xi32>
          %add3A_147 = arith.addi %iota3A, %add3A_146 : vector<16xi32>
          %and3A_148 = arith.constant 63 : i32
          %and3A_149 = vector.broadcast %and3A_148 : i32 to vector<16xi32>
          %and3A_150 = arith.andi %add3A_147, %and3A_149 : vector<16xi32>
          %add3A_151 = arith.constant 4 : i32
          %add3A_152 = vector.broadcast %add3A_151 : i32 to vector<16xi32>
          %add3A_153 = arith.addi %iota3A, %add3A_152 : vector<16xi32>
          %and3A_154 = arith.constant 63 : i32
          %and3A_155 = vector.broadcast %and3A_154 : i32 to vector<16xi32>
          %and3A_156 = arith.andi %add3A_153, %and3A_155 : vector<16xi32>
          %add3A_157 = arith.constant 5 : i32
          %add3A_158 = vector.broadcast %add3A_157 : i32 to vector<16xi32>
          %add3A_159 = arith.addi %iota3A, %add3A_158 : vector<16xi32>
          %and3A_160 = arith.constant 63 : i32
          %and3A_161 = vector.broadcast %and3A_160 : i32 to vector<16xi32>
          %and3A_162 = arith.andi %add3A_159, %and3A_161 : vector<16xi32>
          %add3A_163 = arith.constant 6 : i32
          %add3A_164 = vector.broadcast %add3A_163 : i32 to vector<16xi32>
          %add3A_165 = arith.addi %iota3A, %add3A_164 : vector<16xi32>
          %and3A_166 = arith.constant 63 : i32
          %and3A_167 = vector.broadcast %and3A_166 : i32 to vector<16xi32>
          %and3A_168 = arith.andi %add3A_165, %and3A_167 : vector<16xi32>
          %add3A_169 = arith.constant 7 : i32
          %add3A_170 = vector.broadcast %add3A_169 : i32 to vector<16xi32>
          %add3A_171 = arith.addi %iota3A, %add3A_170 : vector<16xi32>
          %and3A_172 = arith.constant 63 : i32
          %and3A_173 = vector.broadcast %and3A_172 : i32 to vector<16xi32>
          %and3A_174 = arith.andi %add3A_171, %and3A_173 : vector<16xi32>
          %add3A_175 = arith.constant 8 : i32
          %add3A_176 = vector.broadcast %add3A_175 : i32 to vector<16xi32>
          %add3A_177 = arith.addi %iota3A, %add3A_176 : vector<16xi32>
          %and3A_178 = arith.constant 63 : i32
          %and3A_179 = vector.broadcast %and3A_178 : i32 to vector<16xi32>
          %and3A_180 = arith.andi %add3A_177, %and3A_179 : vector<16xi32>
          %add3A_181 = arith.constant 9 : i32
          %add3A_182 = vector.broadcast %add3A_181 : i32 to vector<16xi32>
          %add3A_183 = arith.addi %iota3A, %add3A_182 : vector<16xi32>
          %and3A_184 = arith.constant 63 : i32
          %and3A_185 = vector.broadcast %and3A_184 : i32 to vector<16xi32>
          %and3A_186 = arith.andi %add3A_183, %and3A_185 : vector<16xi32>
          %add3A_187 = arith.constant 10 : i32
          %add3A_188 = vector.broadcast %add3A_187 : i32 to vector<16xi32>
          %add3A_189 = arith.addi %iota3A, %add3A_188 : vector<16xi32>
          %and3A_190 = arith.constant 63 : i32
          %and3A_191 = vector.broadcast %and3A_190 : i32 to vector<16xi32>
          %and3A_192 = arith.andi %add3A_189, %and3A_191 : vector<16xi32>
          %add3A_193 = arith.constant 11 : i32
          %add3A_194 = vector.broadcast %add3A_193 : i32 to vector<16xi32>
          %add3A_195 = arith.addi %iota3A, %add3A_194 : vector<16xi32>
          %and3A_196 = arith.constant 63 : i32
          %and3A_197 = vector.broadcast %and3A_196 : i32 to vector<16xi32>
          %and3A_198 = arith.andi %add3A_195, %and3A_197 : vector<16xi32>
          %add3A_199 = arith.constant 12 : i32
          %add3A_200 = vector.broadcast %add3A_199 : i32 to vector<16xi32>
          %add3A_201 = arith.addi %iota3A, %add3A_200 : vector<16xi32>
          %and3A_202 = arith.constant 63 : i32
          %and3A_203 = vector.broadcast %and3A_202 : i32 to vector<16xi32>
          %and3A_204 = arith.andi %add3A_201, %and3A_203 : vector<16xi32>
          %add3A_205 = arith.constant 13 : i32
          %add3A_206 = vector.broadcast %add3A_205 : i32 to vector<16xi32>
          %add3A_207 = arith.addi %iota3A, %add3A_206 : vector<16xi32>
          %and3A_208 = arith.constant 63 : i32
          %and3A_209 = vector.broadcast %and3A_208 : i32 to vector<16xi32>
          %and3A_210 = arith.andi %add3A_207, %and3A_209 : vector<16xi32>
          %add3A_211 = arith.constant 14 : i32
          %add3A_212 = vector.broadcast %add3A_211 : i32 to vector<16xi32>
          %add3A_213 = arith.addi %iota3A, %add3A_212 : vector<16xi32>
          %and3A_214 = arith.constant 63 : i32
          %and3A_215 = vector.broadcast %and3A_214 : i32 to vector<16xi32>
          %and3A_216 = arith.andi %add3A_213, %and3A_215 : vector<16xi32>
          %add3A_217 = arith.constant 15 : i32
          %add3A_218 = vector.broadcast %add3A_217 : i32 to vector<16xi32>
          %add3A_219 = arith.addi %iota3A, %add3A_218 : vector<16xi32>
          %and3A_220 = arith.constant 63 : i32
          %and3A_221 = vector.broadcast %and3A_220 : i32 to vector<16xi32>
          %and3A_222 = arith.andi %add3A_219, %and3A_221 : vector<16xi32>
          %add3A_223 = arith.addi %mul3A_125, %and3A_132 : vector<16xi32>
          %gather3A = tpu.vector_load_idx %arg7[%add3A_223] : memref<8064xf32, #tpu.memory_space<vmem>>[vector<16xi32>], vector<16xf32>,
          %add3A_224 = arith.addi %mul3A_125, %and3A_138 : vector<16xi32>
          %gather3A_225 = tpu.vector_load_idx %arg7[%add3A_224] : memref<8064xf32, #tpu.memory_space<vmem>>[vector<16xi32>], vector<16xf32>,
          %add3A_226 = arith.addi %mul3A_125, %and3A_144 : vector<16xi32>
          %gather3A_227 = tpu.vector_load_idx %arg7[%add3A_226] : memref<8064xf32, #tpu.memory_space<vmem>>[vector<16xi32>], vector<16xf32>,
          %add3A_228 = arith.addi %mul3A_125, %and3A_150 : vector<16xi32>
          %gather3A_229 = tpu.vector_load_idx %arg7[%add3A_228] : memref<8064xf32, #tpu.memory_space<vmem>>[vector<16xi32>], vector<16xf32>,
          %add3A_230 = arith.addi %mul3A_125, %and3A_156 : vector<16xi32>
          %gather3A_231 = tpu.vector_load_idx %arg7[%add3A_230] : memref<8064xf32, #tpu.memory_space<vmem>>[vector<16xi32>], vector<16xf32>,
          %add3A_232 = arith.addi %mul3A_125, %and3A_162 : vector<16xi32>
          %gather3A_233 = tpu.vector_load_idx %arg7[%add3A_232] : memref<8064xf32, #tpu.memory_space<vmem>>[vector<16xi32>], vector<16xf32>,
          %add3A_234 = arith.addi %mul3A_125, %and3A_168 : vector<16xi32>
          %gather3A_235 = tpu.vector_load_idx %arg7[%add3A_234] : memref<8064xf32, #tpu.memory_space<vmem>>[vector<16xi32>], vector<16xf32>,
          %add3A_236 = arith.addi %mul3A_125, %and3A_174 : vector<16xi32>
          %gather3A_237 = tpu.vector_load_idx %arg7[%add3A_236] : memref<8064xf32, #tpu.memory_space<vmem>>[vector<16xi32>], vector<16xf32>,
          %add3A_238 = arith.addi %mul3A_125, %and3A_180 : vector<16xi32>
          %gather3A_239 = tpu.vector_load_idx %arg7[%add3A_238] : memref<8064xf32, #tpu.memory_space<vmem>>[vector<16xi32>], vector<16xf32>,
          %add3A_240 = arith.addi %mul3A_125, %and3A_186 : vector<16xi32>
          %gather3A_241 = tpu.vector_load_idx %arg7[%add3A_240] : memref<8064xf32, #tpu.memory_space<vmem>>[vector<16xi32>], vector<16xf32>,
          %add3A_242 = arith.addi %mul3A_125, %and3A_192 : vector<16xi32>
          %gather3A_243 = tpu.vector_load_idx %arg7[%add3A_242] : memref<8064xf32, #tpu.memory_space<vmem>>[vector<16xi32>], vector<16xf32>,
          %add3A_244 = arith.addi %mul3A_125, %and3A_198 : vector<16xi32>
          %gather3A_245 = tpu.vector_load_idx %arg7[%add3A_244] : memref<8064xf32, #tpu.memory_space<vmem>>[vector<16xi32>], vector<16xf32>,
          %add3A_246 = arith.addi %mul3A_125, %and3A_204 : vector<16xi32>
          %gather3A_247 = tpu.vector_load_idx %arg7[%add3A_246] : memref<8064xf32, #tpu.memory_space<vmem>>[vector<16xi32>], vector<16xf32>,
          %add3A_248 = arith.addi %mul3A_125, %and3A_210 : vector<16xi32>
          %gather3A_249 = tpu.vector_load_idx %arg7[%add3A_248] : memref<8064xf32, #tpu.memory_space<vmem>>[vector<16xi32>], vector<16xf32>,
          %add3A_250 = arith.addi %mul3A_125, %and3A_216 : vector<16xi32>
          %gather3A_251 = tpu.vector_load_idx %arg7[%add3A_250] : memref<8064xf32, #tpu.memory_space<vmem>>[vector<16xi32>], vector<16xf32>,
          %add3A_252 = arith.addi %mul3A_125, %and3A_222 : vector<16xi32>
          %gather3A_253 = tpu.vector_load_idx %arg7[%add3A_252] : memref<8064xf32, #tpu.memory_space<vmem>>[vector<16xi32>], vector<16xf32>,
          %scatter3A = arith.constant 0 : i32
          %scatter3A_254 = arith.constant 0 : i32
          %scatter3A_255 = tpu.memref_slice %arg14[%scan3A_69, %scatter3A, %scatter3A_254] : memref<2x320x64xf32, #tpu.memory_space<vmem>> -> memref<1x320x64xf32, #tpu.memory_space<vmem>>
          %scatter3A_256 = tpu.memref_squeeze %scatter3A_255 : memref<1x320x64xf32, #tpu.memory_space<vmem>> -> memref<320x64xf32, #tpu.memory_space<vmem>>
          tpu.vector_store_idx %scatter3A_256[%add3A_127, %and3A_132], %gather3A : memref<320x64xf32, #tpu.memory_space<vmem>>[vector<16xi32>, vector<16xi32>], vector<16xf32>,
          %scatter3A_257 = arith.constant 0 : i32
          %scatter3A_258 = arith.constant 0 : i32
          %scatter3A_259 = tpu.memref_slice %arg14[%scan3A_69, %scatter3A_257, %scatter3A_258] : memref<2x320x64xf32, #tpu.memory_space<vmem>> -> memref<1x320x64xf32, #tpu.memory_space<vmem>>
          %scatter3A_260 = tpu.memref_squeeze %scatter3A_259 : memref<1x320x64xf32, #tpu.memory_space<vmem>> -> memref<320x64xf32, #tpu.memory_space<vmem>>
          tpu.vector_store_idx %scatter3A_260[%add3A_127, %and3A_138], %gather3A_225 : memref<320x64xf32, #tpu.memory_space<vmem>>[vector<16xi32>, vector<16xi32>], vector<16xf32>,
          %scatter3A_261 = arith.constant 0 : i32
          %scatter3A_262 = arith.constant 0 : i32
          %scatter3A_263 = tpu.memref_slice %arg14[%scan3A_69, %scatter3A_261, %scatter3A_262] : memref<2x320x64xf32, #tpu.memory_space<vmem>> -> memref<1x320x64xf32, #tpu.memory_space<vmem>>
          %scatter3A_264 = tpu.memref_squeeze %scatter3A_263 : memref<1x320x64xf32, #tpu.memory_space<vmem>> -> memref<320x64xf32, #tpu.memory_space<vmem>>
          tpu.vector_store_idx %scatter3A_264[%add3A_127, %and3A_144], %gather3A_227 : memref<320x64xf32, #tpu.memory_space<vmem>>[vector<16xi32>, vector<16xi32>], vector<16xf32>,
          %scatter3A_265 = arith.constant 0 : i32
          %scatter3A_266 = arith.constant 0 : i32
          %scatter3A_267 = tpu.memref_slice %arg14[%scan3A_69, %scatter3A_265, %scatter3A_266] : memref<2x320x64xf32, #tpu.memory_space<vmem>> -> memref<1x320x64xf32, #tpu.memory_space<vmem>>
          %scatter3A_268 = tpu.memref_squeeze %scatter3A_267 : memref<1x320x64xf32, #tpu.memory_space<vmem>> -> memref<320x64xf32, #tpu.memory_space<vmem>>
          tpu.vector_store_idx %scatter3A_268[%add3A_127, %and3A_150], %gather3A_229 : memref<320x64xf32, #tpu.memory_space<vmem>>[vector<16xi32>, vector<16xi32>], vector<16xf32>,
          %scatter3A_269 = arith.constant 0 : i32
          %scatter3A_270 = arith.constant 0 : i32
          %scatter3A_271 = tpu.memref_slice %arg14[%scan3A_69, %scatter3A_269, %scatter3A_270] : memref<2x320x64xf32, #tpu.memory_space<vmem>> -> memref<1x320x64xf32, #tpu.memory_space<vmem>>
          %scatter3A_272 = tpu.memref_squeeze %scatter3A_271 : memref<1x320x64xf32, #tpu.memory_space<vmem>> -> memref<320x64xf32, #tpu.memory_space<vmem>>
          tpu.vector_store_idx %scatter3A_272[%add3A_127, %and3A_156], %gather3A_231 : memref<320x64xf32, #tpu.memory_space<vmem>>[vector<16xi32>, vector<16xi32>], vector<16xf32>,
          %scatter3A_273 = arith.constant 0 : i32
          %scatter3A_274 = arith.constant 0 : i32
          %scatter3A_275 = tpu.memref_slice %arg14[%scan3A_69, %scatter3A_273, %scatter3A_274] : memref<2x320x64xf32, #tpu.memory_space<vmem>> -> memref<1x320x64xf32, #tpu.memory_space<vmem>>
          %scatter3A_276 = tpu.memref_squeeze %scatter3A_275 : memref<1x320x64xf32, #tpu.memory_space<vmem>> -> memref<320x64xf32, #tpu.memory_space<vmem>>
          tpu.vector_store_idx %scatter3A_276[%add3A_127, %and3A_162], %gather3A_233 : memref<320x64xf32, #tpu.memory_space<vmem>>[vector<16xi32>, vector<16xi32>], vector<16xf32>,
          %scatter3A_277 = arith.constant 0 : i32
          %scatter3A_278 = arith.constant 0 : i32
          %scatter3A_279 = tpu.memref_slice %arg14[%scan3A_69, %scatter3A_277, %scatter3A_278] : memref<2x320x64xf32, #tpu.memory_space<vmem>> -> memref<1x320x64xf32, #tpu.memory_space<vmem>>
          %scatter3A_280 = tpu.memref_squeeze %scatter3A_279 : memref<1x320x64xf32, #tpu.memory_space<vmem>> -> memref<320x64xf32, #tpu.memory_space<vmem>>
          tpu.vector_store_idx %scatter3A_280[%add3A_127, %and3A_168], %gather3A_235 : memref<320x64xf32, #tpu.memory_space<vmem>>[vector<16xi32>, vector<16xi32>], vector<16xf32>,
          %scatter3A_281 = arith.constant 0 : i32
          %scatter3A_282 = arith.constant 0 : i32
          %scatter3A_283 = tpu.memref_slice %arg14[%scan3A_69, %scatter3A_281, %scatter3A_282] : memref<2x320x64xf32, #tpu.memory_space<vmem>> -> memref<1x320x64xf32, #tpu.memory_space<vmem>>
          %scatter3A_284 = tpu.memref_squeeze %scatter3A_283 : memref<1x320x64xf32, #tpu.memory_space<vmem>> -> memref<320x64xf32, #tpu.memory_space<vmem>>
          tpu.vector_store_idx %scatter3A_284[%add3A_127, %and3A_174], %gather3A_237 : memref<320x64xf32, #tpu.memory_space<vmem>>[vector<16xi32>, vector<16xi32>], vector<16xf32>,
          %scatter3A_285 = arith.constant 0 : i32
          %scatter3A_286 = arith.constant 0 : i32
          %scatter3A_287 = tpu.memref_slice %arg14[%scan3A_69, %scatter3A_285, %scatter3A_286] : memref<2x320x64xf32, #tpu.memory_space<vmem>> -> memref<1x320x64xf32, #tpu.memory_space<vmem>>
          %scatter3A_288 = tpu.memref_squeeze %scatter3A_287 : memref<1x320x64xf32, #tpu.memory_space<vmem>> -> memref<320x64xf32, #tpu.memory_space<vmem>>
          tpu.vector_store_idx %scatter3A_288[%add3A_127, %and3A_180], %gather3A_239 : memref<320x64xf32, #tpu.memory_space<vmem>>[vector<16xi32>, vector<16xi32>], vector<16xf32>,
          %scatter3A_289 = arith.constant 0 : i32
          %scatter3A_290 = arith.constant 0 : i32
          %scatter3A_291 = tpu.memref_slice %arg14[%scan3A_69, %scatter3A_289, %scatter3A_290] : memref<2x320x64xf32, #tpu.memory_space<vmem>> -> memref<1x320x64xf32, #tpu.memory_space<vmem>>
          %scatter3A_292 = tpu.memref_squeeze %scatter3A_291 : memref<1x320x64xf32, #tpu.memory_space<vmem>> -> memref<320x64xf32, #tpu.memory_space<vmem>>
          tpu.vector_store_idx %scatter3A_292[%add3A_127, %and3A_186], %gather3A_241 : memref<320x64xf32, #tpu.memory_space<vmem>>[vector<16xi32>, vector<16xi32>], vector<16xf32>,
          %scatter3A_293 = arith.constant 0 : i32
          %scatter3A_294 = arith.constant 0 : i32
          %scatter3A_295 = tpu.memref_slice %arg14[%scan3A_69, %scatter3A_293, %scatter3A_294] : memref<2x320x64xf32, #tpu.memory_space<vmem>> -> memref<1x320x64xf32, #tpu.memory_space<vmem>>
          %scatter3A_296 = tpu.memref_squeeze %scatter3A_295 : memref<1x320x64xf32, #tpu.memory_space<vmem>> -> memref<320x64xf32, #tpu.memory_space<vmem>>
          tpu.vector_store_idx %scatter3A_296[%add3A_127, %and3A_192], %gather3A_243 : memref<320x64xf32, #tpu.memory_space<vmem>>[vector<16xi32>, vector<16xi32>], vector<16xf32>,
          %scatter3A_297 = arith.constant 0 : i32
          %scatter3A_298 = arith.constant 0 : i32
          %scatter3A_299 = tpu.memref_slice %arg14[%scan3A_69, %scatter3A_297, %scatter3A_298] : memref<2x320x64xf32, #tpu.memory_space<vmem>> -> memref<1x320x64xf32, #tpu.memory_space<vmem>>
          %scatter3A_300 = tpu.memref_squeeze %scatter3A_299 : memref<1x320x64xf32, #tpu.memory_space<vmem>> -> memref<320x64xf32, #tpu.memory_space<vmem>>
          tpu.vector_store_idx %scatter3A_300[%add3A_127, %and3A_198], %gather3A_245 : memref<320x64xf32, #tpu.memory_space<vmem>>[vector<16xi32>, vector<16xi32>], vector<16xf32>,
          %scatter3A_301 = arith.constant 0 : i32
          %scatter3A_302 = arith.constant 0 : i32
          %scatter3A_303 = tpu.memref_slice %arg14[%scan3A_69, %scatter3A_301, %scatter3A_302] : memref<2x320x64xf32, #tpu.memory_space<vmem>> -> memref<1x320x64xf32, #tpu.memory_space<vmem>>
          %scatter3A_304 = tpu.memref_squeeze %scatter3A_303 : memref<1x320x64xf32, #tpu.memory_space<vmem>> -> memref<320x64xf32, #tpu.memory_space<vmem>>
          tpu.vector_store_idx %scatter3A_304[%add3A_127, %and3A_204], %gather3A_247 : memref<320x64xf32, #tpu.memory_space<vmem>>[vector<16xi32>, vector<16xi32>], vector<16xf32>,
          %scatter3A_305 = arith.constant 0 : i32
          %scatter3A_306 = arith.constant 0 : i32
          %scatter3A_307 = tpu.memref_slice %arg14[%scan3A_69, %scatter3A_305, %scatter3A_306] : memref<2x320x64xf32, #tpu.memory_space<vmem>> -> memref<1x320x64xf32, #tpu.memory_space<vmem>>
          %scatter3A_308 = tpu.memref_squeeze %scatter3A_307 : memref<1x320x64xf32, #tpu.memory_space<vmem>> -> memref<320x64xf32, #tpu.memory_space<vmem>>
          tpu.vector_store_idx %scatter3A_308[%add3A_127, %and3A_210], %gather3A_249 : memref<320x64xf32, #tpu.memory_space<vmem>>[vector<16xi32>, vector<16xi32>], vector<16xf32>,
          %scatter3A_309 = arith.constant 0 : i32
          %scatter3A_310 = arith.constant 0 : i32
          %scatter3A_311 = tpu.memref_slice %arg14[%scan3A_69, %scatter3A_309, %scatter3A_310] : memref<2x320x64xf32, #tpu.memory_space<vmem>> -> memref<1x320x64xf32, #tpu.memory_space<vmem>>
          %scatter3A_312 = tpu.memref_squeeze %scatter3A_311 : memref<1x320x64xf32, #tpu.memory_space<vmem>> -> memref<320x64xf32, #tpu.memory_space<vmem>>
          tpu.vector_store_idx %scatter3A_312[%add3A_127, %and3A_216], %gather3A_251 : memref<320x64xf32, #tpu.memory_space<vmem>>[vector<16xi32>, vector<16xi32>], vector<16xf32>,
          %scatter3A_313 = arith.constant 0 : i32
          %scatter3A_314 = arith.constant 0 : i32
          %scatter3A_315 = tpu.memref_slice %arg14[%scan3A_69, %scatter3A_313, %scatter3A_314] : memref<2x320x64xf32, #tpu.memory_space<vmem>> -> memref<1x320x64xf32, #tpu.memory_space<vmem>>
          %scatter3A_316 = tpu.memref_squeeze %scatter3A_315 : memref<1x320x64xf32, #tpu.memory_space<vmem>> -> memref<320x64xf32, #tpu.memory_space<vmem>>
          tpu.vector_store_idx %scatter3A_316[%add3A_127, %and3A_222], %gather3A_253 : memref<320x64xf32, #tpu.memory_space<vmem>>[vector<16xi32>, vector<16xi32>], vector<16xf32>,
          %add3A_317 = arith.constant 16 : i32
          %add3A_318 = vector.broadcast %add3A_317 : i32 to vector<16xi32>
          %add3A_319 = arith.addi %iota3A, %add3A_318 : vector<16xi32>
          %and3A_320 = arith.constant 63 : i32
          %and3A_321 = vector.broadcast %and3A_320 : i32 to vector<16xi32>
          %and3A_322 = arith.andi %add3A_319, %and3A_321 : vector<16xi32>
          %add3A_323 = arith.constant 17 : i32
          %add3A_324 = vector.broadcast %add3A_323 : i32 to vector<16xi32>
          %add3A_325 = arith.addi %iota3A, %add3A_324 : vector<16xi32>
          %and3A_326 = arith.constant 63 : i32
          %and3A_327 = vector.broadcast %and3A_326 : i32 to vector<16xi32>
          %and3A_328 = arith.andi %add3A_325, %and3A_327 : vector<16xi32>
          %add3A_329 = arith.constant 18 : i32
          %add3A_330 = vector.broadcast %add3A_329 : i32 to vector<16xi32>
          %add3A_331 = arith.addi %iota3A, %add3A_330 : vector<16xi32>
          %and3A_332 = arith.constant 63 : i32
          %and3A_333 = vector.broadcast %and3A_332 : i32 to vector<16xi32>
          %and3A_334 = arith.andi %add3A_331, %and3A_333 : vector<16xi32>
          %add3A_335 = arith.constant 19 : i32
          %add3A_336 = vector.broadcast %add3A_335 : i32 to vector<16xi32>
          %add3A_337 = arith.addi %iota3A, %add3A_336 : vector<16xi32>
          %and3A_338 = arith.constant 63 : i32
          %and3A_339 = vector.broadcast %and3A_338 : i32 to vector<16xi32>
          %and3A_340 = arith.andi %add3A_337, %and3A_339 : vector<16xi32>
          %add3A_341 = arith.constant 20 : i32
          %add3A_342 = vector.broadcast %add3A_341 : i32 to vector<16xi32>
          %add3A_343 = arith.addi %iota3A, %add3A_342 : vector<16xi32>
          %and3A_344 = arith.constant 63 : i32
          %and3A_345 = vector.broadcast %and3A_344 : i32 to vector<16xi32>
          %and3A_346 = arith.andi %add3A_343, %and3A_345 : vector<16xi32>
          %add3A_347 = arith.constant 21 : i32
          %add3A_348 = vector.broadcast %add3A_347 : i32 to vector<16xi32>
          %add3A_349 = arith.addi %iota3A, %add3A_348 : vector<16xi32>
          %and3A_350 = arith.constant 63 : i32
          %and3A_351 = vector.broadcast %and3A_350 : i32 to vector<16xi32>
          %and3A_352 = arith.andi %add3A_349, %and3A_351 : vector<16xi32>
          %add3A_353 = arith.constant 22 : i32
          %add3A_354 = vector.broadcast %add3A_353 : i32 to vector<16xi32>
          %add3A_355 = arith.addi %iota3A, %add3A_354 : vector<16xi32>
          %and3A_356 = arith.constant 63 : i32
          %and3A_357 = vector.broadcast %and3A_356 : i32 to vector<16xi32>
          %and3A_358 = arith.andi %add3A_355, %and3A_357 : vector<16xi32>
          %add3A_359 = arith.constant 23 : i32
          %add3A_360 = vector.broadcast %add3A_359 : i32 to vector<16xi32>
          %add3A_361 = arith.addi %iota3A, %add3A_360 : vector<16xi32>
          %and3A_362 = arith.constant 63 : i32
          %and3A_363 = vector.broadcast %and3A_362 : i32 to vector<16xi32>
          %and3A_364 = arith.andi %add3A_361, %and3A_363 : vector<16xi32>
          %add3A_365 = arith.constant 24 : i32
          %add3A_366 = vector.broadcast %add3A_365 : i32 to vector<16xi32>
          %add3A_367 = arith.addi %iota3A, %add3A_366 : vector<16xi32>
          %and3A_368 = arith.constant 63 : i32
          %and3A_369 = vector.broadcast %and3A_368 : i32 to vector<16xi32>
          %and3A_370 = arith.andi %add3A_367, %and3A_369 : vector<16xi32>
          %add3A_371 = arith.constant 25 : i32
          %add3A_372 = vector.broadcast %add3A_371 : i32 to vector<16xi32>
          %add3A_373 = arith.addi %iota3A, %add3A_372 : vector<16xi32>
          %and3A_374 = arith.constant 63 : i32
          %and3A_375 = vector.broadcast %and3A_374 : i32 to vector<16xi32>
          %and3A_376 = arith.andi %add3A_373, %and3A_375 : vector<16xi32>
          %add3A_377 = arith.constant 26 : i32
          %add3A_378 = vector.broadcast %add3A_377 : i32 to vector<16xi32>
          %add3A_379 = arith.addi %iota3A, %add3A_378 : vector<16xi32>
          %and3A_380 = arith.constant 63 : i32
          %and3A_381 = vector.broadcast %and3A_380 : i32 to vector<16xi32>
          %and3A_382 = arith.andi %add3A_379, %and3A_381 : vector<16xi32>
          %add3A_383 = arith.constant 27 : i32
          %add3A_384 = vector.broadcast %add3A_383 : i32 to vector<16xi32>
          %add3A_385 = arith.addi %iota3A, %add3A_384 : vector<16xi32>
          %and3A_386 = arith.constant 63 : i32
          %and3A_387 = vector.broadcast %and3A_386 : i32 to vector<16xi32>
          %and3A_388 = arith.andi %add3A_385, %and3A_387 : vector<16xi32>
          %add3A_389 = arith.constant 28 : i32
          %add3A_390 = vector.broadcast %add3A_389 : i32 to vector<16xi32>
          %add3A_391 = arith.addi %iota3A, %add3A_390 : vector<16xi32>
          %and3A_392 = arith.constant 63 : i32
          %and3A_393 = vector.broadcast %and3A_392 : i32 to vector<16xi32>
          %and3A_394 = arith.andi %add3A_391, %and3A_393 : vector<16xi32>
          %add3A_395 = arith.constant 29 : i32
          %add3A_396 = vector.broadcast %add3A_395 : i32 to vector<16xi32>
          %add3A_397 = arith.addi %iota3A, %add3A_396 : vector<16xi32>
          %and3A_398 = arith.constant 63 : i32
          %and3A_399 = vector.broadcast %and3A_398 : i32 to vector<16xi32>
          %and3A_400 = arith.andi %add3A_397, %and3A_399 : vector<16xi32>
          %add3A_401 = arith.constant 30 : i32
          %add3A_402 = vector.broadcast %add3A_401 : i32 to vector<16xi32>
          %add3A_403 = arith.addi %iota3A, %add3A_402 : vector<16xi32>
          %and3A_404 = arith.constant 63 : i32
          %and3A_405 = vector.broadcast %and3A_404 : i32 to vector<16xi32>
          %and3A_406 = arith.andi %add3A_403, %and3A_405 : vector<16xi32>
          %add3A_407 = arith.constant 31 : i32
          %add3A_408 = vector.broadcast %add3A_407 : i32 to vector<16xi32>
          %add3A_409 = arith.addi %iota3A, %add3A_408 : vector<16xi32>
          %and3A_410 = arith.constant 63 : i32
          %and3A_411 = vector.broadcast %and3A_410 : i32 to vector<16xi32>
          %and3A_412 = arith.andi %add3A_409, %and3A_411 : vector<16xi32>
          %add3A_413 = arith.addi %mul3A_125, %and3A_322 : vector<16xi32>
          %gather3A_414 = tpu.vector_load_idx %arg7[%add3A_413] : memref<8064xf32, #tpu.memory_space<vmem>>[vector<16xi32>], vector<16xf32>,
          %add3A_415 = arith.addi %mul3A_125, %and3A_328 : vector<16xi32>
          %gather3A_416 = tpu.vector_load_idx %arg7[%add3A_415] : memref<8064xf32, #tpu.memory_space<vmem>>[vector<16xi32>], vector<16xf32>,
          %add3A_417 = arith.addi %mul3A_125, %and3A_334 : vector<16xi32>
          %gather3A_418 = tpu.vector_load_idx %arg7[%add3A_417] : memref<8064xf32, #tpu.memory_space<vmem>>[vector<16xi32>], vector<16xf32>,
          %add3A_419 = arith.addi %mul3A_125, %and3A_340 : vector<16xi32>
          %gather3A_420 = tpu.vector_load_idx %arg7[%add3A_419] : memref<8064xf32, #tpu.memory_space<vmem>>[vector<16xi32>], vector<16xf32>,
          %add3A_421 = arith.addi %mul3A_125, %and3A_346 : vector<16xi32>
          %gather3A_422 = tpu.vector_load_idx %arg7[%add3A_421] : memref<8064xf32, #tpu.memory_space<vmem>>[vector<16xi32>], vector<16xf32>,
          %add3A_423 = arith.addi %mul3A_125, %and3A_352 : vector<16xi32>
          %gather3A_424 = tpu.vector_load_idx %arg7[%add3A_423] : memref<8064xf32, #tpu.memory_space<vmem>>[vector<16xi32>], vector<16xf32>,
          %add3A_425 = arith.addi %mul3A_125, %and3A_358 : vector<16xi32>
          %gather3A_426 = tpu.vector_load_idx %arg7[%add3A_425] : memref<8064xf32, #tpu.memory_space<vmem>>[vector<16xi32>], vector<16xf32>,
          %add3A_427 = arith.addi %mul3A_125, %and3A_364 : vector<16xi32>
          %gather3A_428 = tpu.vector_load_idx %arg7[%add3A_427] : memref<8064xf32, #tpu.memory_space<vmem>>[vector<16xi32>], vector<16xf32>,
          %add3A_429 = arith.addi %mul3A_125, %and3A_370 : vector<16xi32>
          %gather3A_430 = tpu.vector_load_idx %arg7[%add3A_429] : memref<8064xf32, #tpu.memory_space<vmem>>[vector<16xi32>], vector<16xf32>,
          %add3A_431 = arith.addi %mul3A_125, %and3A_376 : vector<16xi32>
          %gather3A_432 = tpu.vector_load_idx %arg7[%add3A_431] : memref<8064xf32, #tpu.memory_space<vmem>>[vector<16xi32>], vector<16xf32>,
          %add3A_433 = arith.addi %mul3A_125, %and3A_382 : vector<16xi32>
          %gather3A_434 = tpu.vector_load_idx %arg7[%add3A_433] : memref<8064xf32, #tpu.memory_space<vmem>>[vector<16xi32>], vector<16xf32>,
          %add3A_435 = arith.addi %mul3A_125, %and3A_388 : vector<16xi32>
          %gather3A_436 = tpu.vector_load_idx %arg7[%add3A_435] : memref<8064xf32, #tpu.memory_space<vmem>>[vector<16xi32>], vector<16xf32>,
          %add3A_437 = arith.addi %mul3A_125, %and3A_394 : vector<16xi32>
          %gather3A_438 = tpu.vector_load_idx %arg7[%add3A_437] : memref<8064xf32, #tpu.memory_space<vmem>>[vector<16xi32>], vector<16xf32>,
          %add3A_439 = arith.addi %mul3A_125, %and3A_400 : vector<16xi32>
          %gather3A_440 = tpu.vector_load_idx %arg7[%add3A_439] : memref<8064xf32, #tpu.memory_space<vmem>>[vector<16xi32>], vector<16xf32>,
          %add3A_441 = arith.addi %mul3A_125, %and3A_406 : vector<16xi32>
          %gather3A_442 = tpu.vector_load_idx %arg7[%add3A_441] : memref<8064xf32, #tpu.memory_space<vmem>>[vector<16xi32>], vector<16xf32>,
          %add3A_443 = arith.addi %mul3A_125, %and3A_412 : vector<16xi32>
          %gather3A_444 = tpu.vector_load_idx %arg7[%add3A_443] : memref<8064xf32, #tpu.memory_space<vmem>>[vector<16xi32>], vector<16xf32>,
          %scatter3A_445 = arith.constant 0 : i32
          %scatter3A_446 = arith.constant 0 : i32
          %scatter3A_447 = tpu.memref_slice %arg14[%scan3A_69, %scatter3A_445, %scatter3A_446] : memref<2x320x64xf32, #tpu.memory_space<vmem>> -> memref<1x320x64xf32, #tpu.memory_space<vmem>>
          %scatter3A_448 = tpu.memref_squeeze %scatter3A_447 : memref<1x320x64xf32, #tpu.memory_space<vmem>> -> memref<320x64xf32, #tpu.memory_space<vmem>>
          tpu.vector_store_idx %scatter3A_448[%add3A_127, %and3A_322], %gather3A_414 : memref<320x64xf32, #tpu.memory_space<vmem>>[vector<16xi32>, vector<16xi32>], vector<16xf32>,
          %scatter3A_449 = arith.constant 0 : i32
          %scatter3A_450 = arith.constant 0 : i32
          %scatter3A_451 = tpu.memref_slice %arg14[%scan3A_69, %scatter3A_449, %scatter3A_450] : memref<2x320x64xf32, #tpu.memory_space<vmem>> -> memref<1x320x64xf32, #tpu.memory_space<vmem>>
          %scatter3A_452 = tpu.memref_squeeze %scatter3A_451 : memref<1x320x64xf32, #tpu.memory_space<vmem>> -> memref<320x64xf32, #tpu.memory_space<vmem>>
          tpu.vector_store_idx %scatter3A_452[%add3A_127, %and3A_328], %gather3A_416 : memref<320x64xf32, #tpu.memory_space<vmem>>[vector<16xi32>, vector<16xi32>], vector<16xf32>,
          %scatter3A_453 = arith.constant 0 : i32
          %scatter3A_454 = arith.constant 0 : i32
          %scatter3A_455 = tpu.memref_slice %arg14[%scan3A_69, %scatter3A_453, %scatter3A_454] : memref<2x320x64xf32, #tpu.memory_space<vmem>> -> memref<1x320x64xf32, #tpu.memory_space<vmem>>
          %scatter3A_456 = tpu.memref_squeeze %scatter3A_455 : memref<1x320x64xf32, #tpu.memory_space<vmem>> -> memref<320x64xf32, #tpu.memory_space<vmem>>
          tpu.vector_store_idx %scatter3A_456[%add3A_127, %and3A_334], %gather3A_418 : memref<320x64xf32, #tpu.memory_space<vmem>>[vector<16xi32>, vector<16xi32>], vector<16xf32>,
          %scatter3A_457 = arith.constant 0 : i32
          %scatter3A_458 = arith.constant 0 : i32
          %scatter3A_459 = tpu.memref_slice %arg14[%scan3A_69, %scatter3A_457, %scatter3A_458] : memref<2x320x64xf32, #tpu.memory_space<vmem>> -> memref<1x320x64xf32, #tpu.memory_space<vmem>>
          %scatter3A_460 = tpu.memref_squeeze %scatter3A_459 : memref<1x320x64xf32, #tpu.memory_space<vmem>> -> memref<320x64xf32, #tpu.memory_space<vmem>>
          tpu.vector_store_idx %scatter3A_460[%add3A_127, %and3A_340], %gather3A_420 : memref<320x64xf32, #tpu.memory_space<vmem>>[vector<16xi32>, vector<16xi32>], vector<16xf32>,
          %scatter3A_461 = arith.constant 0 : i32
          %scatter3A_462 = arith.constant 0 : i32
          %scatter3A_463 = tpu.memref_slice %arg14[%scan3A_69, %scatter3A_461, %scatter3A_462] : memref<2x320x64xf32, #tpu.memory_space<vmem>> -> memref<1x320x64xf32, #tpu.memory_space<vmem>>
          %scatter3A_464 = tpu.memref_squeeze %scatter3A_463 : memref<1x320x64xf32, #tpu.memory_space<vmem>> -> memref<320x64xf32, #tpu.memory_space<vmem>>
          tpu.vector_store_idx %scatter3A_464[%add3A_127, %and3A_346], %gather3A_422 : memref<320x64xf32, #tpu.memory_space<vmem>>[vector<16xi32>, vector<16xi32>], vector<16xf32>,
          %scatter3A_465 = arith.constant 0 : i32
          %scatter3A_466 = arith.constant 0 : i32
          %scatter3A_467 = tpu.memref_slice %arg14[%scan3A_69, %scatter3A_465, %scatter3A_466] : memref<2x320x64xf32, #tpu.memory_space<vmem>> -> memref<1x320x64xf32, #tpu.memory_space<vmem>>
          %scatter3A_468 = tpu.memref_squeeze %scatter3A_467 : memref<1x320x64xf32, #tpu.memory_space<vmem>> -> memref<320x64xf32, #tpu.memory_space<vmem>>
          tpu.vector_store_idx %scatter3A_468[%add3A_127, %and3A_352], %gather3A_424 : memref<320x64xf32, #tpu.memory_space<vmem>>[vector<16xi32>, vector<16xi32>], vector<16xf32>,
          %scatter3A_469 = arith.constant 0 : i32
          %scatter3A_470 = arith.constant 0 : i32
          %scatter3A_471 = tpu.memref_slice %arg14[%scan3A_69, %scatter3A_469, %scatter3A_470] : memref<2x320x64xf32, #tpu.memory_space<vmem>> -> memref<1x320x64xf32, #tpu.memory_space<vmem>>
          %scatter3A_472 = tpu.memref_squeeze %scatter3A_471 : memref<1x320x64xf32, #tpu.memory_space<vmem>> -> memref<320x64xf32, #tpu.memory_space<vmem>>
          tpu.vector_store_idx %scatter3A_472[%add3A_127, %and3A_358], %gather3A_426 : memref<320x64xf32, #tpu.memory_space<vmem>>[vector<16xi32>, vector<16xi32>], vector<16xf32>,
          %scatter3A_473 = arith.constant 0 : i32
          %scatter3A_474 = arith.constant 0 : i32
          %scatter3A_475 = tpu.memref_slice %arg14[%scan3A_69, %scatter3A_473, %scatter3A_474] : memref<2x320x64xf32, #tpu.memory_space<vmem>> -> memref<1x320x64xf32, #tpu.memory_space<vmem>>
          %scatter3A_476 = tpu.memref_squeeze %scatter3A_475 : memref<1x320x64xf32, #tpu.memory_space<vmem>> -> memref<320x64xf32, #tpu.memory_space<vmem>>
          tpu.vector_store_idx %scatter3A_476[%add3A_127, %and3A_364], %gather3A_428 : memref<320x64xf32, #tpu.memory_space<vmem>>[vector<16xi32>, vector<16xi32>], vector<16xf32>,
          %scatter3A_477 = arith.constant 0 : i32
          %scatter3A_478 = arith.constant 0 : i32
          %scatter3A_479 = tpu.memref_slice %arg14[%scan3A_69, %scatter3A_477, %scatter3A_478] : memref<2x320x64xf32, #tpu.memory_space<vmem>> -> memref<1x320x64xf32, #tpu.memory_space<vmem>>
          %scatter3A_480 = tpu.memref_squeeze %scatter3A_479 : memref<1x320x64xf32, #tpu.memory_space<vmem>> -> memref<320x64xf32, #tpu.memory_space<vmem>>
          tpu.vector_store_idx %scatter3A_480[%add3A_127, %and3A_370], %gather3A_430 : memref<320x64xf32, #tpu.memory_space<vmem>>[vector<16xi32>, vector<16xi32>], vector<16xf32>,
          %scatter3A_481 = arith.constant 0 : i32
          %scatter3A_482 = arith.constant 0 : i32
          %scatter3A_483 = tpu.memref_slice %arg14[%scan3A_69, %scatter3A_481, %scatter3A_482] : memref<2x320x64xf32, #tpu.memory_space<vmem>> -> memref<1x320x64xf32, #tpu.memory_space<vmem>>
          %scatter3A_484 = tpu.memref_squeeze %scatter3A_483 : memref<1x320x64xf32, #tpu.memory_space<vmem>> -> memref<320x64xf32, #tpu.memory_space<vmem>>
          tpu.vector_store_idx %scatter3A_484[%add3A_127, %and3A_376], %gather3A_432 : memref<320x64xf32, #tpu.memory_space<vmem>>[vector<16xi32>, vector<16xi32>], vector<16xf32>,
          %scatter3A_485 = arith.constant 0 : i32
          %scatter3A_486 = arith.constant 0 : i32
          %scatter3A_487 = tpu.memref_slice %arg14[%scan3A_69, %scatter3A_485, %scatter3A_486] : memref<2x320x64xf32, #tpu.memory_space<vmem>> -> memref<1x320x64xf32, #tpu.memory_space<vmem>>
          %scatter3A_488 = tpu.memref_squeeze %scatter3A_487 : memref<1x320x64xf32, #tpu.memory_space<vmem>> -> memref<320x64xf32, #tpu.memory_space<vmem>>
          tpu.vector_store_idx %scatter3A_488[%add3A_127, %and3A_382], %gather3A_434 : memref<320x64xf32, #tpu.memory_space<vmem>>[vector<16xi32>, vector<16xi32>], vector<16xf32>,
          %scatter3A_489 = arith.constant 0 : i32
          %scatter3A_490 = arith.constant 0 : i32
          %scatter3A_491 = tpu.memref_slice %arg14[%scan3A_69, %scatter3A_489, %scatter3A_490] : memref<2x320x64xf32, #tpu.memory_space<vmem>> -> memref<1x320x64xf32, #tpu.memory_space<vmem>>
          %scatter3A_492 = tpu.memref_squeeze %scatter3A_491 : memref<1x320x64xf32, #tpu.memory_space<vmem>> -> memref<320x64xf32, #tpu.memory_space<vmem>>
          tpu.vector_store_idx %scatter3A_492[%add3A_127, %and3A_388], %gather3A_436 : memref<320x64xf32, #tpu.memory_space<vmem>>[vector<16xi32>, vector<16xi32>], vector<16xf32>,
          %scatter3A_493 = arith.constant 0 : i32
          %scatter3A_494 = arith.constant 0 : i32
          %scatter3A_495 = tpu.memref_slice %arg14[%scan3A_69, %scatter3A_493, %scatter3A_494] : memref<2x320x64xf32, #tpu.memory_space<vmem>> -> memref<1x320x64xf32, #tpu.memory_space<vmem>>
          %scatter3A_496 = tpu.memref_squeeze %scatter3A_495 : memref<1x320x64xf32, #tpu.memory_space<vmem>> -> memref<320x64xf32, #tpu.memory_space<vmem>>
          tpu.vector_store_idx %scatter3A_496[%add3A_127, %and3A_394], %gather3A_438 : memref<320x64xf32, #tpu.memory_space<vmem>>[vector<16xi32>, vector<16xi32>], vector<16xf32>,
          %scatter3A_497 = arith.constant 0 : i32
          %scatter3A_498 = arith.constant 0 : i32
          %scatter3A_499 = tpu.memref_slice %arg14[%scan3A_69, %scatter3A_497, %scatter3A_498] : memref<2x320x64xf32, #tpu.memory_space<vmem>> -> memref<1x320x64xf32, #tpu.memory_space<vmem>>
          %scatter3A_500 = tpu.memref_squeeze %scatter3A_499 : memref<1x320x64xf32, #tpu.memory_space<vmem>> -> memref<320x64xf32, #tpu.memory_space<vmem>>
          tpu.vector_store_idx %scatter3A_500[%add3A_127, %and3A_400], %gather3A_440 : memref<320x64xf32, #tpu.memory_space<vmem>>[vector<16xi32>, vector<16xi32>], vector<16xf32>,
          %scatter3A_501 = arith.constant 0 : i32
          %scatter3A_502 = arith.constant 0 : i32
          %scatter3A_503 = tpu.memref_slice %arg14[%scan3A_69, %scatter3A_501, %scatter3A_502] : memref<2x320x64xf32, #tpu.memory_space<vmem>> -> memref<1x320x64xf32, #tpu.memory_space<vmem>>
          %scatter3A_504 = tpu.memref_squeeze %scatter3A_503 : memref<1x320x64xf32, #tpu.memory_space<vmem>> -> memref<320x64xf32, #tpu.memory_space<vmem>>
          tpu.vector_store_idx %scatter3A_504[%add3A_127, %and3A_406], %gather3A_442 : memref<320x64xf32, #tpu.memory_space<vmem>>[vector<16xi32>, vector<16xi32>], vector<16xf32>,
          %scatter3A_505 = arith.constant 0 : i32
          %scatter3A_506 = arith.constant 0 : i32
          %scatter3A_507 = tpu.memref_slice %arg14[%scan3A_69, %scatter3A_505, %scatter3A_506] : memref<2x320x64xf32, #tpu.memory_space<vmem>> -> memref<1x320x64xf32, #tpu.memory_space<vmem>>
          %scatter3A_508 = tpu.memref_squeeze %scatter3A_507 : memref<1x320x64xf32, #tpu.memory_space<vmem>> -> memref<320x64xf32, #tpu.memory_space<vmem>>
          tpu.vector_store_idx %scatter3A_508[%add3A_127, %and3A_412], %gather3A_444 : memref<320x64xf32, #tpu.memory_space<vmem>>[vector<16xi32>, vector<16xi32>], vector<16xf32>,
          %add3A_509 = arith.constant 32 : i32
          %add3A_510 = vector.broadcast %add3A_509 : i32 to vector<16xi32>
          %add3A_511 = arith.addi %iota3A, %add3A_510 : vector<16xi32>
          %and3A_512 = arith.constant 63 : i32
          %and3A_513 = vector.broadcast %and3A_512 : i32 to vector<16xi32>
          %and3A_514 = arith.andi %add3A_511, %and3A_513 : vector<16xi32>
          %add3A_515 = arith.constant 33 : i32
          %add3A_516 = vector.broadcast %add3A_515 : i32 to vector<16xi32>
          %add3A_517 = arith.addi %iota3A, %add3A_516 : vector<16xi32>
          %and3A_518 = arith.constant 63 : i32
          %and3A_519 = vector.broadcast %and3A_518 : i32 to vector<16xi32>
          %and3A_520 = arith.andi %add3A_517, %and3A_519 : vector<16xi32>
          %add3A_521 = arith.constant 34 : i32
          %add3A_522 = vector.broadcast %add3A_521 : i32 to vector<16xi32>
          %add3A_523 = arith.addi %iota3A, %add3A_522 : vector<16xi32>
          %and3A_524 = arith.constant 63 : i32
          %and3A_525 = vector.broadcast %and3A_524 : i32 to vector<16xi32>
          %and3A_526 = arith.andi %add3A_523, %and3A_525 : vector<16xi32>
          %add3A_527 = arith.constant 35 : i32
          %add3A_528 = vector.broadcast %add3A_527 : i32 to vector<16xi32>
          %add3A_529 = arith.addi %iota3A, %add3A_528 : vector<16xi32>
          %and3A_530 = arith.constant 63 : i32
          %and3A_531 = vector.broadcast %and3A_530 : i32 to vector<16xi32>
          %and3A_532 = arith.andi %add3A_529, %and3A_531 : vector<16xi32>
          %add3A_533 = arith.constant 36 : i32
          %add3A_534 = vector.broadcast %add3A_533 : i32 to vector<16xi32>
          %add3A_535 = arith.addi %iota3A, %add3A_534 : vector<16xi32>
          %and3A_536 = arith.constant 63 : i32
          %and3A_537 = vector.broadcast %and3A_536 : i32 to vector<16xi32>
          %and3A_538 = arith.andi %add3A_535, %and3A_537 : vector<16xi32>
          %add3A_539 = arith.constant 37 : i32
          %add3A_540 = vector.broadcast %add3A_539 : i32 to vector<16xi32>
          %add3A_541 = arith.addi %iota3A, %add3A_540 : vector<16xi32>
          %and3A_542 = arith.constant 63 : i32
          %and3A_543 = vector.broadcast %and3A_542 : i32 to vector<16xi32>
          %and3A_544 = arith.andi %add3A_541, %and3A_543 : vector<16xi32>
          %add3A_545 = arith.constant 38 : i32
          %add3A_546 = vector.broadcast %add3A_545 : i32 to vector<16xi32>
          %add3A_547 = arith.addi %iota3A, %add3A_546 : vector<16xi32>
          %and3A_548 = arith.constant 63 : i32
          %and3A_549 = vector.broadcast %and3A_548 : i32 to vector<16xi32>
          %and3A_550 = arith.andi %add3A_547, %and3A_549 : vector<16xi32>
          %add3A_551 = arith.constant 39 : i32
          %add3A_552 = vector.broadcast %add3A_551 : i32 to vector<16xi32>
          %add3A_553 = arith.addi %iota3A, %add3A_552 : vector<16xi32>
          %and3A_554 = arith.constant 63 : i32
          %and3A_555 = vector.broadcast %and3A_554 : i32 to vector<16xi32>
          %and3A_556 = arith.andi %add3A_553, %and3A_555 : vector<16xi32>
          %add3A_557 = arith.constant 40 : i32
          %add3A_558 = vector.broadcast %add3A_557 : i32 to vector<16xi32>
          %add3A_559 = arith.addi %iota3A, %add3A_558 : vector<16xi32>
          %and3A_560 = arith.constant 63 : i32
          %and3A_561 = vector.broadcast %and3A_560 : i32 to vector<16xi32>
          %and3A_562 = arith.andi %add3A_559, %and3A_561 : vector<16xi32>
          %add3A_563 = arith.constant 41 : i32
          %add3A_564 = vector.broadcast %add3A_563 : i32 to vector<16xi32>
          %add3A_565 = arith.addi %iota3A, %add3A_564 : vector<16xi32>
          %and3A_566 = arith.constant 63 : i32
          %and3A_567 = vector.broadcast %and3A_566 : i32 to vector<16xi32>
          %and3A_568 = arith.andi %add3A_565, %and3A_567 : vector<16xi32>
          %add3A_569 = arith.constant 42 : i32
          %add3A_570 = vector.broadcast %add3A_569 : i32 to vector<16xi32>
          %add3A_571 = arith.addi %iota3A, %add3A_570 : vector<16xi32>
          %and3A_572 = arith.constant 63 : i32
          %and3A_573 = vector.broadcast %and3A_572 : i32 to vector<16xi32>
          %and3A_574 = arith.andi %add3A_571, %and3A_573 : vector<16xi32>
          %add3A_575 = arith.constant 43 : i32
          %add3A_576 = vector.broadcast %add3A_575 : i32 to vector<16xi32>
          %add3A_577 = arith.addi %iota3A, %add3A_576 : vector<16xi32>
          %and3A_578 = arith.constant 63 : i32
          %and3A_579 = vector.broadcast %and3A_578 : i32 to vector<16xi32>
          %and3A_580 = arith.andi %add3A_577, %and3A_579 : vector<16xi32>
          %add3A_581 = arith.constant 44 : i32
          %add3A_582 = vector.broadcast %add3A_581 : i32 to vector<16xi32>
          %add3A_583 = arith.addi %iota3A, %add3A_582 : vector<16xi32>
          %and3A_584 = arith.constant 63 : i32
          %and3A_585 = vector.broadcast %and3A_584 : i32 to vector<16xi32>
          %and3A_586 = arith.andi %add3A_583, %and3A_585 : vector<16xi32>
          %add3A_587 = arith.constant 45 : i32
          %add3A_588 = vector.broadcast %add3A_587 : i32 to vector<16xi32>
          %add3A_589 = arith.addi %iota3A, %add3A_588 : vector<16xi32>
          %and3A_590 = arith.constant 63 : i32
          %and3A_591 = vector.broadcast %and3A_590 : i32 to vector<16xi32>
          %and3A_592 = arith.andi %add3A_589, %and3A_591 : vector<16xi32>
          %add3A_593 = arith.constant 46 : i32
          %add3A_594 = vector.broadcast %add3A_593 : i32 to vector<16xi32>
          %add3A_595 = arith.addi %iota3A, %add3A_594 : vector<16xi32>
          %and3A_596 = arith.constant 63 : i32
          %and3A_597 = vector.broadcast %and3A_596 : i32 to vector<16xi32>
          %and3A_598 = arith.andi %add3A_595, %and3A_597 : vector<16xi32>
          %add3A_599 = arith.constant 47 : i32
          %add3A_600 = vector.broadcast %add3A_599 : i32 to vector<16xi32>
          %add3A_601 = arith.addi %iota3A, %add3A_600 : vector<16xi32>
          %and3A_602 = arith.constant 63 : i32
          %and3A_603 = vector.broadcast %and3A_602 : i32 to vector<16xi32>
          %and3A_604 = arith.andi %add3A_601, %and3A_603 : vector<16xi32>
          %add3A_605 = arith.addi %mul3A_125, %and3A_514 : vector<16xi32>
          %gather3A_606 = tpu.vector_load_idx %arg7[%add3A_605] : memref<8064xf32, #tpu.memory_space<vmem>>[vector<16xi32>], vector<16xf32>,
          %add3A_607 = arith.addi %mul3A_125, %and3A_520 : vector<16xi32>
          %gather3A_608 = tpu.vector_load_idx %arg7[%add3A_607] : memref<8064xf32, #tpu.memory_space<vmem>>[vector<16xi32>], vector<16xf32>,
          %add3A_609 = arith.addi %mul3A_125, %and3A_526 : vector<16xi32>
          %gather3A_610 = tpu.vector_load_idx %arg7[%add3A_609] : memref<8064xf32, #tpu.memory_space<vmem>>[vector<16xi32>], vector<16xf32>,
          %add3A_611 = arith.addi %mul3A_125, %and3A_532 : vector<16xi32>
          %gather3A_612 = tpu.vector_load_idx %arg7[%add3A_611] : memref<8064xf32, #tpu.memory_space<vmem>>[vector<16xi32>], vector<16xf32>,
          %add3A_613 = arith.addi %mul3A_125, %and3A_538 : vector<16xi32>
          %gather3A_614 = tpu.vector_load_idx %arg7[%add3A_613] : memref<8064xf32, #tpu.memory_space<vmem>>[vector<16xi32>], vector<16xf32>,
          %add3A_615 = arith.addi %mul3A_125, %and3A_544 : vector<16xi32>
          %gather3A_616 = tpu.vector_load_idx %arg7[%add3A_615] : memref<8064xf32, #tpu.memory_space<vmem>>[vector<16xi32>], vector<16xf32>,
          %add3A_617 = arith.addi %mul3A_125, %and3A_550 : vector<16xi32>
          %gather3A_618 = tpu.vector_load_idx %arg7[%add3A_617] : memref<8064xf32, #tpu.memory_space<vmem>>[vector<16xi32>], vector<16xf32>,
          %add3A_619 = arith.addi %mul3A_125, %and3A_556 : vector<16xi32>
          %gather3A_620 = tpu.vector_load_idx %arg7[%add3A_619] : memref<8064xf32, #tpu.memory_space<vmem>>[vector<16xi32>], vector<16xf32>,
          %add3A_621 = arith.addi %mul3A_125, %and3A_562 : vector<16xi32>
          %gather3A_622 = tpu.vector_load_idx %arg7[%add3A_621] : memref<8064xf32, #tpu.memory_space<vmem>>[vector<16xi32>], vector<16xf32>,
          %add3A_623 = arith.addi %mul3A_125, %and3A_568 : vector<16xi32>
          %gather3A_624 = tpu.vector_load_idx %arg7[%add3A_623] : memref<8064xf32, #tpu.memory_space<vmem>>[vector<16xi32>], vector<16xf32>,
          %add3A_625 = arith.addi %mul3A_125, %and3A_574 : vector<16xi32>
          %gather3A_626 = tpu.vector_load_idx %arg7[%add3A_625] : memref<8064xf32, #tpu.memory_space<vmem>>[vector<16xi32>], vector<16xf32>,
          %add3A_627 = arith.addi %mul3A_125, %and3A_580 : vector<16xi32>
          %gather3A_628 = tpu.vector_load_idx %arg7[%add3A_627] : memref<8064xf32, #tpu.memory_space<vmem>>[vector<16xi32>], vector<16xf32>,
          %add3A_629 = arith.addi %mul3A_125, %and3A_586 : vector<16xi32>
          %gather3A_630 = tpu.vector_load_idx %arg7[%add3A_629] : memref<8064xf32, #tpu.memory_space<vmem>>[vector<16xi32>], vector<16xf32>,
          %add3A_631 = arith.addi %mul3A_125, %and3A_592 : vector<16xi32>
          %gather3A_632 = tpu.vector_load_idx %arg7[%add3A_631] : memref<8064xf32, #tpu.memory_space<vmem>>[vector<16xi32>], vector<16xf32>,
          %add3A_633 = arith.addi %mul3A_125, %and3A_598 : vector<16xi32>
          %gather3A_634 = tpu.vector_load_idx %arg7[%add3A_633] : memref<8064xf32, #tpu.memory_space<vmem>>[vector<16xi32>], vector<16xf32>,
          %add3A_635 = arith.addi %mul3A_125, %and3A_604 : vector<16xi32>
          %gather3A_636 = tpu.vector_load_idx %arg7[%add3A_635] : memref<8064xf32, #tpu.memory_space<vmem>>[vector<16xi32>], vector<16xf32>,
          %scatter3A_637 = arith.constant 0 : i32
          %scatter3A_638 = arith.constant 0 : i32
          %scatter3A_639 = tpu.memref_slice %arg14[%scan3A_69, %scatter3A_637, %scatter3A_638] : memref<2x320x64xf32, #tpu.memory_space<vmem>> -> memref<1x320x64xf32, #tpu.memory_space<vmem>>
          %scatter3A_640 = tpu.memref_squeeze %scatter3A_639 : memref<1x320x64xf32, #tpu.memory_space<vmem>> -> memref<320x64xf32, #tpu.memory_space<vmem>>
          tpu.vector_store_idx %scatter3A_640[%add3A_127, %and3A_514], %gather3A_606 : memref<320x64xf32, #tpu.memory_space<vmem>>[vector<16xi32>, vector<16xi32>], vector<16xf32>,
          %scatter3A_641 = arith.constant 0 : i32
          %scatter3A_642 = arith.constant 0 : i32
          %scatter3A_643 = tpu.memref_slice %arg14[%scan3A_69, %scatter3A_641, %scatter3A_642] : memref<2x320x64xf32, #tpu.memory_space<vmem>> -> memref<1x320x64xf32, #tpu.memory_space<vmem>>
          %scatter3A_644 = tpu.memref_squeeze %scatter3A_643 : memref<1x320x64xf32, #tpu.memory_space<vmem>> -> memref<320x64xf32, #tpu.memory_space<vmem>>
          tpu.vector_store_idx %scatter3A_644[%add3A_127, %and3A_520], %gather3A_608 : memref<320x64xf32, #tpu.memory_space<vmem>>[vector<16xi32>, vector<16xi32>], vector<16xf32>,
          %scatter3A_645 = arith.constant 0 : i32
          %scatter3A_646 = arith.constant 0 : i32
          %scatter3A_647 = tpu.memref_slice %arg14[%scan3A_69, %scatter3A_645, %scatter3A_646] : memref<2x320x64xf32, #tpu.memory_space<vmem>> -> memref<1x320x64xf32, #tpu.memory_space<vmem>>
          %scatter3A_648 = tpu.memref_squeeze %scatter3A_647 : memref<1x320x64xf32, #tpu.memory_space<vmem>> -> memref<320x64xf32, #tpu.memory_space<vmem>>
          tpu.vector_store_idx %scatter3A_648[%add3A_127, %and3A_526], %gather3A_610 : memref<320x64xf32, #tpu.memory_space<vmem>>[vector<16xi32>, vector<16xi32>], vector<16xf32>,
          %scatter3A_649 = arith.constant 0 : i32
          %scatter3A_650 = arith.constant 0 : i32
          %scatter3A_651 = tpu.memref_slice %arg14[%scan3A_69, %scatter3A_649, %scatter3A_650] : memref<2x320x64xf32, #tpu.memory_space<vmem>> -> memref<1x320x64xf32, #tpu.memory_space<vmem>>
          %scatter3A_652 = tpu.memref_squeeze %scatter3A_651 : memref<1x320x64xf32, #tpu.memory_space<vmem>> -> memref<320x64xf32, #tpu.memory_space<vmem>>
          tpu.vector_store_idx %scatter3A_652[%add3A_127, %and3A_532], %gather3A_612 : memref<320x64xf32, #tpu.memory_space<vmem>>[vector<16xi32>, vector<16xi32>], vector<16xf32>,
          %scatter3A_653 = arith.constant 0 : i32
          %scatter3A_654 = arith.constant 0 : i32
          %scatter3A_655 = tpu.memref_slice %arg14[%scan3A_69, %scatter3A_653, %scatter3A_654] : memref<2x320x64xf32, #tpu.memory_space<vmem>> -> memref<1x320x64xf32, #tpu.memory_space<vmem>>
          %scatter3A_656 = tpu.memref_squeeze %scatter3A_655 : memref<1x320x64xf32, #tpu.memory_space<vmem>> -> memref<320x64xf32, #tpu.memory_space<vmem>>
          tpu.vector_store_idx %scatter3A_656[%add3A_127, %and3A_538], %gather3A_614 : memref<320x64xf32, #tpu.memory_space<vmem>>[vector<16xi32>, vector<16xi32>], vector<16xf32>,
          %scatter3A_657 = arith.constant 0 : i32
          %scatter3A_658 = arith.constant 0 : i32
          %scatter3A_659 = tpu.memref_slice %arg14[%scan3A_69, %scatter3A_657, %scatter3A_658] : memref<2x320x64xf32, #tpu.memory_space<vmem>> -> memref<1x320x64xf32, #tpu.memory_space<vmem>>
          %scatter3A_660 = tpu.memref_squeeze %scatter3A_659 : memref<1x320x64xf32, #tpu.memory_space<vmem>> -> memref<320x64xf32, #tpu.memory_space<vmem>>
          tpu.vector_store_idx %scatter3A_660[%add3A_127, %and3A_544], %gather3A_616 : memref<320x64xf32, #tpu.memory_space<vmem>>[vector<16xi32>, vector<16xi32>], vector<16xf32>,
          %scatter3A_661 = arith.constant 0 : i32
          %scatter3A_662 = arith.constant 0 : i32
          %scatter3A_663 = tpu.memref_slice %arg14[%scan3A_69, %scatter3A_661, %scatter3A_662] : memref<2x320x64xf32, #tpu.memory_space<vmem>> -> memref<1x320x64xf32, #tpu.memory_space<vmem>>
          %scatter3A_664 = tpu.memref_squeeze %scatter3A_663 : memref<1x320x64xf32, #tpu.memory_space<vmem>> -> memref<320x64xf32, #tpu.memory_space<vmem>>
          tpu.vector_store_idx %scatter3A_664[%add3A_127, %and3A_550], %gather3A_618 : memref<320x64xf32, #tpu.memory_space<vmem>>[vector<16xi32>, vector<16xi32>], vector<16xf32>,
          %scatter3A_665 = arith.constant 0 : i32
          %scatter3A_666 = arith.constant 0 : i32
          %scatter3A_667 = tpu.memref_slice %arg14[%scan3A_69, %scatter3A_665, %scatter3A_666] : memref<2x320x64xf32, #tpu.memory_space<vmem>> -> memref<1x320x64xf32, #tpu.memory_space<vmem>>
          %scatter3A_668 = tpu.memref_squeeze %scatter3A_667 : memref<1x320x64xf32, #tpu.memory_space<vmem>> -> memref<320x64xf32, #tpu.memory_space<vmem>>
          tpu.vector_store_idx %scatter3A_668[%add3A_127, %and3A_556], %gather3A_620 : memref<320x64xf32, #tpu.memory_space<vmem>>[vector<16xi32>, vector<16xi32>], vector<16xf32>,
          %scatter3A_669 = arith.constant 0 : i32
          %scatter3A_670 = arith.constant 0 : i32
          %scatter3A_671 = tpu.memref_slice %arg14[%scan3A_69, %scatter3A_669, %scatter3A_670] : memref<2x320x64xf32, #tpu.memory_space<vmem>> -> memref<1x320x64xf32, #tpu.memory_space<vmem>>
          %scatter3A_672 = tpu.memref_squeeze %scatter3A_671 : memref<1x320x64xf32, #tpu.memory_space<vmem>> -> memref<320x64xf32, #tpu.memory_space<vmem>>
          tpu.vector_store_idx %scatter3A_672[%add3A_127, %and3A_562], %gather3A_622 : memref<320x64xf32, #tpu.memory_space<vmem>>[vector<16xi32>, vector<16xi32>], vector<16xf32>,
          %scatter3A_673 = arith.constant 0 : i32
          %scatter3A_674 = arith.constant 0 : i32
          %scatter3A_675 = tpu.memref_slice %arg14[%scan3A_69, %scatter3A_673, %scatter3A_674] : memref<2x320x64xf32, #tpu.memory_space<vmem>> -> memref<1x320x64xf32, #tpu.memory_space<vmem>>
          %scatter3A_676 = tpu.memref_squeeze %scatter3A_675 : memref<1x320x64xf32, #tpu.memory_space<vmem>> -> memref<320x64xf32, #tpu.memory_space<vmem>>
          tpu.vector_store_idx %scatter3A_676[%add3A_127, %and3A_568], %gather3A_624 : memref<320x64xf32, #tpu.memory_space<vmem>>[vector<16xi32>, vector<16xi32>], vector<16xf32>,
          %scatter3A_677 = arith.constant 0 : i32
          %scatter3A_678 = arith.constant 0 : i32
          %scatter3A_679 = tpu.memref_slice %arg14[%scan3A_69, %scatter3A_677, %scatter3A_678] : memref<2x320x64xf32, #tpu.memory_space<vmem>> -> memref<1x320x64xf32, #tpu.memory_space<vmem>>
          %scatter3A_680 = tpu.memref_squeeze %scatter3A_679 : memref<1x320x64xf32, #tpu.memory_space<vmem>> -> memref<320x64xf32, #tpu.memory_space<vmem>>
          tpu.vector_store_idx %scatter3A_680[%add3A_127, %and3A_574], %gather3A_626 : memref<320x64xf32, #tpu.memory_space<vmem>>[vector<16xi32>, vector<16xi32>], vector<16xf32>,
          %scatter3A_681 = arith.constant 0 : i32
          %scatter3A_682 = arith.constant 0 : i32
          %scatter3A_683 = tpu.memref_slice %arg14[%scan3A_69, %scatter3A_681, %scatter3A_682] : memref<2x320x64xf32, #tpu.memory_space<vmem>> -> memref<1x320x64xf32, #tpu.memory_space<vmem>>
          %scatter3A_684 = tpu.memref_squeeze %scatter3A_683 : memref<1x320x64xf32, #tpu.memory_space<vmem>> -> memref<320x64xf32, #tpu.memory_space<vmem>>
          tpu.vector_store_idx %scatter3A_684[%add3A_127, %and3A_580], %gather3A_628 : memref<320x64xf32, #tpu.memory_space<vmem>>[vector<16xi32>, vector<16xi32>], vector<16xf32>,
          %scatter3A_685 = arith.constant 0 : i32
          %scatter3A_686 = arith.constant 0 : i32
          %scatter3A_687 = tpu.memref_slice %arg14[%scan3A_69, %scatter3A_685, %scatter3A_686] : memref<2x320x64xf32, #tpu.memory_space<vmem>> -> memref<1x320x64xf32, #tpu.memory_space<vmem>>
          %scatter3A_688 = tpu.memref_squeeze %scatter3A_687 : memref<1x320x64xf32, #tpu.memory_space<vmem>> -> memref<320x64xf32, #tpu.memory_space<vmem>>
          tpu.vector_store_idx %scatter3A_688[%add3A_127, %and3A_586], %gather3A_630 : memref<320x64xf32, #tpu.memory_space<vmem>>[vector<16xi32>, vector<16xi32>], vector<16xf32>,
          %scatter3A_689 = arith.constant 0 : i32
          %scatter3A_690 = arith.constant 0 : i32
          %scatter3A_691 = tpu.memref_slice %arg14[%scan3A_69, %scatter3A_689, %scatter3A_690] : memref<2x320x64xf32, #tpu.memory_space<vmem>> -> memref<1x320x64xf32, #tpu.memory_space<vmem>>
          %scatter3A_692 = tpu.memref_squeeze %scatter3A_691 : memref<1x320x64xf32, #tpu.memory_space<vmem>> -> memref<320x64xf32, #tpu.memory_space<vmem>>
          tpu.vector_store_idx %scatter3A_692[%add3A_127, %and3A_592], %gather3A_632 : memref<320x64xf32, #tpu.memory_space<vmem>>[vector<16xi32>, vector<16xi32>], vector<16xf32>,
          %scatter3A_693 = arith.constant 0 : i32
          %scatter3A_694 = arith.constant 0 : i32
          %scatter3A_695 = tpu.memref_slice %arg14[%scan3A_69, %scatter3A_693, %scatter3A_694] : memref<2x320x64xf32, #tpu.memory_space<vmem>> -> memref<1x320x64xf32, #tpu.memory_space<vmem>>
          %scatter3A_696 = tpu.memref_squeeze %scatter3A_695 : memref<1x320x64xf32, #tpu.memory_space<vmem>> -> memref<320x64xf32, #tpu.memory_space<vmem>>
          tpu.vector_store_idx %scatter3A_696[%add3A_127, %and3A_598], %gather3A_634 : memref<320x64xf32, #tpu.memory_space<vmem>>[vector<16xi32>, vector<16xi32>], vector<16xf32>,
          %scatter3A_697 = arith.constant 0 : i32
          %scatter3A_698 = arith.constant 0 : i32
          %scatter3A_699 = tpu.memref_slice %arg14[%scan3A_69, %scatter3A_697, %scatter3A_698] : memref<2x320x64xf32, #tpu.memory_space<vmem>> -> memref<1x320x64xf32, #tpu.memory_space<vmem>>
          %scatter3A_700 = tpu.memref_squeeze %scatter3A_699 : memref<1x320x64xf32, #tpu.memory_space<vmem>> -> memref<320x64xf32, #tpu.memory_space<vmem>>
          tpu.vector_store_idx %scatter3A_700[%add3A_127, %and3A_604], %gather3A_636 : memref<320x64xf32, #tpu.memory_space<vmem>>[vector<16xi32>, vector<16xi32>], vector<16xf32>,
          %add3A_701 = arith.constant 48 : i32
          %add3A_702 = vector.broadcast %add3A_701 : i32 to vector<16xi32>
          %add3A_703 = arith.addi %iota3A, %add3A_702 : vector<16xi32>
          %and3A_704 = arith.constant 63 : i32
          %and3A_705 = vector.broadcast %and3A_704 : i32 to vector<16xi32>
          %and3A_706 = arith.andi %add3A_703, %and3A_705 : vector<16xi32>
          %add3A_707 = arith.constant 49 : i32
          %add3A_708 = vector.broadcast %add3A_707 : i32 to vector<16xi32>
          %add3A_709 = arith.addi %iota3A, %add3A_708 : vector<16xi32>
          %and3A_710 = arith.constant 63 : i32
          %and3A_711 = vector.broadcast %and3A_710 : i32 to vector<16xi32>
          %and3A_712 = arith.andi %add3A_709, %and3A_711 : vector<16xi32>
          %add3A_713 = arith.constant 50 : i32
          %add3A_714 = vector.broadcast %add3A_713 : i32 to vector<16xi32>
          %add3A_715 = arith.addi %iota3A, %add3A_714 : vector<16xi32>
          %and3A_716 = arith.constant 63 : i32
          %and3A_717 = vector.broadcast %and3A_716 : i32 to vector<16xi32>
          %and3A_718 = arith.andi %add3A_715, %and3A_717 : vector<16xi32>
          %add3A_719 = arith.constant 51 : i32
          %add3A_720 = vector.broadcast %add3A_719 : i32 to vector<16xi32>
          %add3A_721 = arith.addi %iota3A, %add3A_720 : vector<16xi32>
          %and3A_722 = arith.constant 63 : i32
          %and3A_723 = vector.broadcast %and3A_722 : i32 to vector<16xi32>
          %and3A_724 = arith.andi %add3A_721, %and3A_723 : vector<16xi32>
          %add3A_725 = arith.constant 52 : i32
          %add3A_726 = vector.broadcast %add3A_725 : i32 to vector<16xi32>
          %add3A_727 = arith.addi %iota3A, %add3A_726 : vector<16xi32>
          %and3A_728 = arith.constant 63 : i32
          %and3A_729 = vector.broadcast %and3A_728 : i32 to vector<16xi32>
          %and3A_730 = arith.andi %add3A_727, %and3A_729 : vector<16xi32>
          %add3A_731 = arith.constant 53 : i32
          %add3A_732 = vector.broadcast %add3A_731 : i32 to vector<16xi32>
          %add3A_733 = arith.addi %iota3A, %add3A_732 : vector<16xi32>
          %and3A_734 = arith.constant 63 : i32
          %and3A_735 = vector.broadcast %and3A_734 : i32 to vector<16xi32>
          %and3A_736 = arith.andi %add3A_733, %and3A_735 : vector<16xi32>
          %add3A_737 = arith.constant 54 : i32
          %add3A_738 = vector.broadcast %add3A_737 : i32 to vector<16xi32>
          %add3A_739 = arith.addi %iota3A, %add3A_738 : vector<16xi32>
          %and3A_740 = arith.constant 63 : i32
          %and3A_741 = vector.broadcast %and3A_740 : i32 to vector<16xi32>
          %and3A_742 = arith.andi %add3A_739, %and3A_741 : vector<16xi32>
          %add3A_743 = arith.constant 55 : i32
          %add3A_744 = vector.broadcast %add3A_743 : i32 to vector<16xi32>
          %add3A_745 = arith.addi %iota3A, %add3A_744 : vector<16xi32>
          %and3A_746 = arith.constant 63 : i32
          %and3A_747 = vector.broadcast %and3A_746 : i32 to vector<16xi32>
          %and3A_748 = arith.andi %add3A_745, %and3A_747 : vector<16xi32>
          %add3A_749 = arith.constant 56 : i32
          %add3A_750 = vector.broadcast %add3A_749 : i32 to vector<16xi32>
          %add3A_751 = arith.addi %iota3A, %add3A_750 : vector<16xi32>
          %and3A_752 = arith.constant 63 : i32
          %and3A_753 = vector.broadcast %and3A_752 : i32 to vector<16xi32>
          %and3A_754 = arith.andi %add3A_751, %and3A_753 : vector<16xi32>
          %add3A_755 = arith.constant 57 : i32
          %add3A_756 = vector.broadcast %add3A_755 : i32 to vector<16xi32>
          %add3A_757 = arith.addi %iota3A, %add3A_756 : vector<16xi32>
          %and3A_758 = arith.constant 63 : i32
          %and3A_759 = vector.broadcast %and3A_758 : i32 to vector<16xi32>
          %and3A_760 = arith.andi %add3A_757, %and3A_759 : vector<16xi32>
          %add3A_761 = arith.constant 58 : i32
          %add3A_762 = vector.broadcast %add3A_761 : i32 to vector<16xi32>
          %add3A_763 = arith.addi %iota3A, %add3A_762 : vector<16xi32>
          %and3A_764 = arith.constant 63 : i32
          %and3A_765 = vector.broadcast %and3A_764 : i32 to vector<16xi32>
          %and3A_766 = arith.andi %add3A_763, %and3A_765 : vector<16xi32>
          %add3A_767 = arith.constant 59 : i32
          %add3A_768 = vector.broadcast %add3A_767 : i32 to vector<16xi32>
          %add3A_769 = arith.addi %iota3A, %add3A_768 : vector<16xi32>
          %and3A_770 = arith.constant 63 : i32
          %and3A_771 = vector.broadcast %and3A_770 : i32 to vector<16xi32>
          %and3A_772 = arith.andi %add3A_769, %and3A_771 : vector<16xi32>
          %add3A_773 = arith.constant 60 : i32
          %add3A_774 = vector.broadcast %add3A_773 : i32 to vector<16xi32>
          %add3A_775 = arith.addi %iota3A, %add3A_774 : vector<16xi32>
          %and3A_776 = arith.constant 63 : i32
          %and3A_777 = vector.broadcast %and3A_776 : i32 to vector<16xi32>
          %and3A_778 = arith.andi %add3A_775, %and3A_777 : vector<16xi32>
          %add3A_779 = arith.constant 61 : i32
          %add3A_780 = vector.broadcast %add3A_779 : i32 to vector<16xi32>
          %add3A_781 = arith.addi %iota3A, %add3A_780 : vector<16xi32>
          %and3A_782 = arith.constant 63 : i32
          %and3A_783 = vector.broadcast %and3A_782 : i32 to vector<16xi32>
          %and3A_784 = arith.andi %add3A_781, %and3A_783 : vector<16xi32>
          %add3A_785 = arith.constant 62 : i32
          %add3A_786 = vector.broadcast %add3A_785 : i32 to vector<16xi32>
          %add3A_787 = arith.addi %iota3A, %add3A_786 : vector<16xi32>
          %and3A_788 = arith.constant 63 : i32
          %and3A_789 = vector.broadcast %and3A_788 : i32 to vector<16xi32>
          %and3A_790 = arith.andi %add3A_787, %and3A_789 : vector<16xi32>
          %add3A_791 = arith.constant 63 : i32
          %add3A_792 = vector.broadcast %add3A_791 : i32 to vector<16xi32>
          %add3A_793 = arith.addi %iota3A, %add3A_792 : vector<16xi32>
          %and3A_794 = arith.constant 63 : i32
          %and3A_795 = vector.broadcast %and3A_794 : i32 to vector<16xi32>
          %and3A_796 = arith.andi %add3A_793, %and3A_795 : vector<16xi32>
          %add3A_797 = arith.addi %mul3A_125, %and3A_706 : vector<16xi32>
          %gather3A_798 = tpu.vector_load_idx %arg7[%add3A_797] : memref<8064xf32, #tpu.memory_space<vmem>>[vector<16xi32>], vector<16xf32>,
          %add3A_799 = arith.addi %mul3A_125, %and3A_712 : vector<16xi32>
          %gather3A_800 = tpu.vector_load_idx %arg7[%add3A_799] : memref<8064xf32, #tpu.memory_space<vmem>>[vector<16xi32>], vector<16xf32>,
          %add3A_801 = arith.addi %mul3A_125, %and3A_718 : vector<16xi32>
          %gather3A_802 = tpu.vector_load_idx %arg7[%add3A_801] : memref<8064xf32, #tpu.memory_space<vmem>>[vector<16xi32>], vector<16xf32>,
          %add3A_803 = arith.addi %mul3A_125, %and3A_724 : vector<16xi32>
          %gather3A_804 = tpu.vector_load_idx %arg7[%add3A_803] : memref<8064xf32, #tpu.memory_space<vmem>>[vector<16xi32>], vector<16xf32>,
          %add3A_805 = arith.addi %mul3A_125, %and3A_730 : vector<16xi32>
          %gather3A_806 = tpu.vector_load_idx %arg7[%add3A_805] : memref<8064xf32, #tpu.memory_space<vmem>>[vector<16xi32>], vector<16xf32>,
          %add3A_807 = arith.addi %mul3A_125, %and3A_736 : vector<16xi32>
          %gather3A_808 = tpu.vector_load_idx %arg7[%add3A_807] : memref<8064xf32, #tpu.memory_space<vmem>>[vector<16xi32>], vector<16xf32>,
          %add3A_809 = arith.addi %mul3A_125, %and3A_742 : vector<16xi32>
          %gather3A_810 = tpu.vector_load_idx %arg7[%add3A_809] : memref<8064xf32, #tpu.memory_space<vmem>>[vector<16xi32>], vector<16xf32>,
          %add3A_811 = arith.addi %mul3A_125, %and3A_748 : vector<16xi32>
          %gather3A_812 = tpu.vector_load_idx %arg7[%add3A_811] : memref<8064xf32, #tpu.memory_space<vmem>>[vector<16xi32>], vector<16xf32>,
          %add3A_813 = arith.addi %mul3A_125, %and3A_754 : vector<16xi32>
          %gather3A_814 = tpu.vector_load_idx %arg7[%add3A_813] : memref<8064xf32, #tpu.memory_space<vmem>>[vector<16xi32>], vector<16xf32>,
          %add3A_815 = arith.addi %mul3A_125, %and3A_760 : vector<16xi32>
          %gather3A_816 = tpu.vector_load_idx %arg7[%add3A_815] : memref<8064xf32, #tpu.memory_space<vmem>>[vector<16xi32>], vector<16xf32>,
          %add3A_817 = arith.addi %mul3A_125, %and3A_766 : vector<16xi32>
          %gather3A_818 = tpu.vector_load_idx %arg7[%add3A_817] : memref<8064xf32, #tpu.memory_space<vmem>>[vector<16xi32>], vector<16xf32>,
          %add3A_819 = arith.addi %mul3A_125, %and3A_772 : vector<16xi32>
          %gather3A_820 = tpu.vector_load_idx %arg7[%add3A_819] : memref<8064xf32, #tpu.memory_space<vmem>>[vector<16xi32>], vector<16xf32>,
          %add3A_821 = arith.addi %mul3A_125, %and3A_778 : vector<16xi32>
          %gather3A_822 = tpu.vector_load_idx %arg7[%add3A_821] : memref<8064xf32, #tpu.memory_space<vmem>>[vector<16xi32>], vector<16xf32>,
          %add3A_823 = arith.addi %mul3A_125, %and3A_784 : vector<16xi32>
          %gather3A_824 = tpu.vector_load_idx %arg7[%add3A_823] : memref<8064xf32, #tpu.memory_space<vmem>>[vector<16xi32>], vector<16xf32>,
          %add3A_825 = arith.addi %mul3A_125, %and3A_790 : vector<16xi32>
          %gather3A_826 = tpu.vector_load_idx %arg7[%add3A_825] : memref<8064xf32, #tpu.memory_space<vmem>>[vector<16xi32>], vector<16xf32>,
          %add3A_827 = arith.addi %mul3A_125, %and3A_796 : vector<16xi32>
          %gather3A_828 = tpu.vector_load_idx %arg7[%add3A_827] : memref<8064xf32, #tpu.memory_space<vmem>>[vector<16xi32>], vector<16xf32>,
          %scatter3A_829 = arith.constant 0 : i32
          %scatter3A_830 = arith.constant 0 : i32
          %scatter3A_831 = tpu.memref_slice %arg14[%scan3A_69, %scatter3A_829, %scatter3A_830] : memref<2x320x64xf32, #tpu.memory_space<vmem>> -> memref<1x320x64xf32, #tpu.memory_space<vmem>>
          %scatter3A_832 = tpu.memref_squeeze %scatter3A_831 : memref<1x320x64xf32, #tpu.memory_space<vmem>> -> memref<320x64xf32, #tpu.memory_space<vmem>>
          tpu.vector_store_idx %scatter3A_832[%add3A_127, %and3A_706], %gather3A_798 : memref<320x64xf32, #tpu.memory_space<vmem>>[vector<16xi32>, vector<16xi32>], vector<16xf32>,
          %scatter3A_833 = arith.constant 0 : i32
          %scatter3A_834 = arith.constant 0 : i32
          %scatter3A_835 = tpu.memref_slice %arg14[%scan3A_69, %scatter3A_833, %scatter3A_834] : memref<2x320x64xf32, #tpu.memory_space<vmem>> -> memref<1x320x64xf32, #tpu.memory_space<vmem>>
          %scatter3A_836 = tpu.memref_squeeze %scatter3A_835 : memref<1x320x64xf32, #tpu.memory_space<vmem>> -> memref<320x64xf32, #tpu.memory_space<vmem>>
          tpu.vector_store_idx %scatter3A_836[%add3A_127, %and3A_712], %gather3A_800 : memref<320x64xf32, #tpu.memory_space<vmem>>[vector<16xi32>, vector<16xi32>], vector<16xf32>,
          %scatter3A_837 = arith.constant 0 : i32
          %scatter3A_838 = arith.constant 0 : i32
          %scatter3A_839 = tpu.memref_slice %arg14[%scan3A_69, %scatter3A_837, %scatter3A_838] : memref<2x320x64xf32, #tpu.memory_space<vmem>> -> memref<1x320x64xf32, #tpu.memory_space<vmem>>
          %scatter3A_840 = tpu.memref_squeeze %scatter3A_839 : memref<1x320x64xf32, #tpu.memory_space<vmem>> -> memref<320x64xf32, #tpu.memory_space<vmem>>
          tpu.vector_store_idx %scatter3A_840[%add3A_127, %and3A_718], %gather3A_802 : memref<320x64xf32, #tpu.memory_space<vmem>>[vector<16xi32>, vector<16xi32>], vector<16xf32>,
          %scatter3A_841 = arith.constant 0 : i32
          %scatter3A_842 = arith.constant 0 : i32
          %scatter3A_843 = tpu.memref_slice %arg14[%scan3A_69, %scatter3A_841, %scatter3A_842] : memref<2x320x64xf32, #tpu.memory_space<vmem>> -> memref<1x320x64xf32, #tpu.memory_space<vmem>>
          %scatter3A_844 = tpu.memref_squeeze %scatter3A_843 : memref<1x320x64xf32, #tpu.memory_space<vmem>> -> memref<320x64xf32, #tpu.memory_space<vmem>>
          tpu.vector_store_idx %scatter3A_844[%add3A_127, %and3A_724], %gather3A_804 : memref<320x64xf32, #tpu.memory_space<vmem>>[vector<16xi32>, vector<16xi32>], vector<16xf32>,
          %scatter3A_845 = arith.constant 0 : i32
          %scatter3A_846 = arith.constant 0 : i32
          %scatter3A_847 = tpu.memref_slice %arg14[%scan3A_69, %scatter3A_845, %scatter3A_846] : memref<2x320x64xf32, #tpu.memory_space<vmem>> -> memref<1x320x64xf32, #tpu.memory_space<vmem>>
          %scatter3A_848 = tpu.memref_squeeze %scatter3A_847 : memref<1x320x64xf32, #tpu.memory_space<vmem>> -> memref<320x64xf32, #tpu.memory_space<vmem>>
          tpu.vector_store_idx %scatter3A_848[%add3A_127, %and3A_730], %gather3A_806 : memref<320x64xf32, #tpu.memory_space<vmem>>[vector<16xi32>, vector<16xi32>], vector<16xf32>,
          %scatter3A_849 = arith.constant 0 : i32
          %scatter3A_850 = arith.constant 0 : i32
          %scatter3A_851 = tpu.memref_slice %arg14[%scan3A_69, %scatter3A_849, %scatter3A_850] : memref<2x320x64xf32, #tpu.memory_space<vmem>> -> memref<1x320x64xf32, #tpu.memory_space<vmem>>
          %scatter3A_852 = tpu.memref_squeeze %scatter3A_851 : memref<1x320x64xf32, #tpu.memory_space<vmem>> -> memref<320x64xf32, #tpu.memory_space<vmem>>
          tpu.vector_store_idx %scatter3A_852[%add3A_127, %and3A_736], %gather3A_808 : memref<320x64xf32, #tpu.memory_space<vmem>>[vector<16xi32>, vector<16xi32>], vector<16xf32>,
          %scatter3A_853 = arith.constant 0 : i32
          %scatter3A_854 = arith.constant 0 : i32
          %scatter3A_855 = tpu.memref_slice %arg14[%scan3A_69, %scatter3A_853, %scatter3A_854] : memref<2x320x64xf32, #tpu.memory_space<vmem>> -> memref<1x320x64xf32, #tpu.memory_space<vmem>>
          %scatter3A_856 = tpu.memref_squeeze %scatter3A_855 : memref<1x320x64xf32, #tpu.memory_space<vmem>> -> memref<320x64xf32, #tpu.memory_space<vmem>>
          tpu.vector_store_idx %scatter3A_856[%add3A_127, %and3A_742], %gather3A_810 : memref<320x64xf32, #tpu.memory_space<vmem>>[vector<16xi32>, vector<16xi32>], vector<16xf32>,
          %scatter3A_857 = arith.constant 0 : i32
          %scatter3A_858 = arith.constant 0 : i32
          %scatter3A_859 = tpu.memref_slice %arg14[%scan3A_69, %scatter3A_857, %scatter3A_858] : memref<2x320x64xf32, #tpu.memory_space<vmem>> -> memref<1x320x64xf32, #tpu.memory_space<vmem>>
          %scatter3A_860 = tpu.memref_squeeze %scatter3A_859 : memref<1x320x64xf32, #tpu.memory_space<vmem>> -> memref<320x64xf32, #tpu.memory_space<vmem>>
          tpu.vector_store_idx %scatter3A_860[%add3A_127, %and3A_748], %gather3A_812 : memref<320x64xf32, #tpu.memory_space<vmem>>[vector<16xi32>, vector<16xi32>], vector<16xf32>,
          %scatter3A_861 = arith.constant 0 : i32
          %scatter3A_862 = arith.constant 0 : i32
          %scatter3A_863 = tpu.memref_slice %arg14[%scan3A_69, %scatter3A_861, %scatter3A_862] : memref<2x320x64xf32, #tpu.memory_space<vmem>> -> memref<1x320x64xf32, #tpu.memory_space<vmem>>
          %scatter3A_864 = tpu.memref_squeeze %scatter3A_863 : memref<1x320x64xf32, #tpu.memory_space<vmem>> -> memref<320x64xf32, #tpu.memory_space<vmem>>
          tpu.vector_store_idx %scatter3A_864[%add3A_127, %and3A_754], %gather3A_814 : memref<320x64xf32, #tpu.memory_space<vmem>>[vector<16xi32>, vector<16xi32>], vector<16xf32>,
          %scatter3A_865 = arith.constant 0 : i32
          %scatter3A_866 = arith.constant 0 : i32
          %scatter3A_867 = tpu.memref_slice %arg14[%scan3A_69, %scatter3A_865, %scatter3A_866] : memref<2x320x64xf32, #tpu.memory_space<vmem>> -> memref<1x320x64xf32, #tpu.memory_space<vmem>>
          %scatter3A_868 = tpu.memref_squeeze %scatter3A_867 : memref<1x320x64xf32, #tpu.memory_space<vmem>> -> memref<320x64xf32, #tpu.memory_space<vmem>>
          tpu.vector_store_idx %scatter3A_868[%add3A_127, %and3A_760], %gather3A_816 : memref<320x64xf32, #tpu.memory_space<vmem>>[vector<16xi32>, vector<16xi32>], vector<16xf32>,
          %scatter3A_869 = arith.constant 0 : i32
          %scatter3A_870 = arith.constant 0 : i32
          %scatter3A_871 = tpu.memref_slice %arg14[%scan3A_69, %scatter3A_869, %scatter3A_870] : memref<2x320x64xf32, #tpu.memory_space<vmem>> -> memref<1x320x64xf32, #tpu.memory_space<vmem>>
          %scatter3A_872 = tpu.memref_squeeze %scatter3A_871 : memref<1x320x64xf32, #tpu.memory_space<vmem>> -> memref<320x64xf32, #tpu.memory_space<vmem>>
          tpu.vector_store_idx %scatter3A_872[%add3A_127, %and3A_766], %gather3A_818 : memref<320x64xf32, #tpu.memory_space<vmem>>[vector<16xi32>, vector<16xi32>], vector<16xf32>,
          %scatter3A_873 = arith.constant 0 : i32
          %scatter3A_874 = arith.constant 0 : i32
          %scatter3A_875 = tpu.memref_slice %arg14[%scan3A_69, %scatter3A_873, %scatter3A_874] : memref<2x320x64xf32, #tpu.memory_space<vmem>> -> memref<1x320x64xf32, #tpu.memory_space<vmem>>
          %scatter3A_876 = tpu.memref_squeeze %scatter3A_875 : memref<1x320x64xf32, #tpu.memory_space<vmem>> -> memref<320x64xf32, #tpu.memory_space<vmem>>
          tpu.vector_store_idx %scatter3A_876[%add3A_127, %and3A_772], %gather3A_820 : memref<320x64xf32, #tpu.memory_space<vmem>>[vector<16xi32>, vector<16xi32>], vector<16xf32>,
          %scatter3A_877 = arith.constant 0 : i32
          %scatter3A_878 = arith.constant 0 : i32
          %scatter3A_879 = tpu.memref_slice %arg14[%scan3A_69, %scatter3A_877, %scatter3A_878] : memref<2x320x64xf32, #tpu.memory_space<vmem>> -> memref<1x320x64xf32, #tpu.memory_space<vmem>>
          %scatter3A_880 = tpu.memref_squeeze %scatter3A_879 : memref<1x320x64xf32, #tpu.memory_space<vmem>> -> memref<320x64xf32, #tpu.memory_space<vmem>>
          tpu.vector_store_idx %scatter3A_880[%add3A_127, %and3A_778], %gather3A_822 : memref<320x64xf32, #tpu.memory_space<vmem>>[vector<16xi32>, vector<16xi32>], vector<16xf32>,
          %scatter3A_881 = arith.constant 0 : i32
          %scatter3A_882 = arith.constant 0 : i32
          %scatter3A_883 = tpu.memref_slice %arg14[%scan3A_69, %scatter3A_881, %scatter3A_882] : memref<2x320x64xf32, #tpu.memory_space<vmem>> -> memref<1x320x64xf32, #tpu.memory_space<vmem>>
          %scatter3A_884 = tpu.memref_squeeze %scatter3A_883 : memref<1x320x64xf32, #tpu.memory_space<vmem>> -> memref<320x64xf32, #tpu.memory_space<vmem>>
          tpu.vector_store_idx %scatter3A_884[%add3A_127, %and3A_784], %gather3A_824 : memref<320x64xf32, #tpu.memory_space<vmem>>[vector<16xi32>, vector<16xi32>], vector<16xf32>,
          %scatter3A_885 = arith.constant 0 : i32
          %scatter3A_886 = arith.constant 0 : i32
          %scatter3A_887 = tpu.memref_slice %arg14[%scan3A_69, %scatter3A_885, %scatter3A_886] : memref<2x320x64xf32, #tpu.memory_space<vmem>> -> memref<1x320x64xf32, #tpu.memory_space<vmem>>
          %scatter3A_888 = tpu.memref_squeeze %scatter3A_887 : memref<1x320x64xf32, #tpu.memory_space<vmem>> -> memref<320x64xf32, #tpu.memory_space<vmem>>
          tpu.vector_store_idx %scatter3A_888[%add3A_127, %and3A_790], %gather3A_826 : memref<320x64xf32, #tpu.memory_space<vmem>>[vector<16xi32>, vector<16xi32>], vector<16xf32>,
          %scatter3A_889 = arith.constant 0 : i32
          %scatter3A_890 = arith.constant 0 : i32
          %scatter3A_891 = tpu.memref_slice %arg14[%scan3A_69, %scatter3A_889, %scatter3A_890] : memref<2x320x64xf32, #tpu.memory_space<vmem>> -> memref<1x320x64xf32, #tpu.memory_space<vmem>>
          %scatter3A_892 = tpu.memref_squeeze %scatter3A_891 : memref<1x320x64xf32, #tpu.memory_space<vmem>> -> memref<320x64xf32, #tpu.memory_space<vmem>>
          tpu.vector_store_idx %scatter3A_892[%add3A_127, %and3A_796], %gather3A_828 : memref<320x64xf32, #tpu.memory_space<vmem>>[vector<16xi32>, vector<16xi32>], vector<16xf32>,
        }
        %scan3A_74 = arith.constant 20 : i32
        %mul3A_75 = arith.constant 320 : i32
        %mul3A_76 = arith.muli %add3A_31, %mul3A_75 : i32
        %multiple_of3A_77 = tpu.assume_multiple %mul3A_76, 8 : i32
        %dma_start3A_78 = arith.constant 0 : i32
        %dma_start3A_79 = arith.constant 0 : i32
        %dma_start3A_80 = arith.constant 0 : i32
        %dma_start3A_81 = tpu.memref_slice %arg14[%dma_start3A_78, %dma_start3A_79, %dma_start3A_80] : memref<2x320x64xf32, #tpu.memory_space<vmem>> -> memref<1x320x64xf32, #tpu.memory_space<vmem>>
        %dma_start3A_82 = tpu.memref_squeeze %dma_start3A_81 : memref<1x320x64xf32, #tpu.memory_space<vmem>> -> memref<320x64xf32, #tpu.memory_space<vmem>>
        %dma_start3A_83 = arith.constant 0 : i32
        %dma_start3A_84 = tpu.memref_slice %arg6[%multiple_of3A_77, %dma_start3A_83] : memref<800000x64xf32, #tpu.memory_space<hbm>> -> memref<320x64xf32, #tpu.memory_space<hbm>>
        %dma_start3A_85 = arith.constant 0 : i32
        %dma_start3A_86 = tpu.memref_slice %arg6[%multiple_of3A_77, %dma_start3A_85] : memref<800000x64xf32, #tpu.memory_space<hbm>> -> memref<320x64xf32, #tpu.memory_space<hbm>>
        %dma_start3A_87 = arith.constant 0 : i32
        %dma_start3A_88 = arith.constant 0 : i32
        %dma_start3A_89 = tpu.memref_slice %arg14[%dma_start3A_78, %dma_start3A_87, %dma_start3A_88] : memref<2x320x64xf32, #tpu.memory_space<vmem>> -> memref<1x320x64xf32, #tpu.memory_space<vmem>>
        %dma_start3A_90 = tpu.memref_squeeze %dma_start3A_89 : memref<1x320x64xf32, #tpu.memory_space<vmem>> -> memref<320x64xf32, #tpu.memory_space<vmem>>
        tpu.enqueue_dma source(%dma_start3A_90 : memref<320x64xf32, #tpu.memory_space<vmem>>) target(%dma_start3A_86 : memref<320x64xf32, #tpu.memory_space<hbm>>) target_semaphore(%arg17 : memref<!tpu.dma_semaphore, #tpu.memory_space<semaphore_mem>>)
      } else {
      }
      %mul3A_37 = arith.constant 2 : i32
      %mul3A_38 = arith.muli %scan3A_24, %mul3A_37 : i32
      %add3A_39 = arith.constant 1 : i32
      %add3A_40 = arith.addi %mul3A_38, %add3A_39 : i32
      %mul3A_41 = arith.constant 32 : i32
      %mul3A_42 = arith.muli %mul3A_41, %add3A_40 : i32
      %add3A_43 = arith.addi %add3A, %mul3A_42 : i32
      %lt3A_44 = arith.constant 2500 : i32
      %lt3A_45 = arith.cmpi slt, %add3A_43, %lt3A_44 : i32
      %convert_element_type3A_46 = arith.extui %lt3A_45 : i1 to i32
      %cond3A_47 = arith.constant 0 : i32
      %cond3A_48 = arith.cmpi ne, %convert_element_type3A_46, %cond3A_47 : i32
      scf.if %cond3A_48 {
        %mul3A_49 = arith.constant 320 : i32
        %mul3A_50 = arith.muli %add3A_43, %mul3A_49 : i32
        %multiple_of3A_51 = tpu.assume_multiple %mul3A_50, 8 : i32
        %dma_wait3A = tpu.memref_slice %arg3[%multiple_of3A_51] : memref<800000xi32, #tpu.memory_space<hbm>> -> memref<320xi32, #tpu.memory_space<hbm>>
        %dma_wait3A_52 = tpu.memref_slice %arg3[%multiple_of3A_51] : memref<800000xi32, #tpu.memory_space<hbm>> -> memref<320xi32, #tpu.memory_space<hbm>>
        tpu.wait_dma2 semaphore(%arg16 : memref<!tpu.dma_semaphore, #tpu.memory_space<semaphore_mem>>) src(%dma_wait3A_52 : memref<320xi32, #tpu.memory_space<hbm>>) dst(%arg9 : memref<320xi32, #tpu.memory_space<vmem>>)
        %dma_wait3A_53 = tpu.memref_slice %arg4[%multiple_of3A_51] : memref<800000xi32, #tpu.memory_space<hbm>> -> memref<320xi32, #tpu.memory_space<hbm>>
        %dma_wait3A_54 = tpu.memref_slice %arg4[%multiple_of3A_51] : memref<800000xi32, #tpu.memory_space<hbm>> -> memref<320xi32, #tpu.memory_space<hbm>>
        tpu.wait_dma2 semaphore(%arg16 : memref<!tpu.dma_semaphore, #tpu.memory_space<semaphore_mem>>) src(%dma_wait3A_54 : memref<320xi32, #tpu.memory_space<hbm>>) dst(%arg11 : memref<320xi32, #tpu.memory_space<vmem>>)
        %dma_wait3A_55 = tpu.memref_slice %arg5[%multiple_of3A_51] : memref<800000xi32, #tpu.memory_space<hbm>> -> memref<320xi32, #tpu.memory_space<hbm>>
        %dma_wait3A_56 = tpu.memref_slice %arg5[%multiple_of3A_51] : memref<800000xi32, #tpu.memory_space<hbm>> -> memref<320xi32, #tpu.memory_space<hbm>>
        tpu.wait_dma2 semaphore(%arg16 : memref<!tpu.dma_semaphore, #tpu.memory_space<semaphore_mem>>) src(%dma_wait3A_56 : memref<320xi32, #tpu.memory_space<hbm>>) dst(%arg13 : memref<320xi32, #tpu.memory_space<vmem>>)
        %add3A_57 = arith.constant 32 : i32
        %add3A_58 = arith.addi %add3A_43, %add3A_57 : i32
        %lt3A_59 = arith.constant 2500 : i32
        %lt3A_60 = arith.cmpi slt, %add3A_58, %lt3A_59 : i32
        %convert_element_type3A_61 = arith.extui %lt3A_60 : i1 to i32
        %cond3A_62 = arith.constant 0 : i32
        %cond3A_63 = arith.cmpi ne, %convert_element_type3A_61, %cond3A_62 : i32
        scf.if %cond3A_63 {
          %add3A_91 = arith.constant 32 : i32
          %add3A_92 = arith.addi %add3A_43, %add3A_91 : i32
          %mul3A_93 = arith.constant 320 : i32
          %mul3A_94 = arith.muli %add3A_92, %mul3A_93 : i32
          %multiple_of3A_95 = tpu.assume_multiple %mul3A_94, 8 : i32
          %dma_start3A_96 = tpu.memref_slice %arg3[%multiple_of3A_95] : memref<800000xi32, #tpu.memory_space<hbm>> -> memref<320xi32, #tpu.memory_space<hbm>>
          %dma_start3A_97 = tpu.memref_slice %arg3[%multiple_of3A_95] : memref<800000xi32, #tpu.memory_space<hbm>> -> memref<320xi32, #tpu.memory_space<hbm>>
          tpu.enqueue_dma source(%dma_start3A_97 : memref<320xi32, #tpu.memory_space<hbm>>) target(%arg8 : memref<320xi32, #tpu.memory_space<vmem>>) target_semaphore(%arg15 : memref<!tpu.dma_semaphore, #tpu.memory_space<semaphore_mem>>)
          %dma_start3A_98 = tpu.memref_slice %arg4[%multiple_of3A_95] : memref<800000xi32, #tpu.memory_space<hbm>> -> memref<320xi32, #tpu.memory_space<hbm>>
          %dma_start3A_99 = tpu.memref_slice %arg4[%multiple_of3A_95] : memref<800000xi32, #tpu.memory_space<hbm>> -> memref<320xi32, #tpu.memory_space<hbm>>
          tpu.enqueue_dma source(%dma_start3A_99 : memref<320xi32, #tpu.memory_space<hbm>>) target(%arg10 : memref<320xi32, #tpu.memory_space<vmem>>) target_semaphore(%arg15 : memref<!tpu.dma_semaphore, #tpu.memory_space<semaphore_mem>>)
          %dma_start3A_100 = tpu.memref_slice %arg5[%multiple_of3A_95] : memref<800000xi32, #tpu.memory_space<hbm>> -> memref<320xi32, #tpu.memory_space<hbm>>
          %dma_start3A_101 = tpu.memref_slice %arg5[%multiple_of3A_95] : memref<800000xi32, #tpu.memory_space<hbm>> -> memref<320xi32, #tpu.memory_space<hbm>>
          tpu.enqueue_dma source(%dma_start3A_101 : memref<320xi32, #tpu.memory_space<hbm>>) target(%arg12 : memref<320xi32, #tpu.memory_space<vmem>>) target_semaphore(%arg15 : memref<!tpu.dma_semaphore, #tpu.memory_space<semaphore_mem>>)
        } else {
        }
        %ge3A = arith.constant 2 : i32
        %ge3A_64 = arith.cmpi sge, %add3A_40, %ge3A : i32
        %convert_element_type3A_65 = arith.extui %ge3A_64 : i1 to i32
        %cond3A_66 = arith.constant 0 : i32
        %cond3A_67 = arith.cmpi ne, %convert_element_type3A_65, %cond3A_66 : i32
        scf.if %cond3A_67 {
          %sub3A = arith.constant 64 : i32
          %sub3A_91 = arith.subi %add3A_43, %sub3A : i32
          %mul3A_92 = arith.constant 320 : i32
          %mul3A_93 = arith.muli %sub3A_91, %mul3A_92 : i32
          %multiple_of3A_94 = tpu.assume_multiple %mul3A_93, 8 : i32
          %dma_wait3A_95 = arith.constant 1 : i32
          %dma_wait3A_96 = arith.constant 0 : i32
          %dma_wait3A_97 = arith.constant 0 : i32
          %dma_wait3A_98 = tpu.memref_slice %arg14[%dma_wait3A_95, %dma_wait3A_96, %dma_wait3A_97] : memref<2x320x64xf32, #tpu.memory_space<vmem>> -> memref<1x320x64xf32, #tpu.memory_space<vmem>>
          %dma_wait3A_99 = tpu.memref_squeeze %dma_wait3A_98 : memref<1x320x64xf32, #tpu.memory_space<vmem>> -> memref<320x64xf32, #tpu.memory_space<vmem>>
          %dma_wait3A_100 = arith.constant 0 : i32
          %dma_wait3A_101 = tpu.memref_slice %arg6[%multiple_of3A_94, %dma_wait3A_100] : memref<800000x64xf32, #tpu.memory_space<hbm>> -> memref<320x64xf32, #tpu.memory_space<hbm>>
          %dma_wait3A_102 = arith.constant 0 : i32
          %dma_wait3A_103 = tpu.memref_slice %arg6[%multiple_of3A_94, %dma_wait3A_102] : memref<800000x64xf32, #tpu.memory_space<hbm>> -> memref<320x64xf32, #tpu.memory_space<hbm>>
          %dma_wait3A_104 = arith.constant 0 : i32
          %dma_wait3A_105 = arith.constant 0 : i32
          %dma_wait3A_106 = tpu.memref_slice %arg14[%dma_wait3A_95, %dma_wait3A_104, %dma_wait3A_105] : memref<2x320x64xf32, #tpu.memory_space<vmem>> -> memref<1x320x64xf32, #tpu.memory_space<vmem>>
          %dma_wait3A_107 = tpu.memref_squeeze %dma_wait3A_106 : memref<1x320x64xf32, #tpu.memory_space<vmem>> -> memref<320x64xf32, #tpu.memory_space<vmem>>
          tpu.wait_dma2 semaphore(%arg18 : memref<!tpu.dma_semaphore, #tpu.memory_space<semaphore_mem>>) src(%dma_wait3A_107 : memref<320x64xf32, #tpu.memory_space<vmem>>) dst(%dma_wait3A_103 : memref<320x64xf32, #tpu.memory_space<hbm>>)
        } else {
        }
        %scan3A_68 = arith.constant 0 : i32
        %scan3A_69 = arith.constant 1 : i32
        %scan3A_70 = arith.constant 0 : i32
        %scan3A_71 = arith.constant 20 : i32
        %scan3A_72 = arith.addi %scan3A_70, %scan3A_71 : i32
        %scan3A_73 = arith.constant 1 : i32
        scf.for %scan3A_91 = %scan3A_70 to %scan3A_72 step %scan3A_73  : i32 {
          %mul3A_92 = arith.constant 16 : i32
          %mul3A_93 = arith.muli %scan3A_91, %mul3A_92 : i32
          %multiple_of3A_94 = tpu.assume_multiple %mul3A_93, 16 : i32
          %get3A = arith.index_cast %multiple_of3A_94 : i32 to index
          %get3A_95 = tpu.vector_load %arg9[%get3A] {strides = array<i32>} : memref<320xi32, #tpu.memory_space<vmem>>, vector<16xi32>,
          %jit3A = arith.constant 0 : i32
          %jit3A_96 = arith.constant 5 : i32
          %max3A = vector.broadcast %jit3A : i32 to vector<16xi32>
          %max3A_97 = arith.maxsi %max3A, %get3A_95 : vector<16xi32>
          %min3A = vector.broadcast %jit3A_96 : i32 to vector<16xi32>
          %min3A_98 = arith.minsi %min3A, %max3A_97 : vector<16xi32>
          %get3A_99 = arith.index_cast %multiple_of3A_94 : i32 to index
          %get3A_100 = tpu.vector_load %arg11[%get3A_99] {strides = array<i32>} : memref<320xi32, #tpu.memory_space<vmem>>, vector<16xi32>,
          %jit3A_101 = arith.constant 0 : i32
          %jit3A_102 = arith.constant 6 : i32
          %max3A_103 = vector.broadcast %jit3A_101 : i32 to vector<16xi32>
          %max3A_104 = arith.maxsi %max3A_103, %get3A_100 : vector<16xi32>
          %min3A_105 = vector.broadcast %jit3A_102 : i32 to vector<16xi32>
          %min3A_106 = arith.minsi %min3A_105, %max3A_104 : vector<16xi32>
          %get3A_107 = arith.index_cast %multiple_of3A_94 : i32 to index
          %get3A_108 = tpu.vector_load %arg13[%get3A_107] {strides = array<i32>} : memref<320xi32, #tpu.memory_space<vmem>>, vector<16xi32>,
          %jit3A_109 = arith.constant 0 : i32
          %jit3A_110 = arith.constant 2 : i32
          %max3A_111 = vector.broadcast %jit3A_109 : i32 to vector<16xi32>
          %max3A_112 = arith.maxsi %max3A_111, %get3A_108 : vector<16xi32>
          %min3A_113 = vector.broadcast %jit3A_110 : i32 to vector<16xi32>
          %min3A_114 = arith.minsi %min3A_113, %max3A_112 : vector<16xi32>
          %mul3A_115 = arith.constant 6 : i32
          %mul3A_116 = vector.broadcast %mul3A_115 : i32 to vector<16xi32>
          %mul3A_117 = arith.muli %min3A_106, %mul3A_116 : vector<16xi32>
          %add3A_118 = arith.addi %min3A_98, %mul3A_117 : vector<16xi32>
          %mul3A_119 = arith.constant 42 : i32
          %mul3A_120 = vector.broadcast %mul3A_119 : i32 to vector<16xi32>
          %mul3A_121 = arith.muli %min3A_114, %mul3A_120 : vector<16xi32>
          %add3A_122 = arith.addi %add3A_118, %mul3A_121 : vector<16xi32>
          %mul3A_123 = arith.constant 64 : i32
          %mul3A_124 = vector.broadcast %mul3A_123 : i32 to vector<16xi32>
          %mul3A_125 = arith.muli %add3A_122, %mul3A_124 : vector<16xi32>
          %add3A_126 = vector.broadcast %multiple_of3A_94 : i32 to vector<16xi32>
          %add3A_127 = arith.addi %add3A_126, %iota3A : vector<16xi32>
          %add3A_128 = arith.constant 0 : i32
          %add3A_129 = vector.broadcast %add3A_128 : i32 to vector<16xi32>
          %add3A_130 = arith.addi %iota3A, %add3A_129 : vector<16xi32>
          %and3A = arith.constant 63 : i32
          %and3A_131 = vector.broadcast %and3A : i32 to vector<16xi32>
          %and3A_132 = arith.andi %add3A_130, %and3A_131 : vector<16xi32>
          %add3A_133 = arith.constant 1 : i32
          %add3A_134 = vector.broadcast %add3A_133 : i32 to vector<16xi32>
          %add3A_135 = arith.addi %iota3A, %add3A_134 : vector<16xi32>
          %and3A_136 = arith.constant 63 : i32
          %and3A_137 = vector.broadcast %and3A_136 : i32 to vector<16xi32>
          %and3A_138 = arith.andi %add3A_135, %and3A_137 : vector<16xi32>
          %add3A_139 = arith.constant 2 : i32
          %add3A_140 = vector.broadcast %add3A_139 : i32 to vector<16xi32>
          %add3A_141 = arith.addi %iota3A, %add3A_140 : vector<16xi32>
          %and3A_142 = arith.constant 63 : i32
          %and3A_143 = vector.broadcast %and3A_142 : i32 to vector<16xi32>
          %and3A_144 = arith.andi %add3A_141, %and3A_143 : vector<16xi32>
          %add3A_145 = arith.constant 3 : i32
          %add3A_146 = vector.broadcast %add3A_145 : i32 to vector<16xi32>
          %add3A_147 = arith.addi %iota3A, %add3A_146 : vector<16xi32>
          %and3A_148 = arith.constant 63 : i32
          %and3A_149 = vector.broadcast %and3A_148 : i32 to vector<16xi32>
          %and3A_150 = arith.andi %add3A_147, %and3A_149 : vector<16xi32>
          %add3A_151 = arith.constant 4 : i32
          %add3A_152 = vector.broadcast %add3A_151 : i32 to vector<16xi32>
          %add3A_153 = arith.addi %iota3A, %add3A_152 : vector<16xi32>
          %and3A_154 = arith.constant 63 : i32
          %and3A_155 = vector.broadcast %and3A_154 : i32 to vector<16xi32>
          %and3A_156 = arith.andi %add3A_153, %and3A_155 : vector<16xi32>
          %add3A_157 = arith.constant 5 : i32
          %add3A_158 = vector.broadcast %add3A_157 : i32 to vector<16xi32>
          %add3A_159 = arith.addi %iota3A, %add3A_158 : vector<16xi32>
          %and3A_160 = arith.constant 63 : i32
          %and3A_161 = vector.broadcast %and3A_160 : i32 to vector<16xi32>
          %and3A_162 = arith.andi %add3A_159, %and3A_161 : vector<16xi32>
          %add3A_163 = arith.constant 6 : i32
          %add3A_164 = vector.broadcast %add3A_163 : i32 to vector<16xi32>
          %add3A_165 = arith.addi %iota3A, %add3A_164 : vector<16xi32>
          %and3A_166 = arith.constant 63 : i32
          %and3A_167 = vector.broadcast %and3A_166 : i32 to vector<16xi32>
          %and3A_168 = arith.andi %add3A_165, %and3A_167 : vector<16xi32>
          %add3A_169 = arith.constant 7 : i32
          %add3A_170 = vector.broadcast %add3A_169 : i32 to vector<16xi32>
          %add3A_171 = arith.addi %iota3A, %add3A_170 : vector<16xi32>
          %and3A_172 = arith.constant 63 : i32
          %and3A_173 = vector.broadcast %and3A_172 : i32 to vector<16xi32>
          %and3A_174 = arith.andi %add3A_171, %and3A_173 : vector<16xi32>
          %add3A_175 = arith.constant 8 : i32
          %add3A_176 = vector.broadcast %add3A_175 : i32 to vector<16xi32>
          %add3A_177 = arith.addi %iota3A, %add3A_176 : vector<16xi32>
          %and3A_178 = arith.constant 63 : i32
          %and3A_179 = vector.broadcast %and3A_178 : i32 to vector<16xi32>
          %and3A_180 = arith.andi %add3A_177, %and3A_179 : vector<16xi32>
          %add3A_181 = arith.constant 9 : i32
          %add3A_182 = vector.broadcast %add3A_181 : i32 to vector<16xi32>
          %add3A_183 = arith.addi %iota3A, %add3A_182 : vector<16xi32>
          %and3A_184 = arith.constant 63 : i32
          %and3A_185 = vector.broadcast %and3A_184 : i32 to vector<16xi32>
          %and3A_186 = arith.andi %add3A_183, %and3A_185 : vector<16xi32>
          %add3A_187 = arith.constant 10 : i32
          %add3A_188 = vector.broadcast %add3A_187 : i32 to vector<16xi32>
          %add3A_189 = arith.addi %iota3A, %add3A_188 : vector<16xi32>
          %and3A_190 = arith.constant 63 : i32
          %and3A_191 = vector.broadcast %and3A_190 : i32 to vector<16xi32>
          %and3A_192 = arith.andi %add3A_189, %and3A_191 : vector<16xi32>
          %add3A_193 = arith.constant 11 : i32
          %add3A_194 = vector.broadcast %add3A_193 : i32 to vector<16xi32>
          %add3A_195 = arith.addi %iota3A, %add3A_194 : vector<16xi32>
          %and3A_196 = arith.constant 63 : i32
          %and3A_197 = vector.broadcast %and3A_196 : i32 to vector<16xi32>
          %and3A_198 = arith.andi %add3A_195, %and3A_197 : vector<16xi32>
          %add3A_199 = arith.constant 12 : i32
          %add3A_200 = vector.broadcast %add3A_199 : i32 to vector<16xi32>
          %add3A_201 = arith.addi %iota3A, %add3A_200 : vector<16xi32>
          %and3A_202 = arith.constant 63 : i32
          %and3A_203 = vector.broadcast %and3A_202 : i32 to vector<16xi32>
          %and3A_204 = arith.andi %add3A_201, %and3A_203 : vector<16xi32>
          %add3A_205 = arith.constant 13 : i32
          %add3A_206 = vector.broadcast %add3A_205 : i32 to vector<16xi32>
          %add3A_207 = arith.addi %iota3A, %add3A_206 : vector<16xi32>
          %and3A_208 = arith.constant 63 : i32
          %and3A_209 = vector.broadcast %and3A_208 : i32 to vector<16xi32>
          %and3A_210 = arith.andi %add3A_207, %and3A_209 : vector<16xi32>
          %add3A_211 = arith.constant 14 : i32
          %add3A_212 = vector.broadcast %add3A_211 : i32 to vector<16xi32>
          %add3A_213 = arith.addi %iota3A, %add3A_212 : vector<16xi32>
          %and3A_214 = arith.constant 63 : i32
          %and3A_215 = vector.broadcast %and3A_214 : i32 to vector<16xi32>
          %and3A_216 = arith.andi %add3A_213, %and3A_215 : vector<16xi32>
          %add3A_217 = arith.constant 15 : i32
          %add3A_218 = vector.broadcast %add3A_217 : i32 to vector<16xi32>
          %add3A_219 = arith.addi %iota3A, %add3A_218 : vector<16xi32>
          %and3A_220 = arith.constant 63 : i32
          %and3A_221 = vector.broadcast %and3A_220 : i32 to vector<16xi32>
          %and3A_222 = arith.andi %add3A_219, %and3A_221 : vector<16xi32>
          %add3A_223 = arith.addi %mul3A_125, %and3A_132 : vector<16xi32>
          %gather3A = tpu.vector_load_idx %arg7[%add3A_223] : memref<8064xf32, #tpu.memory_space<vmem>>[vector<16xi32>], vector<16xf32>,
          %add3A_224 = arith.addi %mul3A_125, %and3A_138 : vector<16xi32>
          %gather3A_225 = tpu.vector_load_idx %arg7[%add3A_224] : memref<8064xf32, #tpu.memory_space<vmem>>[vector<16xi32>], vector<16xf32>,
          %add3A_226 = arith.addi %mul3A_125, %and3A_144 : vector<16xi32>
          %gather3A_227 = tpu.vector_load_idx %arg7[%add3A_226] : memref<8064xf32, #tpu.memory_space<vmem>>[vector<16xi32>], vector<16xf32>,
          %add3A_228 = arith.addi %mul3A_125, %and3A_150 : vector<16xi32>
          %gather3A_229 = tpu.vector_load_idx %arg7[%add3A_228] : memref<8064xf32, #tpu.memory_space<vmem>>[vector<16xi32>], vector<16xf32>,
          %add3A_230 = arith.addi %mul3A_125, %and3A_156 : vector<16xi32>
          %gather3A_231 = tpu.vector_load_idx %arg7[%add3A_230] : memref<8064xf32, #tpu.memory_space<vmem>>[vector<16xi32>], vector<16xf32>,
          %add3A_232 = arith.addi %mul3A_125, %and3A_162 : vector<16xi32>
          %gather3A_233 = tpu.vector_load_idx %arg7[%add3A_232] : memref<8064xf32, #tpu.memory_space<vmem>>[vector<16xi32>], vector<16xf32>,
          %add3A_234 = arith.addi %mul3A_125, %and3A_168 : vector<16xi32>
          %gather3A_235 = tpu.vector_load_idx %arg7[%add3A_234] : memref<8064xf32, #tpu.memory_space<vmem>>[vector<16xi32>], vector<16xf32>,
          %add3A_236 = arith.addi %mul3A_125, %and3A_174 : vector<16xi32>
          %gather3A_237 = tpu.vector_load_idx %arg7[%add3A_236] : memref<8064xf32, #tpu.memory_space<vmem>>[vector<16xi32>], vector<16xf32>,
          %add3A_238 = arith.addi %mul3A_125, %and3A_180 : vector<16xi32>
          %gather3A_239 = tpu.vector_load_idx %arg7[%add3A_238] : memref<8064xf32, #tpu.memory_space<vmem>>[vector<16xi32>], vector<16xf32>,
          %add3A_240 = arith.addi %mul3A_125, %and3A_186 : vector<16xi32>
          %gather3A_241 = tpu.vector_load_idx %arg7[%add3A_240] : memref<8064xf32, #tpu.memory_space<vmem>>[vector<16xi32>], vector<16xf32>,
          %add3A_242 = arith.addi %mul3A_125, %and3A_192 : vector<16xi32>
          %gather3A_243 = tpu.vector_load_idx %arg7[%add3A_242] : memref<8064xf32, #tpu.memory_space<vmem>>[vector<16xi32>], vector<16xf32>,
          %add3A_244 = arith.addi %mul3A_125, %and3A_198 : vector<16xi32>
          %gather3A_245 = tpu.vector_load_idx %arg7[%add3A_244] : memref<8064xf32, #tpu.memory_space<vmem>>[vector<16xi32>], vector<16xf32>,
          %add3A_246 = arith.addi %mul3A_125, %and3A_204 : vector<16xi32>
          %gather3A_247 = tpu.vector_load_idx %arg7[%add3A_246] : memref<8064xf32, #tpu.memory_space<vmem>>[vector<16xi32>], vector<16xf32>,
          %add3A_248 = arith.addi %mul3A_125, %and3A_210 : vector<16xi32>
          %gather3A_249 = tpu.vector_load_idx %arg7[%add3A_248] : memref<8064xf32, #tpu.memory_space<vmem>>[vector<16xi32>], vector<16xf32>,
          %add3A_250 = arith.addi %mul3A_125, %and3A_216 : vector<16xi32>
          %gather3A_251 = tpu.vector_load_idx %arg7[%add3A_250] : memref<8064xf32, #tpu.memory_space<vmem>>[vector<16xi32>], vector<16xf32>,
          %add3A_252 = arith.addi %mul3A_125, %and3A_222 : vector<16xi32>
          %gather3A_253 = tpu.vector_load_idx %arg7[%add3A_252] : memref<8064xf32, #tpu.memory_space<vmem>>[vector<16xi32>], vector<16xf32>,
          %scatter3A = arith.constant 0 : i32
          %scatter3A_254 = arith.constant 0 : i32
          %scatter3A_255 = tpu.memref_slice %arg14[%scan3A_69, %scatter3A, %scatter3A_254] : memref<2x320x64xf32, #tpu.memory_space<vmem>> -> memref<1x320x64xf32, #tpu.memory_space<vmem>>
          %scatter3A_256 = tpu.memref_squeeze %scatter3A_255 : memref<1x320x64xf32, #tpu.memory_space<vmem>> -> memref<320x64xf32, #tpu.memory_space<vmem>>
          tpu.vector_store_idx %scatter3A_256[%add3A_127, %and3A_132], %gather3A : memref<320x64xf32, #tpu.memory_space<vmem>>[vector<16xi32>, vector<16xi32>], vector<16xf32>,
          %scatter3A_257 = arith.constant 0 : i32
          %scatter3A_258 = arith.constant 0 : i32
          %scatter3A_259 = tpu.memref_slice %arg14[%scan3A_69, %scatter3A_257, %scatter3A_258] : memref<2x320x64xf32, #tpu.memory_space<vmem>> -> memref<1x320x64xf32, #tpu.memory_space<vmem>>
          %scatter3A_260 = tpu.memref_squeeze %scatter3A_259 : memref<1x320x64xf32, #tpu.memory_space<vmem>> -> memref<320x64xf32, #tpu.memory_space<vmem>>
          tpu.vector_store_idx %scatter3A_260[%add3A_127, %and3A_138], %gather3A_225 : memref<320x64xf32, #tpu.memory_space<vmem>>[vector<16xi32>, vector<16xi32>], vector<16xf32>,
          %scatter3A_261 = arith.constant 0 : i32
          %scatter3A_262 = arith.constant 0 : i32
          %scatter3A_263 = tpu.memref_slice %arg14[%scan3A_69, %scatter3A_261, %scatter3A_262] : memref<2x320x64xf32, #tpu.memory_space<vmem>> -> memref<1x320x64xf32, #tpu.memory_space<vmem>>
          %scatter3A_264 = tpu.memref_squeeze %scatter3A_263 : memref<1x320x64xf32, #tpu.memory_space<vmem>> -> memref<320x64xf32, #tpu.memory_space<vmem>>
          tpu.vector_store_idx %scatter3A_264[%add3A_127, %and3A_144], %gather3A_227 : memref<320x64xf32, #tpu.memory_space<vmem>>[vector<16xi32>, vector<16xi32>], vector<16xf32>,
          %scatter3A_265 = arith.constant 0 : i32
          %scatter3A_266 = arith.constant 0 : i32
          %scatter3A_267 = tpu.memref_slice %arg14[%scan3A_69, %scatter3A_265, %scatter3A_266] : memref<2x320x64xf32, #tpu.memory_space<vmem>> -> memref<1x320x64xf32, #tpu.memory_space<vmem>>
          %scatter3A_268 = tpu.memref_squeeze %scatter3A_267 : memref<1x320x64xf32, #tpu.memory_space<vmem>> -> memref<320x64xf32, #tpu.memory_space<vmem>>
          tpu.vector_store_idx %scatter3A_268[%add3A_127, %and3A_150], %gather3A_229 : memref<320x64xf32, #tpu.memory_space<vmem>>[vector<16xi32>, vector<16xi32>], vector<16xf32>,
          %scatter3A_269 = arith.constant 0 : i32
          %scatter3A_270 = arith.constant 0 : i32
          %scatter3A_271 = tpu.memref_slice %arg14[%scan3A_69, %scatter3A_269, %scatter3A_270] : memref<2x320x64xf32, #tpu.memory_space<vmem>> -> memref<1x320x64xf32, #tpu.memory_space<vmem>>
          %scatter3A_272 = tpu.memref_squeeze %scatter3A_271 : memref<1x320x64xf32, #tpu.memory_space<vmem>> -> memref<320x64xf32, #tpu.memory_space<vmem>>
          tpu.vector_store_idx %scatter3A_272[%add3A_127, %and3A_156], %gather3A_231 : memref<320x64xf32, #tpu.memory_space<vmem>>[vector<16xi32>, vector<16xi32>], vector<16xf32>,
          %scatter3A_273 = arith.constant 0 : i32
          %scatter3A_274 = arith.constant 0 : i32
          %scatter3A_275 = tpu.memref_slice %arg14[%scan3A_69, %scatter3A_273, %scatter3A_274] : memref<2x320x64xf32, #tpu.memory_space<vmem>> -> memref<1x320x64xf32, #tpu.memory_space<vmem>>
          %scatter3A_276 = tpu.memref_squeeze %scatter3A_275 : memref<1x320x64xf32, #tpu.memory_space<vmem>> -> memref<320x64xf32, #tpu.memory_space<vmem>>
          tpu.vector_store_idx %scatter3A_276[%add3A_127, %and3A_162], %gather3A_233 : memref<320x64xf32, #tpu.memory_space<vmem>>[vector<16xi32>, vector<16xi32>], vector<16xf32>,
          %scatter3A_277 = arith.constant 0 : i32
          %scatter3A_278 = arith.constant 0 : i32
          %scatter3A_279 = tpu.memref_slice %arg14[%scan3A_69, %scatter3A_277, %scatter3A_278] : memref<2x320x64xf32, #tpu.memory_space<vmem>> -> memref<1x320x64xf32, #tpu.memory_space<vmem>>
          %scatter3A_280 = tpu.memref_squeeze %scatter3A_279 : memref<1x320x64xf32, #tpu.memory_space<vmem>> -> memref<320x64xf32, #tpu.memory_space<vmem>>
          tpu.vector_store_idx %scatter3A_280[%add3A_127, %and3A_168], %gather3A_235 : memref<320x64xf32, #tpu.memory_space<vmem>>[vector<16xi32>, vector<16xi32>], vector<16xf32>,
          %scatter3A_281 = arith.constant 0 : i32
          %scatter3A_282 = arith.constant 0 : i32
          %scatter3A_283 = tpu.memref_slice %arg14[%scan3A_69, %scatter3A_281, %scatter3A_282] : memref<2x320x64xf32, #tpu.memory_space<vmem>> -> memref<1x320x64xf32, #tpu.memory_space<vmem>>
          %scatter3A_284 = tpu.memref_squeeze %scatter3A_283 : memref<1x320x64xf32, #tpu.memory_space<vmem>> -> memref<320x64xf32, #tpu.memory_space<vmem>>
          tpu.vector_store_idx %scatter3A_284[%add3A_127, %and3A_174], %gather3A_237 : memref<320x64xf32, #tpu.memory_space<vmem>>[vector<16xi32>, vector<16xi32>], vector<16xf32>,
          %scatter3A_285 = arith.constant 0 : i32
          %scatter3A_286 = arith.constant 0 : i32
          %scatter3A_287 = tpu.memref_slice %arg14[%scan3A_69, %scatter3A_285, %scatter3A_286] : memref<2x320x64xf32, #tpu.memory_space<vmem>> -> memref<1x320x64xf32, #tpu.memory_space<vmem>>
          %scatter3A_288 = tpu.memref_squeeze %scatter3A_287 : memref<1x320x64xf32, #tpu.memory_space<vmem>> -> memref<320x64xf32, #tpu.memory_space<vmem>>
          tpu.vector_store_idx %scatter3A_288[%add3A_127, %and3A_180], %gather3A_239 : memref<320x64xf32, #tpu.memory_space<vmem>>[vector<16xi32>, vector<16xi32>], vector<16xf32>,
          %scatter3A_289 = arith.constant 0 : i32
          %scatter3A_290 = arith.constant 0 : i32
          %scatter3A_291 = tpu.memref_slice %arg14[%scan3A_69, %scatter3A_289, %scatter3A_290] : memref<2x320x64xf32, #tpu.memory_space<vmem>> -> memref<1x320x64xf32, #tpu.memory_space<vmem>>
          %scatter3A_292 = tpu.memref_squeeze %scatter3A_291 : memref<1x320x64xf32, #tpu.memory_space<vmem>> -> memref<320x64xf32, #tpu.memory_space<vmem>>
          tpu.vector_store_idx %scatter3A_292[%add3A_127, %and3A_186], %gather3A_241 : memref<320x64xf32, #tpu.memory_space<vmem>>[vector<16xi32>, vector<16xi32>], vector<16xf32>,
          %scatter3A_293 = arith.constant 0 : i32
          %scatter3A_294 = arith.constant 0 : i32
          %scatter3A_295 = tpu.memref_slice %arg14[%scan3A_69, %scatter3A_293, %scatter3A_294] : memref<2x320x64xf32, #tpu.memory_space<vmem>> -> memref<1x320x64xf32, #tpu.memory_space<vmem>>
          %scatter3A_296 = tpu.memref_squeeze %scatter3A_295 : memref<1x320x64xf32, #tpu.memory_space<vmem>> -> memref<320x64xf32, #tpu.memory_space<vmem>>
          tpu.vector_store_idx %scatter3A_296[%add3A_127, %and3A_192], %gather3A_243 : memref<320x64xf32, #tpu.memory_space<vmem>>[vector<16xi32>, vector<16xi32>], vector<16xf32>,
          %scatter3A_297 = arith.constant 0 : i32
          %scatter3A_298 = arith.constant 0 : i32
          %scatter3A_299 = tpu.memref_slice %arg14[%scan3A_69, %scatter3A_297, %scatter3A_298] : memref<2x320x64xf32, #tpu.memory_space<vmem>> -> memref<1x320x64xf32, #tpu.memory_space<vmem>>
          %scatter3A_300 = tpu.memref_squeeze %scatter3A_299 : memref<1x320x64xf32, #tpu.memory_space<vmem>> -> memref<320x64xf32, #tpu.memory_space<vmem>>
          tpu.vector_store_idx %scatter3A_300[%add3A_127, %and3A_198], %gather3A_245 : memref<320x64xf32, #tpu.memory_space<vmem>>[vector<16xi32>, vector<16xi32>], vector<16xf32>,
          %scatter3A_301 = arith.constant 0 : i32
          %scatter3A_302 = arith.constant 0 : i32
          %scatter3A_303 = tpu.memref_slice %arg14[%scan3A_69, %scatter3A_301, %scatter3A_302] : memref<2x320x64xf32, #tpu.memory_space<vmem>> -> memref<1x320x64xf32, #tpu.memory_space<vmem>>
          %scatter3A_304 = tpu.memref_squeeze %scatter3A_303 : memref<1x320x64xf32, #tpu.memory_space<vmem>> -> memref<320x64xf32, #tpu.memory_space<vmem>>
          tpu.vector_store_idx %scatter3A_304[%add3A_127, %and3A_204], %gather3A_247 : memref<320x64xf32, #tpu.memory_space<vmem>>[vector<16xi32>, vector<16xi32>], vector<16xf32>,
          %scatter3A_305 = arith.constant 0 : i32
          %scatter3A_306 = arith.constant 0 : i32
          %scatter3A_307 = tpu.memref_slice %arg14[%scan3A_69, %scatter3A_305, %scatter3A_306] : memref<2x320x64xf32, #tpu.memory_space<vmem>> -> memref<1x320x64xf32, #tpu.memory_space<vmem>>
          %scatter3A_308 = tpu.memref_squeeze %scatter3A_307 : memref<1x320x64xf32, #tpu.memory_space<vmem>> -> memref<320x64xf32, #tpu.memory_space<vmem>>
          tpu.vector_store_idx %scatter3A_308[%add3A_127, %and3A_210], %gather3A_249 : memref<320x64xf32, #tpu.memory_space<vmem>>[vector<16xi32>, vector<16xi32>], vector<16xf32>,
          %scatter3A_309 = arith.constant 0 : i32
          %scatter3A_310 = arith.constant 0 : i32
          %scatter3A_311 = tpu.memref_slice %arg14[%scan3A_69, %scatter3A_309, %scatter3A_310] : memref<2x320x64xf32, #tpu.memory_space<vmem>> -> memref<1x320x64xf32, #tpu.memory_space<vmem>>
          %scatter3A_312 = tpu.memref_squeeze %scatter3A_311 : memref<1x320x64xf32, #tpu.memory_space<vmem>> -> memref<320x64xf32, #tpu.memory_space<vmem>>
          tpu.vector_store_idx %scatter3A_312[%add3A_127, %and3A_216], %gather3A_251 : memref<320x64xf32, #tpu.memory_space<vmem>>[vector<16xi32>, vector<16xi32>], vector<16xf32>,
          %scatter3A_313 = arith.constant 0 : i32
          %scatter3A_314 = arith.constant 0 : i32
          %scatter3A_315 = tpu.memref_slice %arg14[%scan3A_69, %scatter3A_313, %scatter3A_314] : memref<2x320x64xf32, #tpu.memory_space<vmem>> -> memref<1x320x64xf32, #tpu.memory_space<vmem>>
          %scatter3A_316 = tpu.memref_squeeze %scatter3A_315 : memref<1x320x64xf32, #tpu.memory_space<vmem>> -> memref<320x64xf32, #tpu.memory_space<vmem>>
          tpu.vector_store_idx %scatter3A_316[%add3A_127, %and3A_222], %gather3A_253 : memref<320x64xf32, #tpu.memory_space<vmem>>[vector<16xi32>, vector<16xi32>], vector<16xf32>,
          %add3A_317 = arith.constant 16 : i32
          %add3A_318 = vector.broadcast %add3A_317 : i32 to vector<16xi32>
          %add3A_319 = arith.addi %iota3A, %add3A_318 : vector<16xi32>
          %and3A_320 = arith.constant 63 : i32
          %and3A_321 = vector.broadcast %and3A_320 : i32 to vector<16xi32>
          %and3A_322 = arith.andi %add3A_319, %and3A_321 : vector<16xi32>
          %add3A_323 = arith.constant 17 : i32
          %add3A_324 = vector.broadcast %add3A_323 : i32 to vector<16xi32>
          %add3A_325 = arith.addi %iota3A, %add3A_324 : vector<16xi32>
          %and3A_326 = arith.constant 63 : i32
          %and3A_327 = vector.broadcast %and3A_326 : i32 to vector<16xi32>
          %and3A_328 = arith.andi %add3A_325, %and3A_327 : vector<16xi32>
          %add3A_329 = arith.constant 18 : i32
          %add3A_330 = vector.broadcast %add3A_329 : i32 to vector<16xi32>
          %add3A_331 = arith.addi %iota3A, %add3A_330 : vector<16xi32>
          %and3A_332 = arith.constant 63 : i32
          %and3A_333 = vector.broadcast %and3A_332 : i32 to vector<16xi32>
          %and3A_334 = arith.andi %add3A_331, %and3A_333 : vector<16xi32>
          %add3A_335 = arith.constant 19 : i32
          %add3A_336 = vector.broadcast %add3A_335 : i32 to vector<16xi32>
          %add3A_337 = arith.addi %iota3A, %add3A_336 : vector<16xi32>
          %and3A_338 = arith.constant 63 : i32
          %and3A_339 = vector.broadcast %and3A_338 : i32 to vector<16xi32>
          %and3A_340 = arith.andi %add3A_337, %and3A_339 : vector<16xi32>
          %add3A_341 = arith.constant 20 : i32
          %add3A_342 = vector.broadcast %add3A_341 : i32 to vector<16xi32>
          %add3A_343 = arith.addi %iota3A, %add3A_342 : vector<16xi32>
          %and3A_344 = arith.constant 63 : i32
          %and3A_345 = vector.broadcast %and3A_344 : i32 to vector<16xi32>
          %and3A_346 = arith.andi %add3A_343, %and3A_345 : vector<16xi32>
          %add3A_347 = arith.constant 21 : i32
          %add3A_348 = vector.broadcast %add3A_347 : i32 to vector<16xi32>
          %add3A_349 = arith.addi %iota3A, %add3A_348 : vector<16xi32>
          %and3A_350 = arith.constant 63 : i32
          %and3A_351 = vector.broadcast %and3A_350 : i32 to vector<16xi32>
          %and3A_352 = arith.andi %add3A_349, %and3A_351 : vector<16xi32>
          %add3A_353 = arith.constant 22 : i32
          %add3A_354 = vector.broadcast %add3A_353 : i32 to vector<16xi32>
          %add3A_355 = arith.addi %iota3A, %add3A_354 : vector<16xi32>
          %and3A_356 = arith.constant 63 : i32
          %and3A_357 = vector.broadcast %and3A_356 : i32 to vector<16xi32>
          %and3A_358 = arith.andi %add3A_355, %and3A_357 : vector<16xi32>
          %add3A_359 = arith.constant 23 : i32
          %add3A_360 = vector.broadcast %add3A_359 : i32 to vector<16xi32>
          %add3A_361 = arith.addi %iota3A, %add3A_360 : vector<16xi32>
          %and3A_362 = arith.constant 63 : i32
          %and3A_363 = vector.broadcast %and3A_362 : i32 to vector<16xi32>
          %and3A_364 = arith.andi %add3A_361, %and3A_363 : vector<16xi32>
          %add3A_365 = arith.constant 24 : i32
          %add3A_366 = vector.broadcast %add3A_365 : i32 to vector<16xi32>
          %add3A_367 = arith.addi %iota3A, %add3A_366 : vector<16xi32>
          %and3A_368 = arith.constant 63 : i32
          %and3A_369 = vector.broadcast %and3A_368 : i32 to vector<16xi32>
          %and3A_370 = arith.andi %add3A_367, %and3A_369 : vector<16xi32>
          %add3A_371 = arith.constant 25 : i32
          %add3A_372 = vector.broadcast %add3A_371 : i32 to vector<16xi32>
          %add3A_373 = arith.addi %iota3A, %add3A_372 : vector<16xi32>
          %and3A_374 = arith.constant 63 : i32
          %and3A_375 = vector.broadcast %and3A_374 : i32 to vector<16xi32>
          %and3A_376 = arith.andi %add3A_373, %and3A_375 : vector<16xi32>
          %add3A_377 = arith.constant 26 : i32
          %add3A_378 = vector.broadcast %add3A_377 : i32 to vector<16xi32>
          %add3A_379 = arith.addi %iota3A, %add3A_378 : vector<16xi32>
          %and3A_380 = arith.constant 63 : i32
          %and3A_381 = vector.broadcast %and3A_380 : i32 to vector<16xi32>
          %and3A_382 = arith.andi %add3A_379, %and3A_381 : vector<16xi32>
          %add3A_383 = arith.constant 27 : i32
          %add3A_384 = vector.broadcast %add3A_383 : i32 to vector<16xi32>
          %add3A_385 = arith.addi %iota3A, %add3A_384 : vector<16xi32>
          %and3A_386 = arith.constant 63 : i32
          %and3A_387 = vector.broadcast %and3A_386 : i32 to vector<16xi32>
          %and3A_388 = arith.andi %add3A_385, %and3A_387 : vector<16xi32>
          %add3A_389 = arith.constant 28 : i32
          %add3A_390 = vector.broadcast %add3A_389 : i32 to vector<16xi32>
          %add3A_391 = arith.addi %iota3A, %add3A_390 : vector<16xi32>
          %and3A_392 = arith.constant 63 : i32
          %and3A_393 = vector.broadcast %and3A_392 : i32 to vector<16xi32>
          %and3A_394 = arith.andi %add3A_391, %and3A_393 : vector<16xi32>
          %add3A_395 = arith.constant 29 : i32
          %add3A_396 = vector.broadcast %add3A_395 : i32 to vector<16xi32>
          %add3A_397 = arith.addi %iota3A, %add3A_396 : vector<16xi32>
          %and3A_398 = arith.constant 63 : i32
          %and3A_399 = vector.broadcast %and3A_398 : i32 to vector<16xi32>
          %and3A_400 = arith.andi %add3A_397, %and3A_399 : vector<16xi32>
          %add3A_401 = arith.constant 30 : i32
          %add3A_402 = vector.broadcast %add3A_401 : i32 to vector<16xi32>
          %add3A_403 = arith.addi %iota3A, %add3A_402 : vector<16xi32>
          %and3A_404 = arith.constant 63 : i32
          %and3A_405 = vector.broadcast %and3A_404 : i32 to vector<16xi32>
          %and3A_406 = arith.andi %add3A_403, %and3A_405 : vector<16xi32>
          %add3A_407 = arith.constant 31 : i32
          %add3A_408 = vector.broadcast %add3A_407 : i32 to vector<16xi32>
          %add3A_409 = arith.addi %iota3A, %add3A_408 : vector<16xi32>
          %and3A_410 = arith.constant 63 : i32
          %and3A_411 = vector.broadcast %and3A_410 : i32 to vector<16xi32>
          %and3A_412 = arith.andi %add3A_409, %and3A_411 : vector<16xi32>
          %add3A_413 = arith.addi %mul3A_125, %and3A_322 : vector<16xi32>
          %gather3A_414 = tpu.vector_load_idx %arg7[%add3A_413] : memref<8064xf32, #tpu.memory_space<vmem>>[vector<16xi32>], vector<16xf32>,
          %add3A_415 = arith.addi %mul3A_125, %and3A_328 : vector<16xi32>
          %gather3A_416 = tpu.vector_load_idx %arg7[%add3A_415] : memref<8064xf32, #tpu.memory_space<vmem>>[vector<16xi32>], vector<16xf32>,
          %add3A_417 = arith.addi %mul3A_125, %and3A_334 : vector<16xi32>
          %gather3A_418 = tpu.vector_load_idx %arg7[%add3A_417] : memref<8064xf32, #tpu.memory_space<vmem>>[vector<16xi32>], vector<16xf32>,
          %add3A_419 = arith.addi %mul3A_125, %and3A_340 : vector<16xi32>
          %gather3A_420 = tpu.vector_load_idx %arg7[%add3A_419] : memref<8064xf32, #tpu.memory_space<vmem>>[vector<16xi32>], vector<16xf32>,
          %add3A_421 = arith.addi %mul3A_125, %and3A_346 : vector<16xi32>
          %gather3A_422 = tpu.vector_load_idx %arg7[%add3A_421] : memref<8064xf32, #tpu.memory_space<vmem>>[vector<16xi32>], vector<16xf32>,
          %add3A_423 = arith.addi %mul3A_125, %and3A_352 : vector<16xi32>
          %gather3A_424 = tpu.vector_load_idx %arg7[%add3A_423] : memref<8064xf32, #tpu.memory_space<vmem>>[vector<16xi32>], vector<16xf32>,
          %add3A_425 = arith.addi %mul3A_125, %and3A_358 : vector<16xi32>
          %gather3A_426 = tpu.vector_load_idx %arg7[%add3A_425] : memref<8064xf32, #tpu.memory_space<vmem>>[vector<16xi32>], vector<16xf32>,
          %add3A_427 = arith.addi %mul3A_125, %and3A_364 : vector<16xi32>
          %gather3A_428 = tpu.vector_load_idx %arg7[%add3A_427] : memref<8064xf32, #tpu.memory_space<vmem>>[vector<16xi32>], vector<16xf32>,
          %add3A_429 = arith.addi %mul3A_125, %and3A_370 : vector<16xi32>
          %gather3A_430 = tpu.vector_load_idx %arg7[%add3A_429] : memref<8064xf32, #tpu.memory_space<vmem>>[vector<16xi32>], vector<16xf32>,
          %add3A_431 = arith.addi %mul3A_125, %and3A_376 : vector<16xi32>
          %gather3A_432 = tpu.vector_load_idx %arg7[%add3A_431] : memref<8064xf32, #tpu.memory_space<vmem>>[vector<16xi32>], vector<16xf32>,
          %add3A_433 = arith.addi %mul3A_125, %and3A_382 : vector<16xi32>
          %gather3A_434 = tpu.vector_load_idx %arg7[%add3A_433] : memref<8064xf32, #tpu.memory_space<vmem>>[vector<16xi32>], vector<16xf32>,
          %add3A_435 = arith.addi %mul3A_125, %and3A_388 : vector<16xi32>
          %gather3A_436 = tpu.vector_load_idx %arg7[%add3A_435] : memref<8064xf32, #tpu.memory_space<vmem>>[vector<16xi32>], vector<16xf32>,
          %add3A_437 = arith.addi %mul3A_125, %and3A_394 : vector<16xi32>
          %gather3A_438 = tpu.vector_load_idx %arg7[%add3A_437] : memref<8064xf32, #tpu.memory_space<vmem>>[vector<16xi32>], vector<16xf32>,
          %add3A_439 = arith.addi %mul3A_125, %and3A_400 : vector<16xi32>
          %gather3A_440 = tpu.vector_load_idx %arg7[%add3A_439] : memref<8064xf32, #tpu.memory_space<vmem>>[vector<16xi32>], vector<16xf32>,
          %add3A_441 = arith.addi %mul3A_125, %and3A_406 : vector<16xi32>
          %gather3A_442 = tpu.vector_load_idx %arg7[%add3A_441] : memref<8064xf32, #tpu.memory_space<vmem>>[vector<16xi32>], vector<16xf32>,
          %add3A_443 = arith.addi %mul3A_125, %and3A_412 : vector<16xi32>
          %gather3A_444 = tpu.vector_load_idx %arg7[%add3A_443] : memref<8064xf32, #tpu.memory_space<vmem>>[vector<16xi32>], vector<16xf32>,
          %scatter3A_445 = arith.constant 0 : i32
          %scatter3A_446 = arith.constant 0 : i32
          %scatter3A_447 = tpu.memref_slice %arg14[%scan3A_69, %scatter3A_445, %scatter3A_446] : memref<2x320x64xf32, #tpu.memory_space<vmem>> -> memref<1x320x64xf32, #tpu.memory_space<vmem>>
          %scatter3A_448 = tpu.memref_squeeze %scatter3A_447 : memref<1x320x64xf32, #tpu.memory_space<vmem>> -> memref<320x64xf32, #tpu.memory_space<vmem>>
          tpu.vector_store_idx %scatter3A_448[%add3A_127, %and3A_322], %gather3A_414 : memref<320x64xf32, #tpu.memory_space<vmem>>[vector<16xi32>, vector<16xi32>], vector<16xf32>,
          %scatter3A_449 = arith.constant 0 : i32
          %scatter3A_450 = arith.constant 0 : i32
          %scatter3A_451 = tpu.memref_slice %arg14[%scan3A_69, %scatter3A_449, %scatter3A_450] : memref<2x320x64xf32, #tpu.memory_space<vmem>> -> memref<1x320x64xf32, #tpu.memory_space<vmem>>
          %scatter3A_452 = tpu.memref_squeeze %scatter3A_451 : memref<1x320x64xf32, #tpu.memory_space<vmem>> -> memref<320x64xf32, #tpu.memory_space<vmem>>
          tpu.vector_store_idx %scatter3A_452[%add3A_127, %and3A_328], %gather3A_416 : memref<320x64xf32, #tpu.memory_space<vmem>>[vector<16xi32>, vector<16xi32>], vector<16xf32>,
          %scatter3A_453 = arith.constant 0 : i32
          %scatter3A_454 = arith.constant 0 : i32
          %scatter3A_455 = tpu.memref_slice %arg14[%scan3A_69, %scatter3A_453, %scatter3A_454] : memref<2x320x64xf32, #tpu.memory_space<vmem>> -> memref<1x320x64xf32, #tpu.memory_space<vmem>>
          %scatter3A_456 = tpu.memref_squeeze %scatter3A_455 : memref<1x320x64xf32, #tpu.memory_space<vmem>> -> memref<320x64xf32, #tpu.memory_space<vmem>>
          tpu.vector_store_idx %scatter3A_456[%add3A_127, %and3A_334], %gather3A_418 : memref<320x64xf32, #tpu.memory_space<vmem>>[vector<16xi32>, vector<16xi32>], vector<16xf32>,
          %scatter3A_457 = arith.constant 0 : i32
          %scatter3A_458 = arith.constant 0 : i32
          %scatter3A_459 = tpu.memref_slice %arg14[%scan3A_69, %scatter3A_457, %scatter3A_458] : memref<2x320x64xf32, #tpu.memory_space<vmem>> -> memref<1x320x64xf32, #tpu.memory_space<vmem>>
          %scatter3A_460 = tpu.memref_squeeze %scatter3A_459 : memref<1x320x64xf32, #tpu.memory_space<vmem>> -> memref<320x64xf32, #tpu.memory_space<vmem>>
          tpu.vector_store_idx %scatter3A_460[%add3A_127, %and3A_340], %gather3A_420 : memref<320x64xf32, #tpu.memory_space<vmem>>[vector<16xi32>, vector<16xi32>], vector<16xf32>,
          %scatter3A_461 = arith.constant 0 : i32
          %scatter3A_462 = arith.constant 0 : i32
          %scatter3A_463 = tpu.memref_slice %arg14[%scan3A_69, %scatter3A_461, %scatter3A_462] : memref<2x320x64xf32, #tpu.memory_space<vmem>> -> memref<1x320x64xf32, #tpu.memory_space<vmem>>
          %scatter3A_464 = tpu.memref_squeeze %scatter3A_463 : memref<1x320x64xf32, #tpu.memory_space<vmem>> -> memref<320x64xf32, #tpu.memory_space<vmem>>
          tpu.vector_store_idx %scatter3A_464[%add3A_127, %and3A_346], %gather3A_422 : memref<320x64xf32, #tpu.memory_space<vmem>>[vector<16xi32>, vector<16xi32>], vector<16xf32>,
          %scatter3A_465 = arith.constant 0 : i32
          %scatter3A_466 = arith.constant 0 : i32
          %scatter3A_467 = tpu.memref_slice %arg14[%scan3A_69, %scatter3A_465, %scatter3A_466] : memref<2x320x64xf32, #tpu.memory_space<vmem>> -> memref<1x320x64xf32, #tpu.memory_space<vmem>>
          %scatter3A_468 = tpu.memref_squeeze %scatter3A_467 : memref<1x320x64xf32, #tpu.memory_space<vmem>> -> memref<320x64xf32, #tpu.memory_space<vmem>>
          tpu.vector_store_idx %scatter3A_468[%add3A_127, %and3A_352], %gather3A_424 : memref<320x64xf32, #tpu.memory_space<vmem>>[vector<16xi32>, vector<16xi32>], vector<16xf32>,
          %scatter3A_469 = arith.constant 0 : i32
          %scatter3A_470 = arith.constant 0 : i32
          %scatter3A_471 = tpu.memref_slice %arg14[%scan3A_69, %scatter3A_469, %scatter3A_470] : memref<2x320x64xf32, #tpu.memory_space<vmem>> -> memref<1x320x64xf32, #tpu.memory_space<vmem>>
          %scatter3A_472 = tpu.memref_squeeze %scatter3A_471 : memref<1x320x64xf32, #tpu.memory_space<vmem>> -> memref<320x64xf32, #tpu.memory_space<vmem>>
          tpu.vector_store_idx %scatter3A_472[%add3A_127, %and3A_358], %gather3A_426 : memref<320x64xf32, #tpu.memory_space<vmem>>[vector<16xi32>, vector<16xi32>], vector<16xf32>,
          %scatter3A_473 = arith.constant 0 : i32
          %scatter3A_474 = arith.constant 0 : i32
          %scatter3A_475 = tpu.memref_slice %arg14[%scan3A_69, %scatter3A_473, %scatter3A_474] : memref<2x320x64xf32, #tpu.memory_space<vmem>> -> memref<1x320x64xf32, #tpu.memory_space<vmem>>
          %scatter3A_476 = tpu.memref_squeeze %scatter3A_475 : memref<1x320x64xf32, #tpu.memory_space<vmem>> -> memref<320x64xf32, #tpu.memory_space<vmem>>
          tpu.vector_store_idx %scatter3A_476[%add3A_127, %and3A_364], %gather3A_428 : memref<320x64xf32, #tpu.memory_space<vmem>>[vector<16xi32>, vector<16xi32>], vector<16xf32>,
          %scatter3A_477 = arith.constant 0 : i32
          %scatter3A_478 = arith.constant 0 : i32
          %scatter3A_479 = tpu.memref_slice %arg14[%scan3A_69, %scatter3A_477, %scatter3A_478] : memref<2x320x64xf32, #tpu.memory_space<vmem>> -> memref<1x320x64xf32, #tpu.memory_space<vmem>>
          %scatter3A_480 = tpu.memref_squeeze %scatter3A_479 : memref<1x320x64xf32, #tpu.memory_space<vmem>> -> memref<320x64xf32, #tpu.memory_space<vmem>>
          tpu.vector_store_idx %scatter3A_480[%add3A_127, %and3A_370], %gather3A_430 : memref<320x64xf32, #tpu.memory_space<vmem>>[vector<16xi32>, vector<16xi32>], vector<16xf32>,
          %scatter3A_481 = arith.constant 0 : i32
          %scatter3A_482 = arith.constant 0 : i32
          %scatter3A_483 = tpu.memref_slice %arg14[%scan3A_69, %scatter3A_481, %scatter3A_482] : memref<2x320x64xf32, #tpu.memory_space<vmem>> -> memref<1x320x64xf32, #tpu.memory_space<vmem>>
          %scatter3A_484 = tpu.memref_squeeze %scatter3A_483 : memref<1x320x64xf32, #tpu.memory_space<vmem>> -> memref<320x64xf32, #tpu.memory_space<vmem>>
          tpu.vector_store_idx %scatter3A_484[%add3A_127, %and3A_376], %gather3A_432 : memref<320x64xf32, #tpu.memory_space<vmem>>[vector<16xi32>, vector<16xi32>], vector<16xf32>,
          %scatter3A_485 = arith.constant 0 : i32
          %scatter3A_486 = arith.constant 0 : i32
          %scatter3A_487 = tpu.memref_slice %arg14[%scan3A_69, %scatter3A_485, %scatter3A_486] : memref<2x320x64xf32, #tpu.memory_space<vmem>> -> memref<1x320x64xf32, #tpu.memory_space<vmem>>
          %scatter3A_488 = tpu.memref_squeeze %scatter3A_487 : memref<1x320x64xf32, #tpu.memory_space<vmem>> -> memref<320x64xf32, #tpu.memory_space<vmem>>
          tpu.vector_store_idx %scatter3A_488[%add3A_127, %and3A_382], %gather3A_434 : memref<320x64xf32, #tpu.memory_space<vmem>>[vector<16xi32>, vector<16xi32>], vector<16xf32>,
          %scatter3A_489 = arith.constant 0 : i32
          %scatter3A_490 = arith.constant 0 : i32
          %scatter3A_491 = tpu.memref_slice %arg14[%scan3A_69, %scatter3A_489, %scatter3A_490] : memref<2x320x64xf32, #tpu.memory_space<vmem>> -> memref<1x320x64xf32, #tpu.memory_space<vmem>>
          %scatter3A_492 = tpu.memref_squeeze %scatter3A_491 : memref<1x320x64xf32, #tpu.memory_space<vmem>> -> memref<320x64xf32, #tpu.memory_space<vmem>>
          tpu.vector_store_idx %scatter3A_492[%add3A_127, %and3A_388], %gather3A_436 : memref<320x64xf32, #tpu.memory_space<vmem>>[vector<16xi32>, vector<16xi32>], vector<16xf32>,
          %scatter3A_493 = arith.constant 0 : i32
          %scatter3A_494 = arith.constant 0 : i32
          %scatter3A_495 = tpu.memref_slice %arg14[%scan3A_69, %scatter3A_493, %scatter3A_494] : memref<2x320x64xf32, #tpu.memory_space<vmem>> -> memref<1x320x64xf32, #tpu.memory_space<vmem>>
          %scatter3A_496 = tpu.memref_squeeze %scatter3A_495 : memref<1x320x64xf32, #tpu.memory_space<vmem>> -> memref<320x64xf32, #tpu.memory_space<vmem>>
          tpu.vector_store_idx %scatter3A_496[%add3A_127, %and3A_394], %gather3A_438 : memref<320x64xf32, #tpu.memory_space<vmem>>[vector<16xi32>, vector<16xi32>], vector<16xf32>,
          %scatter3A_497 = arith.constant 0 : i32
          %scatter3A_498 = arith.constant 0 : i32
          %scatter3A_499 = tpu.memref_slice %arg14[%scan3A_69, %scatter3A_497, %scatter3A_498] : memref<2x320x64xf32, #tpu.memory_space<vmem>> -> memref<1x320x64xf32, #tpu.memory_space<vmem>>
          %scatter3A_500 = tpu.memref_squeeze %scatter3A_499 : memref<1x320x64xf32, #tpu.memory_space<vmem>> -> memref<320x64xf32, #tpu.memory_space<vmem>>
          tpu.vector_store_idx %scatter3A_500[%add3A_127, %and3A_400], %gather3A_440 : memref<320x64xf32, #tpu.memory_space<vmem>>[vector<16xi32>, vector<16xi32>], vector<16xf32>,
          %scatter3A_501 = arith.constant 0 : i32
          %scatter3A_502 = arith.constant 0 : i32
          %scatter3A_503 = tpu.memref_slice %arg14[%scan3A_69, %scatter3A_501, %scatter3A_502] : memref<2x320x64xf32, #tpu.memory_space<vmem>> -> memref<1x320x64xf32, #tpu.memory_space<vmem>>
          %scatter3A_504 = tpu.memref_squeeze %scatter3A_503 : memref<1x320x64xf32, #tpu.memory_space<vmem>> -> memref<320x64xf32, #tpu.memory_space<vmem>>
          tpu.vector_store_idx %scatter3A_504[%add3A_127, %and3A_406], %gather3A_442 : memref<320x64xf32, #tpu.memory_space<vmem>>[vector<16xi32>, vector<16xi32>], vector<16xf32>,
          %scatter3A_505 = arith.constant 0 : i32
          %scatter3A_506 = arith.constant 0 : i32
          %scatter3A_507 = tpu.memref_slice %arg14[%scan3A_69, %scatter3A_505, %scatter3A_506] : memref<2x320x64xf32, #tpu.memory_space<vmem>> -> memref<1x320x64xf32, #tpu.memory_space<vmem>>
          %scatter3A_508 = tpu.memref_squeeze %scatter3A_507 : memref<1x320x64xf32, #tpu.memory_space<vmem>> -> memref<320x64xf32, #tpu.memory_space<vmem>>
          tpu.vector_store_idx %scatter3A_508[%add3A_127, %and3A_412], %gather3A_444 : memref<320x64xf32, #tpu.memory_space<vmem>>[vector<16xi32>, vector<16xi32>], vector<16xf32>,
          %add3A_509 = arith.constant 32 : i32
          %add3A_510 = vector.broadcast %add3A_509 : i32 to vector<16xi32>
          %add3A_511 = arith.addi %iota3A, %add3A_510 : vector<16xi32>
          %and3A_512 = arith.constant 63 : i32
          %and3A_513 = vector.broadcast %and3A_512 : i32 to vector<16xi32>
          %and3A_514 = arith.andi %add3A_511, %and3A_513 : vector<16xi32>
          %add3A_515 = arith.constant 33 : i32
          %add3A_516 = vector.broadcast %add3A_515 : i32 to vector<16xi32>
          %add3A_517 = arith.addi %iota3A, %add3A_516 : vector<16xi32>
          %and3A_518 = arith.constant 63 : i32
          %and3A_519 = vector.broadcast %and3A_518 : i32 to vector<16xi32>
          %and3A_520 = arith.andi %add3A_517, %and3A_519 : vector<16xi32>
          %add3A_521 = arith.constant 34 : i32
          %add3A_522 = vector.broadcast %add3A_521 : i32 to vector<16xi32>
          %add3A_523 = arith.addi %iota3A, %add3A_522 : vector<16xi32>
          %and3A_524 = arith.constant 63 : i32
          %and3A_525 = vector.broadcast %and3A_524 : i32 to vector<16xi32>
          %and3A_526 = arith.andi %add3A_523, %and3A_525 : vector<16xi32>
          %add3A_527 = arith.constant 35 : i32
          %add3A_528 = vector.broadcast %add3A_527 : i32 to vector<16xi32>
          %add3A_529 = arith.addi %iota3A, %add3A_528 : vector<16xi32>
          %and3A_530 = arith.constant 63 : i32
          %and3A_531 = vector.broadcast %and3A_530 : i32 to vector<16xi32>
          %and3A_532 = arith.andi %add3A_529, %and3A_531 : vector<16xi32>
          %add3A_533 = arith.constant 36 : i32
          %add3A_534 = vector.broadcast %add3A_533 : i32 to vector<16xi32>
          %add3A_535 = arith.addi %iota3A, %add3A_534 : vector<16xi32>
          %and3A_536 = arith.constant 63 : i32
          %and3A_537 = vector.broadcast %and3A_536 : i32 to vector<16xi32>
          %and3A_538 = arith.andi %add3A_535, %and3A_537 : vector<16xi32>
          %add3A_539 = arith.constant 37 : i32
          %add3A_540 = vector.broadcast %add3A_539 : i32 to vector<16xi32>
          %add3A_541 = arith.addi %iota3A, %add3A_540 : vector<16xi32>
          %and3A_542 = arith.constant 63 : i32
          %and3A_543 = vector.broadcast %and3A_542 : i32 to vector<16xi32>
          %and3A_544 = arith.andi %add3A_541, %and3A_543 : vector<16xi32>
          %add3A_545 = arith.constant 38 : i32
          %add3A_546 = vector.broadcast %add3A_545 : i32 to vector<16xi32>
          %add3A_547 = arith.addi %iota3A, %add3A_546 : vector<16xi32>
          %and3A_548 = arith.constant 63 : i32
          %and3A_549 = vector.broadcast %and3A_548 : i32 to vector<16xi32>
          %and3A_550 = arith.andi %add3A_547, %and3A_549 : vector<16xi32>
          %add3A_551 = arith.constant 39 : i32
          %add3A_552 = vector.broadcast %add3A_551 : i32 to vector<16xi32>
          %add3A_553 = arith.addi %iota3A, %add3A_552 : vector<16xi32>
          %and3A_554 = arith.constant 63 : i32
          %and3A_555 = vector.broadcast %and3A_554 : i32 to vector<16xi32>
          %and3A_556 = arith.andi %add3A_553, %and3A_555 : vector<16xi32>
          %add3A_557 = arith.constant 40 : i32
          %add3A_558 = vector.broadcast %add3A_557 : i32 to vector<16xi32>
          %add3A_559 = arith.addi %iota3A, %add3A_558 : vector<16xi32>
          %and3A_560 = arith.constant 63 : i32
          %and3A_561 = vector.broadcast %and3A_560 : i32 to vector<16xi32>
          %and3A_562 = arith.andi %add3A_559, %and3A_561 : vector<16xi32>
          %add3A_563 = arith.constant 41 : i32
          %add3A_564 = vector.broadcast %add3A_563 : i32 to vector<16xi32>
          %add3A_565 = arith.addi %iota3A, %add3A_564 : vector<16xi32>
          %and3A_566 = arith.constant 63 : i32
          %and3A_567 = vector.broadcast %and3A_566 : i32 to vector<16xi32>
          %and3A_568 = arith.andi %add3A_565, %and3A_567 : vector<16xi32>
          %add3A_569 = arith.constant 42 : i32
          %add3A_570 = vector.broadcast %add3A_569 : i32 to vector<16xi32>
          %add3A_571 = arith.addi %iota3A, %add3A_570 : vector<16xi32>
          %and3A_572 = arith.constant 63 : i32
          %and3A_573 = vector.broadcast %and3A_572 : i32 to vector<16xi32>
          %and3A_574 = arith.andi %add3A_571, %and3A_573 : vector<16xi32>
          %add3A_575 = arith.constant 43 : i32
          %add3A_576 = vector.broadcast %add3A_575 : i32 to vector<16xi32>
          %add3A_577 = arith.addi %iota3A, %add3A_576 : vector<16xi32>
          %and3A_578 = arith.constant 63 : i32
          %and3A_579 = vector.broadcast %and3A_578 : i32 to vector<16xi32>
          %and3A_580 = arith.andi %add3A_577, %and3A_579 : vector<16xi32>
          %add3A_581 = arith.constant 44 : i32
          %add3A_582 = vector.broadcast %add3A_581 : i32 to vector<16xi32>
          %add3A_583 = arith.addi %iota3A, %add3A_582 : vector<16xi32>
          %and3A_584 = arith.constant 63 : i32
          %and3A_585 = vector.broadcast %and3A_584 : i32 to vector<16xi32>
          %and3A_586 = arith.andi %add3A_583, %and3A_585 : vector<16xi32>
          %add3A_587 = arith.constant 45 : i32
          %add3A_588 = vector.broadcast %add3A_587 : i32 to vector<16xi32>
          %add3A_589 = arith.addi %iota3A, %add3A_588 : vector<16xi32>
          %and3A_590 = arith.constant 63 : i32
          %and3A_591 = vector.broadcast %and3A_590 : i32 to vector<16xi32>
          %and3A_592 = arith.andi %add3A_589, %and3A_591 : vector<16xi32>
          %add3A_593 = arith.constant 46 : i32
          %add3A_594 = vector.broadcast %add3A_593 : i32 to vector<16xi32>
          %add3A_595 = arith.addi %iota3A, %add3A_594 : vector<16xi32>
          %and3A_596 = arith.constant 63 : i32
          %and3A_597 = vector.broadcast %and3A_596 : i32 to vector<16xi32>
          %and3A_598 = arith.andi %add3A_595, %and3A_597 : vector<16xi32>
          %add3A_599 = arith.constant 47 : i32
          %add3A_600 = vector.broadcast %add3A_599 : i32 to vector<16xi32>
          %add3A_601 = arith.addi %iota3A, %add3A_600 : vector<16xi32>
          %and3A_602 = arith.constant 63 : i32
          %and3A_603 = vector.broadcast %and3A_602 : i32 to vector<16xi32>
          %and3A_604 = arith.andi %add3A_601, %and3A_603 : vector<16xi32>
          %add3A_605 = arith.addi %mul3A_125, %and3A_514 : vector<16xi32>
          %gather3A_606 = tpu.vector_load_idx %arg7[%add3A_605] : memref<8064xf32, #tpu.memory_space<vmem>>[vector<16xi32>], vector<16xf32>,
          %add3A_607 = arith.addi %mul3A_125, %and3A_520 : vector<16xi32>
          %gather3A_608 = tpu.vector_load_idx %arg7[%add3A_607] : memref<8064xf32, #tpu.memory_space<vmem>>[vector<16xi32>], vector<16xf32>,
          %add3A_609 = arith.addi %mul3A_125, %and3A_526 : vector<16xi32>
          %gather3A_610 = tpu.vector_load_idx %arg7[%add3A_609] : memref<8064xf32, #tpu.memory_space<vmem>>[vector<16xi32>], vector<16xf32>,
          %add3A_611 = arith.addi %mul3A_125, %and3A_532 : vector<16xi32>
          %gather3A_612 = tpu.vector_load_idx %arg7[%add3A_611] : memref<8064xf32, #tpu.memory_space<vmem>>[vector<16xi32>], vector<16xf32>,
          %add3A_613 = arith.addi %mul3A_125, %and3A_538 : vector<16xi32>
          %gather3A_614 = tpu.vector_load_idx %arg7[%add3A_613] : memref<8064xf32, #tpu.memory_space<vmem>>[vector<16xi32>], vector<16xf32>,
          %add3A_615 = arith.addi %mul3A_125, %and3A_544 : vector<16xi32>
          %gather3A_616 = tpu.vector_load_idx %arg7[%add3A_615] : memref<8064xf32, #tpu.memory_space<vmem>>[vector<16xi32>], vector<16xf32>,
          %add3A_617 = arith.addi %mul3A_125, %and3A_550 : vector<16xi32>
          %gather3A_618 = tpu.vector_load_idx %arg7[%add3A_617] : memref<8064xf32, #tpu.memory_space<vmem>>[vector<16xi32>], vector<16xf32>,
          %add3A_619 = arith.addi %mul3A_125, %and3A_556 : vector<16xi32>
          %gather3A_620 = tpu.vector_load_idx %arg7[%add3A_619] : memref<8064xf32, #tpu.memory_space<vmem>>[vector<16xi32>], vector<16xf32>,
          %add3A_621 = arith.addi %mul3A_125, %and3A_562 : vector<16xi32>
          %gather3A_622 = tpu.vector_load_idx %arg7[%add3A_621] : memref<8064xf32, #tpu.memory_space<vmem>>[vector<16xi32>], vector<16xf32>,
          %add3A_623 = arith.addi %mul3A_125, %and3A_568 : vector<16xi32>
          %gather3A_624 = tpu.vector_load_idx %arg7[%add3A_623] : memref<8064xf32, #tpu.memory_space<vmem>>[vector<16xi32>], vector<16xf32>,
          %add3A_625 = arith.addi %mul3A_125, %and3A_574 : vector<16xi32>
          %gather3A_626 = tpu.vector_load_idx %arg7[%add3A_625] : memref<8064xf32, #tpu.memory_space<vmem>>[vector<16xi32>], vector<16xf32>,
          %add3A_627 = arith.addi %mul3A_125, %and3A_580 : vector<16xi32>
          %gather3A_628 = tpu.vector_load_idx %arg7[%add3A_627] : memref<8064xf32, #tpu.memory_space<vmem>>[vector<16xi32>], vector<16xf32>,
          %add3A_629 = arith.addi %mul3A_125, %and3A_586 : vector<16xi32>
          %gather3A_630 = tpu.vector_load_idx %arg7[%add3A_629] : memref<8064xf32, #tpu.memory_space<vmem>>[vector<16xi32>], vector<16xf32>,
          %add3A_631 = arith.addi %mul3A_125, %and3A_592 : vector<16xi32>
          %gather3A_632 = tpu.vector_load_idx %arg7[%add3A_631] : memref<8064xf32, #tpu.memory_space<vmem>>[vector<16xi32>], vector<16xf32>,
          %add3A_633 = arith.addi %mul3A_125, %and3A_598 : vector<16xi32>
          %gather3A_634 = tpu.vector_load_idx %arg7[%add3A_633] : memref<8064xf32, #tpu.memory_space<vmem>>[vector<16xi32>], vector<16xf32>,
          %add3A_635 = arith.addi %mul3A_125, %and3A_604 : vector<16xi32>
          %gather3A_636 = tpu.vector_load_idx %arg7[%add3A_635] : memref<8064xf32, #tpu.memory_space<vmem>>[vector<16xi32>], vector<16xf32>,
          %scatter3A_637 = arith.constant 0 : i32
          %scatter3A_638 = arith.constant 0 : i32
          %scatter3A_639 = tpu.memref_slice %arg14[%scan3A_69, %scatter3A_637, %scatter3A_638] : memref<2x320x64xf32, #tpu.memory_space<vmem>> -> memref<1x320x64xf32, #tpu.memory_space<vmem>>
          %scatter3A_640 = tpu.memref_squeeze %scatter3A_639 : memref<1x320x64xf32, #tpu.memory_space<vmem>> -> memref<320x64xf32, #tpu.memory_space<vmem>>
          tpu.vector_store_idx %scatter3A_640[%add3A_127, %and3A_514], %gather3A_606 : memref<320x64xf32, #tpu.memory_space<vmem>>[vector<16xi32>, vector<16xi32>], vector<16xf32>,
          %scatter3A_641 = arith.constant 0 : i32
          %scatter3A_642 = arith.constant 0 : i32
          %scatter3A_643 = tpu.memref_slice %arg14[%scan3A_69, %scatter3A_641, %scatter3A_642] : memref<2x320x64xf32, #tpu.memory_space<vmem>> -> memref<1x320x64xf32, #tpu.memory_space<vmem>>
          %scatter3A_644 = tpu.memref_squeeze %scatter3A_643 : memref<1x320x64xf32, #tpu.memory_space<vmem>> -> memref<320x64xf32, #tpu.memory_space<vmem>>
          tpu.vector_store_idx %scatter3A_644[%add3A_127, %and3A_520], %gather3A_608 : memref<320x64xf32, #tpu.memory_space<vmem>>[vector<16xi32>, vector<16xi32>], vector<16xf32>,
          %scatter3A_645 = arith.constant 0 : i32
          %scatter3A_646 = arith.constant 0 : i32
          %scatter3A_647 = tpu.memref_slice %arg14[%scan3A_69, %scatter3A_645, %scatter3A_646] : memref<2x320x64xf32, #tpu.memory_space<vmem>> -> memref<1x320x64xf32, #tpu.memory_space<vmem>>
          %scatter3A_648 = tpu.memref_squeeze %scatter3A_647 : memref<1x320x64xf32, #tpu.memory_space<vmem>> -> memref<320x64xf32, #tpu.memory_space<vmem>>
          tpu.vector_store_idx %scatter3A_648[%add3A_127, %and3A_526], %gather3A_610 : memref<320x64xf32, #tpu.memory_space<vmem>>[vector<16xi32>, vector<16xi32>], vector<16xf32>,
          %scatter3A_649 = arith.constant 0 : i32
          %scatter3A_650 = arith.constant 0 : i32
          %scatter3A_651 = tpu.memref_slice %arg14[%scan3A_69, %scatter3A_649, %scatter3A_650] : memref<2x320x64xf32, #tpu.memory_space<vmem>> -> memref<1x320x64xf32, #tpu.memory_space<vmem>>
          %scatter3A_652 = tpu.memref_squeeze %scatter3A_651 : memref<1x320x64xf32, #tpu.memory_space<vmem>> -> memref<320x64xf32, #tpu.memory_space<vmem>>
          tpu.vector_store_idx %scatter3A_652[%add3A_127, %and3A_532], %gather3A_612 : memref<320x64xf32, #tpu.memory_space<vmem>>[vector<16xi32>, vector<16xi32>], vector<16xf32>,
          %scatter3A_653 = arith.constant 0 : i32
          %scatter3A_654 = arith.constant 0 : i32
          %scatter3A_655 = tpu.memref_slice %arg14[%scan3A_69, %scatter3A_653, %scatter3A_654] : memref<2x320x64xf32, #tpu.memory_space<vmem>> -> memref<1x320x64xf32, #tpu.memory_space<vmem>>
          %scatter3A_656 = tpu.memref_squeeze %scatter3A_655 : memref<1x320x64xf32, #tpu.memory_space<vmem>> -> memref<320x64xf32, #tpu.memory_space<vmem>>
          tpu.vector_store_idx %scatter3A_656[%add3A_127, %and3A_538], %gather3A_614 : memref<320x64xf32, #tpu.memory_space<vmem>>[vector<16xi32>, vector<16xi32>], vector<16xf32>,
          %scatter3A_657 = arith.constant 0 : i32
          %scatter3A_658 = arith.constant 0 : i32
          %scatter3A_659 = tpu.memref_slice %arg14[%scan3A_69, %scatter3A_657, %scatter3A_658] : memref<2x320x64xf32, #tpu.memory_space<vmem>> -> memref<1x320x64xf32, #tpu.memory_space<vmem>>
          %scatter3A_660 = tpu.memref_squeeze %scatter3A_659 : memref<1x320x64xf32, #tpu.memory_space<vmem>> -> memref<320x64xf32, #tpu.memory_space<vmem>>
          tpu.vector_store_idx %scatter3A_660[%add3A_127, %and3A_544], %gather3A_616 : memref<320x64xf32, #tpu.memory_space<vmem>>[vector<16xi32>, vector<16xi32>], vector<16xf32>,
          %scatter3A_661 = arith.constant 0 : i32
          %scatter3A_662 = arith.constant 0 : i32
          %scatter3A_663 = tpu.memref_slice %arg14[%scan3A_69, %scatter3A_661, %scatter3A_662] : memref<2x320x64xf32, #tpu.memory_space<vmem>> -> memref<1x320x64xf32, #tpu.memory_space<vmem>>
          %scatter3A_664 = tpu.memref_squeeze %scatter3A_663 : memref<1x320x64xf32, #tpu.memory_space<vmem>> -> memref<320x64xf32, #tpu.memory_space<vmem>>
          tpu.vector_store_idx %scatter3A_664[%add3A_127, %and3A_550], %gather3A_618 : memref<320x64xf32, #tpu.memory_space<vmem>>[vector<16xi32>, vector<16xi32>], vector<16xf32>,
          %scatter3A_665 = arith.constant 0 : i32
          %scatter3A_666 = arith.constant 0 : i32
          %scatter3A_667 = tpu.memref_slice %arg14[%scan3A_69, %scatter3A_665, %scatter3A_666] : memref<2x320x64xf32, #tpu.memory_space<vmem>> -> memref<1x320x64xf32, #tpu.memory_space<vmem>>
          %scatter3A_668 = tpu.memref_squeeze %scatter3A_667 : memref<1x320x64xf32, #tpu.memory_space<vmem>> -> memref<320x64xf32, #tpu.memory_space<vmem>>
          tpu.vector_store_idx %scatter3A_668[%add3A_127, %and3A_556], %gather3A_620 : memref<320x64xf32, #tpu.memory_space<vmem>>[vector<16xi32>, vector<16xi32>], vector<16xf32>,
          %scatter3A_669 = arith.constant 0 : i32
          %scatter3A_670 = arith.constant 0 : i32
          %scatter3A_671 = tpu.memref_slice %arg14[%scan3A_69, %scatter3A_669, %scatter3A_670] : memref<2x320x64xf32, #tpu.memory_space<vmem>> -> memref<1x320x64xf32, #tpu.memory_space<vmem>>
          %scatter3A_672 = tpu.memref_squeeze %scatter3A_671 : memref<1x320x64xf32, #tpu.memory_space<vmem>> -> memref<320x64xf32, #tpu.memory_space<vmem>>
          tpu.vector_store_idx %scatter3A_672[%add3A_127, %and3A_562], %gather3A_622 : memref<320x64xf32, #tpu.memory_space<vmem>>[vector<16xi32>, vector<16xi32>], vector<16xf32>,
          %scatter3A_673 = arith.constant 0 : i32
          %scatter3A_674 = arith.constant 0 : i32
          %scatter3A_675 = tpu.memref_slice %arg14[%scan3A_69, %scatter3A_673, %scatter3A_674] : memref<2x320x64xf32, #tpu.memory_space<vmem>> -> memref<1x320x64xf32, #tpu.memory_space<vmem>>
          %scatter3A_676 = tpu.memref_squeeze %scatter3A_675 : memref<1x320x64xf32, #tpu.memory_space<vmem>> -> memref<320x64xf32, #tpu.memory_space<vmem>>
          tpu.vector_store_idx %scatter3A_676[%add3A_127, %and3A_568], %gather3A_624 : memref<320x64xf32, #tpu.memory_space<vmem>>[vector<16xi32>, vector<16xi32>], vector<16xf32>,
          %scatter3A_677 = arith.constant 0 : i32
          %scatter3A_678 = arith.constant 0 : i32
          %scatter3A_679 = tpu.memref_slice %arg14[%scan3A_69, %scatter3A_677, %scatter3A_678] : memref<2x320x64xf32, #tpu.memory_space<vmem>> -> memref<1x320x64xf32, #tpu.memory_space<vmem>>
          %scatter3A_680 = tpu.memref_squeeze %scatter3A_679 : memref<1x320x64xf32, #tpu.memory_space<vmem>> -> memref<320x64xf32, #tpu.memory_space<vmem>>
          tpu.vector_store_idx %scatter3A_680[%add3A_127, %and3A_574], %gather3A_626 : memref<320x64xf32, #tpu.memory_space<vmem>>[vector<16xi32>, vector<16xi32>], vector<16xf32>,
          %scatter3A_681 = arith.constant 0 : i32
          %scatter3A_682 = arith.constant 0 : i32
          %scatter3A_683 = tpu.memref_slice %arg14[%scan3A_69, %scatter3A_681, %scatter3A_682] : memref<2x320x64xf32, #tpu.memory_space<vmem>> -> memref<1x320x64xf32, #tpu.memory_space<vmem>>
          %scatter3A_684 = tpu.memref_squeeze %scatter3A_683 : memref<1x320x64xf32, #tpu.memory_space<vmem>> -> memref<320x64xf32, #tpu.memory_space<vmem>>
          tpu.vector_store_idx %scatter3A_684[%add3A_127, %and3A_580], %gather3A_628 : memref<320x64xf32, #tpu.memory_space<vmem>>[vector<16xi32>, vector<16xi32>], vector<16xf32>,
          %scatter3A_685 = arith.constant 0 : i32
          %scatter3A_686 = arith.constant 0 : i32
          %scatter3A_687 = tpu.memref_slice %arg14[%scan3A_69, %scatter3A_685, %scatter3A_686] : memref<2x320x64xf32, #tpu.memory_space<vmem>> -> memref<1x320x64xf32, #tpu.memory_space<vmem>>
          %scatter3A_688 = tpu.memref_squeeze %scatter3A_687 : memref<1x320x64xf32, #tpu.memory_space<vmem>> -> memref<320x64xf32, #tpu.memory_space<vmem>>
          tpu.vector_store_idx %scatter3A_688[%add3A_127, %and3A_586], %gather3A_630 : memref<320x64xf32, #tpu.memory_space<vmem>>[vector<16xi32>, vector<16xi32>], vector<16xf32>,
          %scatter3A_689 = arith.constant 0 : i32
          %scatter3A_690 = arith.constant 0 : i32
          %scatter3A_691 = tpu.memref_slice %arg14[%scan3A_69, %scatter3A_689, %scatter3A_690] : memref<2x320x64xf32, #tpu.memory_space<vmem>> -> memref<1x320x64xf32, #tpu.memory_space<vmem>>
          %scatter3A_692 = tpu.memref_squeeze %scatter3A_691 : memref<1x320x64xf32, #tpu.memory_space<vmem>> -> memref<320x64xf32, #tpu.memory_space<vmem>>
          tpu.vector_store_idx %scatter3A_692[%add3A_127, %and3A_592], %gather3A_632 : memref<320x64xf32, #tpu.memory_space<vmem>>[vector<16xi32>, vector<16xi32>], vector<16xf32>,
          %scatter3A_693 = arith.constant 0 : i32
          %scatter3A_694 = arith.constant 0 : i32
          %scatter3A_695 = tpu.memref_slice %arg14[%scan3A_69, %scatter3A_693, %scatter3A_694] : memref<2x320x64xf32, #tpu.memory_space<vmem>> -> memref<1x320x64xf32, #tpu.memory_space<vmem>>
          %scatter3A_696 = tpu.memref_squeeze %scatter3A_695 : memref<1x320x64xf32, #tpu.memory_space<vmem>> -> memref<320x64xf32, #tpu.memory_space<vmem>>
          tpu.vector_store_idx %scatter3A_696[%add3A_127, %and3A_598], %gather3A_634 : memref<320x64xf32, #tpu.memory_space<vmem>>[vector<16xi32>, vector<16xi32>], vector<16xf32>,
          %scatter3A_697 = arith.constant 0 : i32
          %scatter3A_698 = arith.constant 0 : i32
          %scatter3A_699 = tpu.memref_slice %arg14[%scan3A_69, %scatter3A_697, %scatter3A_698] : memref<2x320x64xf32, #tpu.memory_space<vmem>> -> memref<1x320x64xf32, #tpu.memory_space<vmem>>
          %scatter3A_700 = tpu.memref_squeeze %scatter3A_699 : memref<1x320x64xf32, #tpu.memory_space<vmem>> -> memref<320x64xf32, #tpu.memory_space<vmem>>
          tpu.vector_store_idx %scatter3A_700[%add3A_127, %and3A_604], %gather3A_636 : memref<320x64xf32, #tpu.memory_space<vmem>>[vector<16xi32>, vector<16xi32>], vector<16xf32>,
          %add3A_701 = arith.constant 48 : i32
          %add3A_702 = vector.broadcast %add3A_701 : i32 to vector<16xi32>
          %add3A_703 = arith.addi %iota3A, %add3A_702 : vector<16xi32>
          %and3A_704 = arith.constant 63 : i32
          %and3A_705 = vector.broadcast %and3A_704 : i32 to vector<16xi32>
          %and3A_706 = arith.andi %add3A_703, %and3A_705 : vector<16xi32>
          %add3A_707 = arith.constant 49 : i32
          %add3A_708 = vector.broadcast %add3A_707 : i32 to vector<16xi32>
          %add3A_709 = arith.addi %iota3A, %add3A_708 : vector<16xi32>
          %and3A_710 = arith.constant 63 : i32
          %and3A_711 = vector.broadcast %and3A_710 : i32 to vector<16xi32>
          %and3A_712 = arith.andi %add3A_709, %and3A_711 : vector<16xi32>
          %add3A_713 = arith.constant 50 : i32
          %add3A_714 = vector.broadcast %add3A_713 : i32 to vector<16xi32>
          %add3A_715 = arith.addi %iota3A, %add3A_714 : vector<16xi32>
          %and3A_716 = arith.constant 63 : i32
          %and3A_717 = vector.broadcast %and3A_716 : i32 to vector<16xi32>
          %and3A_718 = arith.andi %add3A_715, %and3A_717 : vector<16xi32>
          %add3A_719 = arith.constant 51 : i32
          %add3A_720 = vector.broadcast %add3A_719 : i32 to vector<16xi32>
          %add3A_721 = arith.addi %iota3A, %add3A_720 : vector<16xi32>
          %and3A_722 = arith.constant 63 : i32
          %and3A_723 = vector.broadcast %and3A_722 : i32 to vector<16xi32>
          %and3A_724 = arith.andi %add3A_721, %and3A_723 : vector<16xi32>
          %add3A_725 = arith.constant 52 : i32
          %add3A_726 = vector.broadcast %add3A_725 : i32 to vector<16xi32>
          %add3A_727 = arith.addi %iota3A, %add3A_726 : vector<16xi32>
          %and3A_728 = arith.constant 63 : i32
          %and3A_729 = vector.broadcast %and3A_728 : i32 to vector<16xi32>
          %and3A_730 = arith.andi %add3A_727, %and3A_729 : vector<16xi32>
          %add3A_731 = arith.constant 53 : i32
          %add3A_732 = vector.broadcast %add3A_731 : i32 to vector<16xi32>
          %add3A_733 = arith.addi %iota3A, %add3A_732 : vector<16xi32>
          %and3A_734 = arith.constant 63 : i32
          %and3A_735 = vector.broadcast %and3A_734 : i32 to vector<16xi32>
          %and3A_736 = arith.andi %add3A_733, %and3A_735 : vector<16xi32>
          %add3A_737 = arith.constant 54 : i32
          %add3A_738 = vector.broadcast %add3A_737 : i32 to vector<16xi32>
          %add3A_739 = arith.addi %iota3A, %add3A_738 : vector<16xi32>
          %and3A_740 = arith.constant 63 : i32
          %and3A_741 = vector.broadcast %and3A_740 : i32 to vector<16xi32>
          %and3A_742 = arith.andi %add3A_739, %and3A_741 : vector<16xi32>
          %add3A_743 = arith.constant 55 : i32
          %add3A_744 = vector.broadcast %add3A_743 : i32 to vector<16xi32>
          %add3A_745 = arith.addi %iota3A, %add3A_744 : vector<16xi32>
          %and3A_746 = arith.constant 63 : i32
          %and3A_747 = vector.broadcast %and3A_746 : i32 to vector<16xi32>
          %and3A_748 = arith.andi %add3A_745, %and3A_747 : vector<16xi32>
          %add3A_749 = arith.constant 56 : i32
          %add3A_750 = vector.broadcast %add3A_749 : i32 to vector<16xi32>
          %add3A_751 = arith.addi %iota3A, %add3A_750 : vector<16xi32>
          %and3A_752 = arith.constant 63 : i32
          %and3A_753 = vector.broadcast %and3A_752 : i32 to vector<16xi32>
          %and3A_754 = arith.andi %add3A_751, %and3A_753 : vector<16xi32>
          %add3A_755 = arith.constant 57 : i32
          %add3A_756 = vector.broadcast %add3A_755 : i32 to vector<16xi32>
          %add3A_757 = arith.addi %iota3A, %add3A_756 : vector<16xi32>
          %and3A_758 = arith.constant 63 : i32
          %and3A_759 = vector.broadcast %and3A_758 : i32 to vector<16xi32>
          %and3A_760 = arith.andi %add3A_757, %and3A_759 : vector<16xi32>
          %add3A_761 = arith.constant 58 : i32
          %add3A_762 = vector.broadcast %add3A_761 : i32 to vector<16xi32>
          %add3A_763 = arith.addi %iota3A, %add3A_762 : vector<16xi32>
          %and3A_764 = arith.constant 63 : i32
          %and3A_765 = vector.broadcast %and3A_764 : i32 to vector<16xi32>
          %and3A_766 = arith.andi %add3A_763, %and3A_765 : vector<16xi32>
          %add3A_767 = arith.constant 59 : i32
          %add3A_768 = vector.broadcast %add3A_767 : i32 to vector<16xi32>
          %add3A_769 = arith.addi %iota3A, %add3A_768 : vector<16xi32>
          %and3A_770 = arith.constant 63 : i32
          %and3A_771 = vector.broadcast %and3A_770 : i32 to vector<16xi32>
          %and3A_772 = arith.andi %add3A_769, %and3A_771 : vector<16xi32>
          %add3A_773 = arith.constant 60 : i32
          %add3A_774 = vector.broadcast %add3A_773 : i32 to vector<16xi32>
          %add3A_775 = arith.addi %iota3A, %add3A_774 : vector<16xi32>
          %and3A_776 = arith.constant 63 : i32
          %and3A_777 = vector.broadcast %and3A_776 : i32 to vector<16xi32>
          %and3A_778 = arith.andi %add3A_775, %and3A_777 : vector<16xi32>
          %add3A_779 = arith.constant 61 : i32
          %add3A_780 = vector.broadcast %add3A_779 : i32 to vector<16xi32>
          %add3A_781 = arith.addi %iota3A, %add3A_780 : vector<16xi32>
          %and3A_782 = arith.constant 63 : i32
          %and3A_783 = vector.broadcast %and3A_782 : i32 to vector<16xi32>
          %and3A_784 = arith.andi %add3A_781, %and3A_783 : vector<16xi32>
          %add3A_785 = arith.constant 62 : i32
          %add3A_786 = vector.broadcast %add3A_785 : i32 to vector<16xi32>
          %add3A_787 = arith.addi %iota3A, %add3A_786 : vector<16xi32>
          %and3A_788 = arith.constant 63 : i32
          %and3A_789 = vector.broadcast %and3A_788 : i32 to vector<16xi32>
          %and3A_790 = arith.andi %add3A_787, %and3A_789 : vector<16xi32>
          %add3A_791 = arith.constant 63 : i32
          %add3A_792 = vector.broadcast %add3A_791 : i32 to vector<16xi32>
          %add3A_793 = arith.addi %iota3A, %add3A_792 : vector<16xi32>
          %and3A_794 = arith.constant 63 : i32
          %and3A_795 = vector.broadcast %and3A_794 : i32 to vector<16xi32>
          %and3A_796 = arith.andi %add3A_793, %and3A_795 : vector<16xi32>
          %add3A_797 = arith.addi %mul3A_125, %and3A_706 : vector<16xi32>
          %gather3A_798 = tpu.vector_load_idx %arg7[%add3A_797] : memref<8064xf32, #tpu.memory_space<vmem>>[vector<16xi32>], vector<16xf32>,
          %add3A_799 = arith.addi %mul3A_125, %and3A_712 : vector<16xi32>
          %gather3A_800 = tpu.vector_load_idx %arg7[%add3A_799] : memref<8064xf32, #tpu.memory_space<vmem>>[vector<16xi32>], vector<16xf32>,
          %add3A_801 = arith.addi %mul3A_125, %and3A_718 : vector<16xi32>
          %gather3A_802 = tpu.vector_load_idx %arg7[%add3A_801] : memref<8064xf32, #tpu.memory_space<vmem>>[vector<16xi32>], vector<16xf32>,
          %add3A_803 = arith.addi %mul3A_125, %and3A_724 : vector<16xi32>
          %gather3A_804 = tpu.vector_load_idx %arg7[%add3A_803] : memref<8064xf32, #tpu.memory_space<vmem>>[vector<16xi32>], vector<16xf32>,
          %add3A_805 = arith.addi %mul3A_125, %and3A_730 : vector<16xi32>
          %gather3A_806 = tpu.vector_load_idx %arg7[%add3A_805] : memref<8064xf32, #tpu.memory_space<vmem>>[vector<16xi32>], vector<16xf32>,
          %add3A_807 = arith.addi %mul3A_125, %and3A_736 : vector<16xi32>
          %gather3A_808 = tpu.vector_load_idx %arg7[%add3A_807] : memref<8064xf32, #tpu.memory_space<vmem>>[vector<16xi32>], vector<16xf32>,
          %add3A_809 = arith.addi %mul3A_125, %and3A_742 : vector<16xi32>
          %gather3A_810 = tpu.vector_load_idx %arg7[%add3A_809] : memref<8064xf32, #tpu.memory_space<vmem>>[vector<16xi32>], vector<16xf32>,
          %add3A_811 = arith.addi %mul3A_125, %and3A_748 : vector<16xi32>
          %gather3A_812 = tpu.vector_load_idx %arg7[%add3A_811] : memref<8064xf32, #tpu.memory_space<vmem>>[vector<16xi32>], vector<16xf32>,
          %add3A_813 = arith.addi %mul3A_125, %and3A_754 : vector<16xi32>
          %gather3A_814 = tpu.vector_load_idx %arg7[%add3A_813] : memref<8064xf32, #tpu.memory_space<vmem>>[vector<16xi32>], vector<16xf32>,
          %add3A_815 = arith.addi %mul3A_125, %and3A_760 : vector<16xi32>
          %gather3A_816 = tpu.vector_load_idx %arg7[%add3A_815] : memref<8064xf32, #tpu.memory_space<vmem>>[vector<16xi32>], vector<16xf32>,
          %add3A_817 = arith.addi %mul3A_125, %and3A_766 : vector<16xi32>
          %gather3A_818 = tpu.vector_load_idx %arg7[%add3A_817] : memref<8064xf32, #tpu.memory_space<vmem>>[vector<16xi32>], vector<16xf32>,
          %add3A_819 = arith.addi %mul3A_125, %and3A_772 : vector<16xi32>
          %gather3A_820 = tpu.vector_load_idx %arg7[%add3A_819] : memref<8064xf32, #tpu.memory_space<vmem>>[vector<16xi32>], vector<16xf32>,
          %add3A_821 = arith.addi %mul3A_125, %and3A_778 : vector<16xi32>
          %gather3A_822 = tpu.vector_load_idx %arg7[%add3A_821] : memref<8064xf32, #tpu.memory_space<vmem>>[vector<16xi32>], vector<16xf32>,
          %add3A_823 = arith.addi %mul3A_125, %and3A_784 : vector<16xi32>
          %gather3A_824 = tpu.vector_load_idx %arg7[%add3A_823] : memref<8064xf32, #tpu.memory_space<vmem>>[vector<16xi32>], vector<16xf32>,
          %add3A_825 = arith.addi %mul3A_125, %and3A_790 : vector<16xi32>
          %gather3A_826 = tpu.vector_load_idx %arg7[%add3A_825] : memref<8064xf32, #tpu.memory_space<vmem>>[vector<16xi32>], vector<16xf32>,
          %add3A_827 = arith.addi %mul3A_125, %and3A_796 : vector<16xi32>
          %gather3A_828 = tpu.vector_load_idx %arg7[%add3A_827] : memref<8064xf32, #tpu.memory_space<vmem>>[vector<16xi32>], vector<16xf32>,
          %scatter3A_829 = arith.constant 0 : i32
          %scatter3A_830 = arith.constant 0 : i32
          %scatter3A_831 = tpu.memref_slice %arg14[%scan3A_69, %scatter3A_829, %scatter3A_830] : memref<2x320x64xf32, #tpu.memory_space<vmem>> -> memref<1x320x64xf32, #tpu.memory_space<vmem>>
          %scatter3A_832 = tpu.memref_squeeze %scatter3A_831 : memref<1x320x64xf32, #tpu.memory_space<vmem>> -> memref<320x64xf32, #tpu.memory_space<vmem>>
          tpu.vector_store_idx %scatter3A_832[%add3A_127, %and3A_706], %gather3A_798 : memref<320x64xf32, #tpu.memory_space<vmem>>[vector<16xi32>, vector<16xi32>], vector<16xf32>,
          %scatter3A_833 = arith.constant 0 : i32
          %scatter3A_834 = arith.constant 0 : i32
          %scatter3A_835 = tpu.memref_slice %arg14[%scan3A_69, %scatter3A_833, %scatter3A_834] : memref<2x320x64xf32, #tpu.memory_space<vmem>> -> memref<1x320x64xf32, #tpu.memory_space<vmem>>
          %scatter3A_836 = tpu.memref_squeeze %scatter3A_835 : memref<1x320x64xf32, #tpu.memory_space<vmem>> -> memref<320x64xf32, #tpu.memory_space<vmem>>
          tpu.vector_store_idx %scatter3A_836[%add3A_127, %and3A_712], %gather3A_800 : memref<320x64xf32, #tpu.memory_space<vmem>>[vector<16xi32>, vector<16xi32>], vector<16xf32>,
          %scatter3A_837 = arith.constant 0 : i32
          %scatter3A_838 = arith.constant 0 : i32
          %scatter3A_839 = tpu.memref_slice %arg14[%scan3A_69, %scatter3A_837, %scatter3A_838] : memref<2x320x64xf32, #tpu.memory_space<vmem>> -> memref<1x320x64xf32, #tpu.memory_space<vmem>>
          %scatter3A_840 = tpu.memref_squeeze %scatter3A_839 : memref<1x320x64xf32, #tpu.memory_space<vmem>> -> memref<320x64xf32, #tpu.memory_space<vmem>>
          tpu.vector_store_idx %scatter3A_840[%add3A_127, %and3A_718], %gather3A_802 : memref<320x64xf32, #tpu.memory_space<vmem>>[vector<16xi32>, vector<16xi32>], vector<16xf32>,
          %scatter3A_841 = arith.constant 0 : i32
          %scatter3A_842 = arith.constant 0 : i32
          %scatter3A_843 = tpu.memref_slice %arg14[%scan3A_69, %scatter3A_841, %scatter3A_842] : memref<2x320x64xf32, #tpu.memory_space<vmem>> -> memref<1x320x64xf32, #tpu.memory_space<vmem>>
          %scatter3A_844 = tpu.memref_squeeze %scatter3A_843 : memref<1x320x64xf32, #tpu.memory_space<vmem>> -> memref<320x64xf32, #tpu.memory_space<vmem>>
          tpu.vector_store_idx %scatter3A_844[%add3A_127, %and3A_724], %gather3A_804 : memref<320x64xf32, #tpu.memory_space<vmem>>[vector<16xi32>, vector<16xi32>], vector<16xf32>,
          %scatter3A_845 = arith.constant 0 : i32
          %scatter3A_846 = arith.constant 0 : i32
          %scatter3A_847 = tpu.memref_slice %arg14[%scan3A_69, %scatter3A_845, %scatter3A_846] : memref<2x320x64xf32, #tpu.memory_space<vmem>> -> memref<1x320x64xf32, #tpu.memory_space<vmem>>
          %scatter3A_848 = tpu.memref_squeeze %scatter3A_847 : memref<1x320x64xf32, #tpu.memory_space<vmem>> -> memref<320x64xf32, #tpu.memory_space<vmem>>
          tpu.vector_store_idx %scatter3A_848[%add3A_127, %and3A_730], %gather3A_806 : memref<320x64xf32, #tpu.memory_space<vmem>>[vector<16xi32>, vector<16xi32>], vector<16xf32>,
          %scatter3A_849 = arith.constant 0 : i32
          %scatter3A_850 = arith.constant 0 : i32
          %scatter3A_851 = tpu.memref_slice %arg14[%scan3A_69, %scatter3A_849, %scatter3A_850] : memref<2x320x64xf32, #tpu.memory_space<vmem>> -> memref<1x320x64xf32, #tpu.memory_space<vmem>>
          %scatter3A_852 = tpu.memref_squeeze %scatter3A_851 : memref<1x320x64xf32, #tpu.memory_space<vmem>> -> memref<320x64xf32, #tpu.memory_space<vmem>>
          tpu.vector_store_idx %scatter3A_852[%add3A_127, %and3A_736], %gather3A_808 : memref<320x64xf32, #tpu.memory_space<vmem>>[vector<16xi32>, vector<16xi32>], vector<16xf32>,
          %scatter3A_853 = arith.constant 0 : i32
          %scatter3A_854 = arith.constant 0 : i32
          %scatter3A_855 = tpu.memref_slice %arg14[%scan3A_69, %scatter3A_853, %scatter3A_854] : memref<2x320x64xf32, #tpu.memory_space<vmem>> -> memref<1x320x64xf32, #tpu.memory_space<vmem>>
          %scatter3A_856 = tpu.memref_squeeze %scatter3A_855 : memref<1x320x64xf32, #tpu.memory_space<vmem>> -> memref<320x64xf32, #tpu.memory_space<vmem>>
          tpu.vector_store_idx %scatter3A_856[%add3A_127, %and3A_742], %gather3A_810 : memref<320x64xf32, #tpu.memory_space<vmem>>[vector<16xi32>, vector<16xi32>], vector<16xf32>,
          %scatter3A_857 = arith.constant 0 : i32
          %scatter3A_858 = arith.constant 0 : i32
          %scatter3A_859 = tpu.memref_slice %arg14[%scan3A_69, %scatter3A_857, %scatter3A_858] : memref<2x320x64xf32, #tpu.memory_space<vmem>> -> memref<1x320x64xf32, #tpu.memory_space<vmem>>
          %scatter3A_860 = tpu.memref_squeeze %scatter3A_859 : memref<1x320x64xf32, #tpu.memory_space<vmem>> -> memref<320x64xf32, #tpu.memory_space<vmem>>
          tpu.vector_store_idx %scatter3A_860[%add3A_127, %and3A_748], %gather3A_812 : memref<320x64xf32, #tpu.memory_space<vmem>>[vector<16xi32>, vector<16xi32>], vector<16xf32>,
          %scatter3A_861 = arith.constant 0 : i32
          %scatter3A_862 = arith.constant 0 : i32
          %scatter3A_863 = tpu.memref_slice %arg14[%scan3A_69, %scatter3A_861, %scatter3A_862] : memref<2x320x64xf32, #tpu.memory_space<vmem>> -> memref<1x320x64xf32, #tpu.memory_space<vmem>>
          %scatter3A_864 = tpu.memref_squeeze %scatter3A_863 : memref<1x320x64xf32, #tpu.memory_space<vmem>> -> memref<320x64xf32, #tpu.memory_space<vmem>>
          tpu.vector_store_idx %scatter3A_864[%add3A_127, %and3A_754], %gather3A_814 : memref<320x64xf32, #tpu.memory_space<vmem>>[vector<16xi32>, vector<16xi32>], vector<16xf32>,
          %scatter3A_865 = arith.constant 0 : i32
          %scatter3A_866 = arith.constant 0 : i32
          %scatter3A_867 = tpu.memref_slice %arg14[%scan3A_69, %scatter3A_865, %scatter3A_866] : memref<2x320x64xf32, #tpu.memory_space<vmem>> -> memref<1x320x64xf32, #tpu.memory_space<vmem>>
          %scatter3A_868 = tpu.memref_squeeze %scatter3A_867 : memref<1x320x64xf32, #tpu.memory_space<vmem>> -> memref<320x64xf32, #tpu.memory_space<vmem>>
          tpu.vector_store_idx %scatter3A_868[%add3A_127, %and3A_760], %gather3A_816 : memref<320x64xf32, #tpu.memory_space<vmem>>[vector<16xi32>, vector<16xi32>], vector<16xf32>,
          %scatter3A_869 = arith.constant 0 : i32
          %scatter3A_870 = arith.constant 0 : i32
          %scatter3A_871 = tpu.memref_slice %arg14[%scan3A_69, %scatter3A_869, %scatter3A_870] : memref<2x320x64xf32, #tpu.memory_space<vmem>> -> memref<1x320x64xf32, #tpu.memory_space<vmem>>
          %scatter3A_872 = tpu.memref_squeeze %scatter3A_871 : memref<1x320x64xf32, #tpu.memory_space<vmem>> -> memref<320x64xf32, #tpu.memory_space<vmem>>
          tpu.vector_store_idx %scatter3A_872[%add3A_127, %and3A_766], %gather3A_818 : memref<320x64xf32, #tpu.memory_space<vmem>>[vector<16xi32>, vector<16xi32>], vector<16xf32>,
          %scatter3A_873 = arith.constant 0 : i32
          %scatter3A_874 = arith.constant 0 : i32
          %scatter3A_875 = tpu.memref_slice %arg14[%scan3A_69, %scatter3A_873, %scatter3A_874] : memref<2x320x64xf32, #tpu.memory_space<vmem>> -> memref<1x320x64xf32, #tpu.memory_space<vmem>>
          %scatter3A_876 = tpu.memref_squeeze %scatter3A_875 : memref<1x320x64xf32, #tpu.memory_space<vmem>> -> memref<320x64xf32, #tpu.memory_space<vmem>>
          tpu.vector_store_idx %scatter3A_876[%add3A_127, %and3A_772], %gather3A_820 : memref<320x64xf32, #tpu.memory_space<vmem>>[vector<16xi32>, vector<16xi32>], vector<16xf32>,
          %scatter3A_877 = arith.constant 0 : i32
          %scatter3A_878 = arith.constant 0 : i32
          %scatter3A_879 = tpu.memref_slice %arg14[%scan3A_69, %scatter3A_877, %scatter3A_878] : memref<2x320x64xf32, #tpu.memory_space<vmem>> -> memref<1x320x64xf32, #tpu.memory_space<vmem>>
          %scatter3A_880 = tpu.memref_squeeze %scatter3A_879 : memref<1x320x64xf32, #tpu.memory_space<vmem>> -> memref<320x64xf32, #tpu.memory_space<vmem>>
          tpu.vector_store_idx %scatter3A_880[%add3A_127, %and3A_778], %gather3A_822 : memref<320x64xf32, #tpu.memory_space<vmem>>[vector<16xi32>, vector<16xi32>], vector<16xf32>,
          %scatter3A_881 = arith.constant 0 : i32
          %scatter3A_882 = arith.constant 0 : i32
          %scatter3A_883 = tpu.memref_slice %arg14[%scan3A_69, %scatter3A_881, %scatter3A_882] : memref<2x320x64xf32, #tpu.memory_space<vmem>> -> memref<1x320x64xf32, #tpu.memory_space<vmem>>
          %scatter3A_884 = tpu.memref_squeeze %scatter3A_883 : memref<1x320x64xf32, #tpu.memory_space<vmem>> -> memref<320x64xf32, #tpu.memory_space<vmem>>
          tpu.vector_store_idx %scatter3A_884[%add3A_127, %and3A_784], %gather3A_824 : memref<320x64xf32, #tpu.memory_space<vmem>>[vector<16xi32>, vector<16xi32>], vector<16xf32>,
          %scatter3A_885 = arith.constant 0 : i32
          %scatter3A_886 = arith.constant 0 : i32
          %scatter3A_887 = tpu.memref_slice %arg14[%scan3A_69, %scatter3A_885, %scatter3A_886] : memref<2x320x64xf32, #tpu.memory_space<vmem>> -> memref<1x320x64xf32, #tpu.memory_space<vmem>>
          %scatter3A_888 = tpu.memref_squeeze %scatter3A_887 : memref<1x320x64xf32, #tpu.memory_space<vmem>> -> memref<320x64xf32, #tpu.memory_space<vmem>>
          tpu.vector_store_idx %scatter3A_888[%add3A_127, %and3A_790], %gather3A_826 : memref<320x64xf32, #tpu.memory_space<vmem>>[vector<16xi32>, vector<16xi32>], vector<16xf32>,
          %scatter3A_889 = arith.constant 0 : i32
          %scatter3A_890 = arith.constant 0 : i32
          %scatter3A_891 = tpu.memref_slice %arg14[%scan3A_69, %scatter3A_889, %scatter3A_890] : memref<2x320x64xf32, #tpu.memory_space<vmem>> -> memref<1x320x64xf32, #tpu.memory_space<vmem>>
          %scatter3A_892 = tpu.memref_squeeze %scatter3A_891 : memref<1x320x64xf32, #tpu.memory_space<vmem>> -> memref<320x64xf32, #tpu.memory_space<vmem>>
          tpu.vector_store_idx %scatter3A_892[%add3A_127, %and3A_796], %gather3A_828 : memref<320x64xf32, #tpu.memory_space<vmem>>[vector<16xi32>, vector<16xi32>], vector<16xf32>,
        }
        %scan3A_74 = arith.constant 20 : i32
        %mul3A_75 = arith.constant 320 : i32
        %mul3A_76 = arith.muli %add3A_43, %mul3A_75 : i32
        %multiple_of3A_77 = tpu.assume_multiple %mul3A_76, 8 : i32
        %dma_start3A_78 = arith.constant 1 : i32
        %dma_start3A_79 = arith.constant 0 : i32
        %dma_start3A_80 = arith.constant 0 : i32
        %dma_start3A_81 = tpu.memref_slice %arg14[%dma_start3A_78, %dma_start3A_79, %dma_start3A_80] : memref<2x320x64xf32, #tpu.memory_space<vmem>> -> memref<1x320x64xf32, #tpu.memory_space<vmem>>
        %dma_start3A_82 = tpu.memref_squeeze %dma_start3A_81 : memref<1x320x64xf32, #tpu.memory_space<vmem>> -> memref<320x64xf32, #tpu.memory_space<vmem>>
        %dma_start3A_83 = arith.constant 0 : i32
        %dma_start3A_84 = tpu.memref_slice %arg6[%multiple_of3A_77, %dma_start3A_83] : memref<800000x64xf32, #tpu.memory_space<hbm>> -> memref<320x64xf32, #tpu.memory_space<hbm>>
        %dma_start3A_85 = arith.constant 0 : i32
        %dma_start3A_86 = tpu.memref_slice %arg6[%multiple_of3A_77, %dma_start3A_85] : memref<800000x64xf32, #tpu.memory_space<hbm>> -> memref<320x64xf32, #tpu.memory_space<hbm>>
        %dma_start3A_87 = arith.constant 0 : i32
        %dma_start3A_88 = arith.constant 0 : i32
        %dma_start3A_89 = tpu.memref_slice %arg14[%dma_start3A_78, %dma_start3A_87, %dma_start3A_88] : memref<2x320x64xf32, #tpu.memory_space<vmem>> -> memref<1x320x64xf32, #tpu.memory_space<vmem>>
        %dma_start3A_90 = tpu.memref_squeeze %dma_start3A_89 : memref<1x320x64xf32, #tpu.memory_space<vmem>> -> memref<320x64xf32, #tpu.memory_space<vmem>>
        tpu.enqueue_dma source(%dma_start3A_90 : memref<320x64xf32, #tpu.memory_space<vmem>>) target(%dma_start3A_86 : memref<320x64xf32, #tpu.memory_space<hbm>>) target_semaphore(%arg18 : memref<!tpu.dma_semaphore, #tpu.memory_space<semaphore_mem>>)
      } else {
      }
    }
    %scan3A_12 = arith.constant 40 : i32
    %add3A_13 = arith.constant 2496 : i32
    %add3A_14 = arith.addi %add3A, %add3A_13 : i32
    %lt3A = arith.constant 2500 : i32
    %lt3A_15 = arith.cmpi slt, %add3A_14, %lt3A : i32
    %convert_element_type3A = arith.extui %lt3A_15 : i1 to i32
    %cond3A = arith.constant 0 : i32
    %cond3A_16 = arith.cmpi ne, %convert_element_type3A, %cond3A : i32
    scf.if %cond3A_16 {
      %mul3A_24 = arith.constant 320 : i32
      %mul3A_25 = arith.muli %add3A_14, %mul3A_24 : i32
      %multiple_of3A_26 = tpu.assume_multiple %mul3A_25, 8 : i32
      %dma_wait3A = arith.constant 0 : i32
      %dma_wait3A_27 = arith.constant 0 : i32
      %dma_wait3A_28 = arith.constant 0 : i32
      %dma_wait3A_29 = tpu.memref_slice %arg14[%dma_wait3A, %dma_wait3A_27, %dma_wait3A_28] : memref<2x320x64xf32, #tpu.memory_space<vmem>> -> memref<1x320x64xf32, #tpu.memory_space<vmem>>
      %dma_wait3A_30 = tpu.memref_squeeze %dma_wait3A_29 : memref<1x320x64xf32, #tpu.memory_space<vmem>> -> memref<320x64xf32, #tpu.memory_space<vmem>>
      %dma_wait3A_31 = arith.constant 0 : i32
      %dma_wait3A_32 = tpu.memref_slice %arg6[%multiple_of3A_26, %dma_wait3A_31] : memref<800000x64xf32, #tpu.memory_space<hbm>> -> memref<320x64xf32, #tpu.memory_space<hbm>>
      %dma_wait3A_33 = arith.constant 0 : i32
      %dma_wait3A_34 = tpu.memref_slice %arg6[%multiple_of3A_26, %dma_wait3A_33] : memref<800000x64xf32, #tpu.memory_space<hbm>> -> memref<320x64xf32, #tpu.memory_space<hbm>>
      %dma_wait3A_35 = arith.constant 0 : i32
      %dma_wait3A_36 = arith.constant 0 : i32
      %dma_wait3A_37 = tpu.memref_slice %arg14[%dma_wait3A, %dma_wait3A_35, %dma_wait3A_36] : memref<2x320x64xf32, #tpu.memory_space<vmem>> -> memref<1x320x64xf32, #tpu.memory_space<vmem>>
      %dma_wait3A_38 = tpu.memref_squeeze %dma_wait3A_37 : memref<1x320x64xf32, #tpu.memory_space<vmem>> -> memref<320x64xf32, #tpu.memory_space<vmem>>
      tpu.wait_dma2 semaphore(%arg17 : memref<!tpu.dma_semaphore, #tpu.memory_space<semaphore_mem>>) src(%dma_wait3A_38 : memref<320x64xf32, #tpu.memory_space<vmem>>) dst(%dma_wait3A_34 : memref<320x64xf32, #tpu.memory_space<hbm>>)
    } else {
    }
    %add3A_17 = arith.constant 2528 : i32
    %add3A_18 = arith.addi %add3A, %add3A_17 : i32
    %lt3A_19 = arith.constant 2500 : i32
    %lt3A_20 = arith.cmpi slt, %add3A_18, %lt3A_19 : i32
    %convert_element_type3A_21 = arith.extui %lt3A_20 : i1 to i32
    %cond3A_22 = arith.constant 0 : i32
    %cond3A_23 = arith.cmpi ne, %convert_element_type3A_21, %cond3A_22 : i32
    scf.if %cond3A_23 {
      %mul3A_24 = arith.constant 320 : i32
      %mul3A_25 = arith.muli %add3A_18, %mul3A_24 : i32
      %multiple_of3A_26 = tpu.assume_multiple %mul3A_25, 8 : i32
      %dma_wait3A = arith.constant 1 : i32
      %dma_wait3A_27 = arith.constant 0 : i32
      %dma_wait3A_28 = arith.constant 0 : i32
      %dma_wait3A_29 = tpu.memref_slice %arg14[%dma_wait3A, %dma_wait3A_27, %dma_wait3A_28] : memref<2x320x64xf32, #tpu.memory_space<vmem>> -> memref<1x320x64xf32, #tpu.memory_space<vmem>>
      %dma_wait3A_30 = tpu.memref_squeeze %dma_wait3A_29 : memref<1x320x64xf32, #tpu.memory_space<vmem>> -> memref<320x64xf32, #tpu.memory_space<vmem>>
      %dma_wait3A_31 = arith.constant 0 : i32
      %dma_wait3A_32 = tpu.memref_slice %arg6[%multiple_of3A_26, %dma_wait3A_31] : memref<800000x64xf32, #tpu.memory_space<hbm>> -> memref<320x64xf32, #tpu.memory_space<hbm>>
      %dma_wait3A_33 = arith.constant 0 : i32
      %dma_wait3A_34 = tpu.memref_slice %arg6[%multiple_of3A_26, %dma_wait3A_33] : memref<800000x64xf32, #tpu.memory_space<hbm>> -> memref<320x64xf32, #tpu.memory_space<hbm>>
      %dma_wait3A_35 = arith.constant 0 : i32
      %dma_wait3A_36 = arith.constant 0 : i32
      %dma_wait3A_37 = tpu.memref_slice %arg14[%dma_wait3A, %dma_wait3A_35, %dma_wait3A_36] : memref<2x320x64xf32, #tpu.memory_space<vmem>> -> memref<1x320x64xf32, #tpu.memory_space<vmem>>
      %dma_wait3A_38 = tpu.memref_squeeze %dma_wait3A_37 : memref<1x320x64xf32, #tpu.memory_space<vmem>> -> memref<320x64xf32, #tpu.memory_space<vmem>>
      tpu.wait_dma2 semaphore(%arg18 : memref<!tpu.dma_semaphore, #tpu.memory_space<semaphore_mem>>) src(%dma_wait3A_38 : memref<320x64xf32, #tpu.memory_space<vmem>>) dst(%dma_wait3A_34 : memref<320x64xf32, #tpu.memory_space<hbm>>)
    } else {
    }
    return
  }
}

</mosaic_0001>

<sc_bundles>
// kernel: kernel.3.cloned.1.call-start
scs
__scs_entry_jumppad:
0x0: {  	(pc) =	sbr.rel $0x88, $3  }
0x1: {  	(tag) =	ssettag $0x0;
	lr =	simm.s32 $0x1  }
0x2: {  	[smem:$0x3F9D] =	sst lr;
	_ =	strace $0xD0000000  }
0x3: {  	_ = 	snop  }
0x4: {  	_ = 	snop  }
0x5: {  	_ = 	snop  }
0x6: {  	_ = 	snop  }
0x7: {  	_ = 	snop  }
__scs_overlays_trampoline_lowered:
0x8: {  	[smem:$0x3FAC] =	sst s0  }
0x9: {  	[smem:$0x3FAD] =	sst s1  }
0xa: {  	[smem:$0x3FAE] =	sst s2  }
0xb: {  	[smem:$0x3FAF] =	sst s3  }
0xc: {  	[smem:$0x3FB0] =	sst s4  }
0xd: {  	[smem:$0x3FB1] =	sst s5  }
0xe: {  	[smem:$0x3FB2] =	sst s6  }
0xf: {  	[smem:$0x3FB3] =	sst s7  }
0x10: {  	[smem:$0x3FB4] =	sst s8  }
0x11: {  	[smem:$0x3FB5] =	sst s9;
	s0 =	simm.s32 @!p0 $0x0  }
0x12: {  	s1 =	sld [smem:$0x3F9B];
	s0 =	simm.s32 @p0 $0x1  }
0x13: {  	[smem:$0x3FB6] =	sst s0;
	s0 =	simm.s32 @!p1 $0x0  }
0x14: {  	s2 =	sld [smem:$0x3F9A];
	s0 =	simm.s32 @p1 $0x1  }
0x15: {  	[smem:$0x3FB7] =	sst s0;
	s0 =	simm.s32 @!p2 $0x0  }
0x16: {  	s3 =	sld [smem:$0x3FDB];
	s0 =	simm.s32 @p2 $0x1  }
0x17: {  	s4 =	simm.s32 $0x1BF5;
	[smem:$0x3FB9] =	sst s0  }
0x18: {  	s0 =	sld [smem:$0x3F9C];
	_ =	swait.ge [sflag:s4], $0x0  }
0x19: {  	s7 =	sld [smem:$0x3F9D]  }
0x1a: {  	s8 =	sadd.s32 $0xFFFFE003, lr  }
0x1b: {  	s9 =	sadd.s32 $0xFFFFFEF7, lr;
	s5 =	simm.s32 $0xFFFFFFFF;
	p2 =	slt.u32 s8, $0xFFFFF086  }
0x1c: {  	p1 =	slt.u32 s9, $0xF7A;
	s5 =	simm.s32 @!p2 $0x0  }
0x1d: {  	s5 =	simm.s32 @p1 $0x1;
	p0 =	seq.s32 s7, s2  }
0x1e: {  	s7 =	smul.u32 @!p0 $0xF7A, s2;
	p2 =	seq.s32 @!p0 s5, $0x0  }
0x1f: {  	s9 =	smul.u32 $0xF7A, s1;
	s8 =	simm.s32 @!p0 $0x1BF5;
	p2 =	por !p2, p0  }
0x20: {  	[sflag:s8] =	ssyncset.s32 @!p0 $0xFFFFF086;
	s6 =	sadd.s32 @!p0 s3, s7;
	s7 =	simm.s32 @!p0 $0x108  }
0x21: {  	s3 =	sadd.s32 s3, s9;
	s6 =	sadd.s32 @!p0 $0x88, s6;
	s7 =	simm.s32 @p2 $0x1082  }
0x22: {  	[simem:s7], [sflag:s8] =	dma.local @!p0 [hbm:s6], $0xF7A  }
0x23: {  	s9 =	sor.u32 $0xD0000000, s2;
	s6 =	simm.s32 $0x108;
	_ =	swait.ge @!p0 [sflag:s8], $0x0  }
0x24: {  	s3 =	sadd.s32 $0x88, s3;
	s6 =	simm.s32 @!p1 $0x1082;
	[sflag:s4] =	ssyncset.s32 $0xFFFFF086  }
0x25: {  	[simem:s6], [sflag:s4] =	dma.local [hbm:s3], $0xF7A  }
0x26: {  	[smem:$0x3F9D] =	sst s1;
	(tag) =	ssettag s2;
	_ =	strace s9  }
0x27: {  	s1 =	sld [smem:$0x3FAD]  }
0x28: {  	s2 =	sld [smem:$0x3FAE]  }
0x29: {  	s4 =	sld [smem:$0x3FB0]  }
0x2a: {  	p0 =	seq.s32 s5, $0x0;
	s5 =	sld [smem:$0x3FB1]  }
0x2b: {  	s6 =	sld [smem:$0x3FB2]  }
0x2c: {  	s7 =	sld [smem:$0x3FB3]  }
0x2d: {  	s3 =	simm.s32 $0x108;
	s8 =	sld [smem:$0x3FB4]  }
0x2e: {  	s3 =	simm.s32 @!p0 $0x1082;
	s9 =	sld [smem:$0x3FB5]  }
0x2f: {  	lr =	sadd.s32 s0, s3;
	s0 =	sld [smem:$0x3FAC]  }
0x30: {  	s3 =	sld [smem:$0x3FAF]  }
0x31: {  	[smem:$0x3FB8] =	sst s10  }
0x32: {  	s10 =	sld [smem:$0x3FB6];
	_ =	sdelay $0x3  }
0x33: {  	p0 =	seq.s32 s10, $0x1;
	s10 =	sld [smem:$0x3FB8];
	_ =	sdelay $0x3  }
0x34: {  	[smem:$0x3FB8] =	sst s10  }
0x35: {  	s10 =	sld [smem:$0x3FB7];
	_ =	sdelay $0x3  }
0x36: {  	p1 =	seq.s32 s10, $0x1;
	s10 =	sld [smem:$0x3FB8];
	_ =	sdelay $0x3  }
0x37: {  	[smem:$0x3FB8] =	sst s10  }
0x38: {  	s10 =	sld [smem:$0x3FB9]  }
0x39: {  	_ = 	snop;
	(pc) =	sbr.ind lr, $3  }
0x3a: {  	_ = 	snop  }
0x3b: {  	_ = 	snop  }
0x3c: {  	p2 =	seq.s32 s10, $0x1;
	s10 =	sld [smem:$0x3FB8]  }
0x3d: {  	_ =	shalt  }
0x3e: {  	_ =	shalt  }
0x3f: {  	_ =	shalt  }
0x40: {  	_ =	shalt  }
0x41: {  	_ =	shalt  }
0x42: {  	_ =	shalt  }
0x43: {  	_ =	shalt  }
0x44: {  	_ =	shalt  }
0x45: {  	_ =	shalt  }
0x46: {  	_ =	shalt  }
0x47: {  	_ =	shalt  }
0x48: {  	_ =	shalt  }
0x49: {  	_ =	shalt  }
0x4a: {  	_ =	shalt  }
0x4b: {  	_ =	shalt  }
0x4c: {  	_ =	shalt  }
0x4d: {  	_ =	shalt  }
0x4e: {  	_ =	shalt  }
0x4f: {  	_ =	shalt  }
0x50: {  	_ =	shalt  }
0x51: {  	_ =	shalt  }
0x52: {  	_ =	shalt  }
0x53: {  	_ =	shalt  }
0x54: {  	_ =	shalt  }
0x55: {  	_ =	shalt  }
0x56: {  	_ =	shalt  }
0x57: {  	_ =	shalt  }
0x58: {  	_ =	shalt  }
0x59: {  	_ =	shalt  }
0x5a: {  	_ =	shalt  }
0x5b: {  	_ =	shalt  }
0x5c: {  	_ =	shalt  }
0x5d: {  	_ =	shalt  }
0x5e: {  	_ =	shalt  }
0x5f: {  	_ =	shalt  }
0x60: {  	_ =	shalt  }
0x61: {  	_ =	shalt  }
0x62: {  	_ =	shalt  }
0x63: {  	_ =	shalt  }
0x64: {  	_ =	shalt  }
0x65: {  	_ =	shalt  }
0x66: {  	_ =	shalt  }
0x67: {  	_ =	shalt  }
0x68: {  	_ =	shalt  }
0x69: {  	_ =	shalt  }
0x6a: {  	_ =	shalt  }
0x6b: {  	_ =	shalt  }
0x6c: {  	_ =	shalt  }
0x6d: {  	_ =	shalt  }
0x6e: {  	_ =	shalt  }
0x6f: {  	_ =	shalt  }
0x70: {  	_ =	shalt  }
0x71: {  	_ =	shalt  }
0x72: {  	_ =	shalt  }
0x73: {  	_ =	shalt  }
0x74: {  	_ =	shalt  }
0x75: {  	_ =	shalt  }
0x76: {  	_ =	shalt  }
0x77: {  	_ =	shalt  }
0x78: {  	_ =	shalt  }
0x79: {  	_ =	shalt  }
0x7a: {  	_ =	shalt  }
0x7b: {  	_ =	shalt  }
0x7c: {  	_ =	shalt  }
0x7d: {  	_ =	shalt  }
0x7e: {  	_ =	shalt  }
0x7f: {  	_ =	shalt  }
0x80: {  	_ =	shalt  }
0x81: {  	_ =	shalt  }
0x82: {  	_ =	shalt  }
0x83: {  	_ =	shalt  }
0x84: {  	_ =	shalt  }
0x85: {  	_ =	shalt  }
0x86: {  	_ =	shalt  }
0x87: {  	_ =	shalt  }
.Lfunc_end0:
.L_simem_size_0:
called_computation_lowered:
.L_overlay_start_0:
0x88: {  	s2 =	sld [smem:$0x3FD9]  }
0x89: {  	s3 =	sld [smem:$0x3FFE];
	_ =	sdelay $0x1  }
0x8a: {  	s1 =	srdreg.scid  }
0x8b: {  	s0 =	sand.u32 $0x1, s1  }
0x8c: {  	s17 =	sshll.u32 s0, $0xA;
	s2 =	sadd.s32 s3, s2  }
0x8d: {  	s2 =	sadd.s32 s2, s17  }
0x8e: {  	[smem:$0x3FC4] =	sst s2  }
0x8f: {  	_ = 	snop  }
0x90: {  	s2 =	sld [smem:$0x3FD0];
	(tm) =	ssettm $0x1  }
0x91: {  	s18 =	sld [smem:$0x3FFB];
	_ =	sdelay $0x3  }
0x92: {  	_ =	strace s18  }
0x93: {  	s3 =	sld [smem:$0x3FFC];
	_ =	sdelay $0x3  }
0x94: {  	_ =	strace s3  }
0x95: {  	s3 =	sld [smem:$0x3FFD];
	_ =	sdelay $0x3  }
0x96: {  	_ =	strace s3  }
0x97: {  	_ =	strace $0x8FFFFFFF  }
0x98: {  	s19 =	sld [smem:$0x3FDB];
	_ =	sdelay $0x1  }
0x99: {  	s4 =	simm.s32 $_scs_section_size  }
0x9a: {  	s5 =	simm.s32 $_size__tile_overlayer_lowered;
	s6 =	simm.s32 $_tile_overlayer_lowered  }
0x9b: {  	s22 =	simm.s32 $0x1BFF;
	s21 =	sshll.u32 s6, $0x1;
	s3 =	sadd.s32 s4, s19  }
0x9c: {  	s7 =	simm.s32 $0x0;
	s20 =	sshll.u32 s5, $0x1;
	s5 =	sadd.s32 s21, s3  }
0x9d: {  	[timem:s7], [sflag:s22] =	dma.local [hbm:s5], s20  }
0x9e: {  	_ =	swait.ge [sflag:s22], s20  }
0x9f: {  	s4 =	ssub.s32 $0x0, s20;
	[sflag:s22] =	ssyncset.done $0x0  }
0xa0: {  	[sflag:s22] =	ssyncadd.s32 s4;
	_ =	sdelay $0x1  }
0xa1: {  	s23 =	simm.s32 $0x1B8B  }
0xa2: {  	_ =	swait.ge [sflag:s23], $0x1  }
0xa3: {  	[sflag:s23] =	ssyncset.done $0x0  }
0xa4: {  	s25 =	simm.s32 $0x1B8E;
	s24 =	sld [smem:$0x3FFE];
	[sflag:s23] =	ssyncadd.s32 $0xFFFFFFFF  }
0xa5: {  	s26 =	simm.s32 $execute0_lowered;
	[smem:$0x3FD2] =	sst s25  }
0xa6: {  	s5 =	sshll.u32 s26, $0x1;
	_ =	strace $0x80000046;
	[dreg:$0x1] =	wrdreg $0xFFFFFFFF  }
0xa7: {  	s28 =	simm.s32 $_size_execute0_lowered;
	s3 =	sadd.s32 s3, s5;
	[dreg:$0x0] =	wrdreg $0x0  }
0xa8: {  	s5 =	sshll.u32 s28, $0x1;
	[dreg:$0x2] =	wrdreg s3  }
0xa9: {  	[dreg:$0x3] =	wrdreg s5  }
0xaa: {  	[dreg:$0x4] =	wrdreg $0xC0  }
0xab: {  	_ =	task [dreg:s7], $0x5FFFF  }
0xac: {  	[dreg:$0x1] =	wrdreg $0xFFFFFFFF  }
0xad: {  	[dreg:$0x0] =	wrdreg $0x60  }
0xae: {  	[dreg:$0x2] =	wrdreg s24  }
0xaf: {  	[dreg:$0x3] =	wrdreg s2  }
0xb0: {  	[dreg:$0x4] =	wrdreg $0x9  }
0xb1: {  	_ =	task.clear_ibuf [dreg:s7], $0x5FFFF;
	_ =	strace $0x90000046  }
0xb2: {  	s29 =	simm.s32 $0x9;
	_ =	strace $0x80000048  }
0xb3: {  	_ =	swait.ge [sflag:s29], $0x1  }
0xb4: {  	[sflag:s29] =	ssyncadd.s32 $0xFFFFFFFF  }
0xb5: {  	_ =	strace $0x90000048  }
0xb6: {  	_ =	sfence  }
0xb7: {  	s30 =	sld [smem:$0x0];
	_ =	sdelay $0x2  }
0xb8: {  	s31 =	sshll.u32 s1, $0xD;
	s1 =	sshrl.u32 s1, $0x2  }
0xb9: {  	s3 =	sand.u32 $0x4000, s31;
	s1 =	sadd.s32 s1, s30  }
0xba: {  	s0 =	sor.u32 s3, s0;
	s1 =	sshll.u32 s1, $0x11  }
0xbb: {  	s0 =	sor.u32 s1, s0  }
0xbc: {  	s0 =	sadd.s32 $0x8F2B, s0  }
0xbd: {  	[sflag:s0] =	ssyncadd.remote.s32 $0x1  }
0xbe: {  	_ =	sfence.sel $0xFFFF  }
0xbf: {  	[dreg:$0x0] =	wrdreg $0xFFFFFFFF;
	(pc) =	sbr.abs _section_cstart, $3  }
0xc0: {  	[dreg:$0x1] =	wrdreg $0xFFFFFFFF  }
0xc1: {  	_ =	task.clear_ibuf [dreg:s7], $0x2FFFF;
	_ =	strace $0x9FFFFFFF  }
0xc2: {  	(tm) =	ssettm $0x7FFFFFFF  }
0xc3: {  	_ =	shalt  }
tec
execute0_lowered:
.L_overlay_start_1:
0x0: {  	(tag) =	ssettag $0x1  }
0x1: {  	v29 =	vlaneseq.u32;
	v24 =	vimm.s32 $0x34333231;
	v1 =	vimm.s32 $0x38373635  }
0x2: {  	v16 =	vimm.s32 $0x3C3B3A39;
	v37 =	vimm.s32 $0x3F3E3D;
	vm0 =	vcmask $0x1F10  }
0x3: {  	v38 =	vimm.s32 $0x39383736;
	v40 =	vimm.s32 $0x3D3C3B3A;
	v41 =	vimm.s32 $0x1003F3E  }
0x4: {  	v26 =	vimm.s32 $0x36353433;
	v27 =	vimm.s32 $0x3020100;
	v47 =	vimm.s32 $0x3F3E3D3C  }
0x5: {  	v48 =	vimm.s32 $0x37363534;
	v0 =	vmul.u32 $0x80, v29;
	v14 =	vadd.s32 $0x11, v29  }
0x6: {  	v15 =	vadd.s32 $0x12, v29;
	v19 =	vunpack.c.0.s8.s32 v1;
	v23 =	vunpack.c.0.s8.s32 v16;
	[tilespmem:$0x1FCF0] =	vst v14  }
0x7: {  	v1 =	vunpack.c.0.s8.s32 v37;
	v16 =	vimm.s32 $0x35343332;
	[tilespmem:$0x1FCD0] =	vst v0;
	v0 =	vunpack.c.0.s8.s32 v24  }
0x8: {  	[tilespmem:$0x1FD00] =	vst v15;
	v16 =	vunpack.c.0.s8.s32 v16;
	v14 =	vunpack.c.0.s8.s32 v38;
	v15 =	vunpack.c.0.s8.s32 v40  }
0x9: {  	v38 =	vunpack.c.0.s8.s32 v41;
	v37 =	vsel vm0, v1, v23;
	v0 =	vsel vm0, v19, v0  }
0xa: {  	v49 =	vimm.s32 $0x3B3A3938;
	v61 =	vimm.s32 $0x87654321;
	v0 =	vcombine.low v0, v37  }
0xb: {  	v9 =	vadd.s32 $0x21, v29;
	v25 =	vsel vm0, v14, v16;
	v16 =	vsel vm0, v38, v15  }
0xc: {  	v59 =	vunpack.c.0.s8.s32 v48;
	[tilespmem:$0x1FD10] =	vst v0;
	v0 =	vcombine.low v25, v16;
	v25 =	vunpack.c.0.s8.s32 v49  }
0xd: {  	v40 =	vunpack.c.0.s8.s32 v27;
	v41 =	vunpack.c.l.s4.s8 v61;
	v24 =	vunpack.c.0.s8.s32 v47  }
0xe: {  	v36 =	vimm.s32 $0x3A393837;
	v46 =	vimm.s32 $0x201003F;
	v63 =	vimm.s32 $0x4030201;
	v49 =	vmovc v9;
	v9 =	vmovc v25  }
0xf: {  	v41 =	vunpack.c.0.s8.s32 v41;
	v40 =	vsel vm0, v40, v24;
	v62 =	vsel vm0, v9, v59  }
0x10: {  	v44 =	vimm.s32 $0x98765432;
	v13 =	vor.u32 $0x10, v29;
	v27 =	vcombine.low v62, v40  }
0x11: {  	v48 =	vunpack.c.l.s4.s8 v44;
	v41 =	vand.u32 $0xF, v41;
	[tilespmem:$0x1FD20] =	vst v0;
	v0 =	vunpack.c.0.s8.s32 v26  }
0x12: {  	v25 =	vunpack.c.0.s8.s32 v36;
	v36 =	vimm.s32 $0x5040302;
	[tilespmem:$0x1FD30] =	vst v27;
	v27 =	vimm.s32 $0x32107654  }
0x13: {  	v26 =	vunpack.c.0.s8.s32 v46;
	v47 =	vunpack.c.0.s8.s32 v36;
	v46 =	vunpack.c.l.s4.s8 v27  }
0x14: {  	v61 =	vcombine.low v37, v41;
	v40 =	vunpack.c.0.s8.s32 v63;
	v62 =	vunpack.c.0.s8.s32 v48  }
0x15: {  	vm1 =	vcmask $0x2F10;
	[tilespmem:$0x1FCE0] =	vst v13;
	v59 =	vsel vm0, v47, v38;
	v46 =	vunpack.c.0.s8.s32 v46  }
0x16: {  	[tilespmem:$0x1FD60] =	vst v61;
	v45 =	vsel vm0, v40, v1;
	v37 =	vand.u32 $0xF, v62;
	v27 =	vimm.s32 $0xB0A0908  }
0x17: {  	[tilespmem:$0x1FD50] =	vst v59;
	v16 =	vcombine.low v16, v37;
	v63 =	vand.u32 $0xF, v46;
	v46 =	vunpack.c.0.s8.s32 v27  }
0x18: {  	vm2 =	vcmask $0x3F30;
	s0 =	rddreg [dreg:$0x0];
	[tilespmem:$0x1FD40] =	vst v45;
	v40 =	vsel vm1, v63, v24  }
0x19: {  	s2 =	rddreg [dreg:$0x1];
	s4 =	simm.s32 $0x0;
	[tilespmem:$0x1FD70] =	vst v16;
	v16 =	vsel vm2, v46, v40  }
0x1a: {  	[smem:$0x7FF] =	sst s4;
	v0 =	vsel vm0, v25, v0;
	v27 =	vimm.s32 $0xA9876543;
	[tilespmem:$0x1FD80] =	vst v16  }
0x1b: {  	s1 =	rddreg [dreg:$0x2];
	v37 =	vunpack.c.l.s4.s8 v27;
	v27 =	vadd.s32 $0x27, v29;
	_ =	strace $0x80000047;
	[tilespmem:$0x1FD90] =	vst v0  }
0x1c: {  	v43 =	vimm.s32 $0x54329876;
	v36 =	vadd.s32 $0x29, v29;
	[tilespmem:$0x1FDC0] =	vst v27  }
0x1d: {  	v16 =	vunpack.c.l.s4.s8 v43;
	v43 =	vadd.s32 $0x2A, v29;
	[tilespmem:$0x1FDE0] =	vst v36  }
0x1e: {  	[tilespmem:$0x1FDF0] =	vst v43  }
0x1f: {  	[tilespmem:$0x1FE60] =	vst v14  }
0x20: {  	[tilespmem:$0x1FE70] =	vst v15  }
0x21: {  	[tilespmem:$0x1FE80] =	vst v24  }
0x22: {  	[tilespmem:$0x1FE90] =	vst v9  }
0x23: {  	[tilespmem:$0x1FEA0] =	vst v25  }
0x24: {  	v42 =	vadd.s32 $0xD, v29;
	[tilespmem:$0x1FEB0] =	vst v26  }
0x25: {  	v34 =	vadd.s32 $0xB, v29;
	[tilespmem:$0x1FEF0] =	vst v42  }
0x26: {  	v35 =	vadd.s32 $0xC, v29;
	[tilespmem:$0x1FF00] =	vst v34  }
0x27: {  	v2 =	vadd.s32 $0xE, v29;
	[tilespmem:$0x1FF10] =	vst v35  }
0x28: {  	v33 =	vadd.s32 $0xA, v29;
	[tilespmem:$0x1FF20] =	vst v2  }
0x29: {  	v32 =	vadd.s32 $0x9, v29;
	[tilespmem:$0x1FF30] =	vst v33  }
0x2a: {  	v31 =	vadd.s32 $0x8, v29;
	[tilespmem:$0x1FF40] =	vst v32  }
0x2b: {  	v30 =	vadd.s32 $0x7, v29;
	v8 =	vor.u32 $0x20, v29;
	[tilespmem:$0x1FF50] =	vst v31  }
0x2c: {  	v13 =	vadd.s32 $0x24, v29;
	v48 =	vmov v8;
	v8 =	vimm.s32 $0x43218765;
	[tilespmem:$0x1FF80] =	vst v30  }
0x2d: {  	v10 =	vadd.s32 $0x4, v29;
	v17 =	vadd.s32 $0x25, v29;
	v41 =	vunpack.c.l.s4.s8 v8;
	[tilespmem:$0x1FF90] =	vst v13  }
0x2e: {  	v11 =	vadd.s32 $0x5, v29;
	v12 =	vadd.s32 $0x6, v29;
	v60 =	vadd.s32 $0x26, v29;
	[tilespmem:$0x1FFA0] =	vst v17  }
0x2f: {  	v18 =	vadd.s32 $0xF, v29;
	v28 =	vadd.s32 $0x1A, v29;
	v41 =	vunpack.c.0.s8.s32 v41;
	[tilespmem:$0x1FFB0] =	vst v60  }
0x30: {  	v6 =	vadd.s32 $0x1E, v29;
	v7 =	vadd.s32 $0x1F, v29;
	v61 =	vimm.s32 $0xC0B0A09;
	[tilespmem:$0x1FFC0] =	vst v12  }
0x31: {  	v62 =	vimm.s32 $0x6543A987;
	v59 =	vand.u32 $0xF, v41;
	v40 =	vunpack.c.0.s8.s32 v61;
	[tilespmem:$0x1FFD0] =	vst v11  }
0x32: {  	v1 =	vsel vm1, v59, v1;
	v59 =	vimm.s32 $0xE0D0C0B;
	v37 =	vunpack.c.0.s8.s32 v37;
	[tilespmem:$0x1FFE0] =	vst v10  }
0x33: {  	v47 =	vmovc v7;
	v7 =	vsel vm2, v40, v1;
	v40 =	vunpack.c.0.s8.s32 v59;
	v59 =	vadd.s32 $0x2D, v29;
	[tilespmem:$0x1FFF0] =	vst v18  }
0x34: {  	v45 =	vimm.s32 $0xD0C0B0A;
	v41 =	vunpack.c.l.s4.s8 v62;
	v16 =	vunpack.c.0.s8.s32 v16;
	[tilespmem:$0x1FE20] =	vst v59  }
0x35: {  	v62 =	vimm.s32 $0x76543210;
	v63 =	vimm.s32 $0x6050403;
	v8 =	vand.u32 $0xF, v37;
	[tilespmem:$0x1FF70] =	vst v7  }
0x36: {  	[tilespmem:$0x1FED0] =	vst v8;
	v44 =	vand.u32 $0xF, v16;
	v16 =	vunpack.c.0.s8.s32 v41;
	v37 =	vmovc v28;
	v28 =	vadd.s32 $0x28, v29  }
0x37: {  	v1 =	vsel vm1, v44, v38;
	v38 =	vunpack.c.0.s8.s32 v45;
	[tilespmem:$0x1FDD0] =	vst v28;
	v44 =	vadd.s32 $0x2B, v29  }
0x38: {  	v61 =	vunpack.c.0.s8.s32 v63;
	v45 =	vadd.s32 $0x2C, v29;
	v16 =	vand.u32 $0xF, v16;
	[tilespmem:$0x1FE00] =	vst v44  }
0x39: {  	s5 =	srdreg.scid;
	s3 =	stileid.u32;
	s13 =	simm.s32 $0x5;
	v46 =	vmovc v6;
	[tilespmem:$0x1FE10] =	vst v45;
	v6 =	vsel vm2, v38, v1;
	v1 =	vunpack.c.l.s4.s8 v62;
	v62 =	vadd.s32 $0x2F, v29  }
0x3a: {  	s14 =	simm.s32 $0x1F80;
	s15 =	simm.s32 $0x2280;
	s16 =	simm.s32 $0x2580;
	v4 =	vadd.s32 $0x1C, v29;
	v16 =	vsel vm1, v16, v26;
	[tilespmem:$0x1FE40] =	vst v62  }
0x3b: {  	s17 =	simm.s32 $0x1;
	s18 =	simm.s32 $0x2880;
	s19 =	simm.s32 $0x2;
	v20 =	vadd.s32 $0x1, v29;
	v39 =	vsel vm2, v40, v16;
	v40 =	vmovc v4;
	v4 =	vsel vm0, v61, v26;
	[tilespmem:$0x1FF60] =	vst v6  }
0x3c: {  	s20 =	simm.s32 $0xC880;
	v21 =	vadd.s32 $0x2, v29;
	s7 =	sand.u32 $0x1, s5;
	s31 =	sshll.u32 s3, $0x1;
	v16 =	vimm.s32 $0x3E3D3C3B;
	v61 =	vadd.s32 $0x2E, v29;
	[tilespmem:$0x1FDB0] =	vst v4  }
.Ltmp0:
0x3d: {  	s21 =	simm.s32 $0x0;
	v22 =	vadd.s32 $0x3, v29;
	v50 =	vadd.s32 $0x13, v29;
	s5 =	sor.u32 s7, s31;
	v63 =	vunpack.c.0.s8.s32 v16;
	[tilespmem:$0x1FE30] =	vst v61;
	(pc) =	sbr.rel .LBB2_1-.Ltmp0, $4  }
0x3e: {  	v53 =	vadd.s32 $0x14, v29;
	v54 =	vadd.s32 $0x15, v29;
	s6 =	sadd.s32 $0x18C00, s0;
	s9 =	ssub.s32 $0x2, s7;
	s11 =	smul.u32 $0x28, s5;
	v1 =	vunpack.c.0.s8.s32 v1;
	[tilespmem:$0x1FEE0] =	vst v39  }
0x3f: {  	v55 =	vadd.s32 $0x16, v29;
	v56 =	vadd.s32 $0x17, v29;
	v57 =	vadd.s32 $0x18, v29;
	s8 =	sadd.s32 $0x31400, s0;
	p0 =	sgt.u32 s3, $0x1;
	s10 =	sshrl.u32 s9, $0x1;
	[tilespmem:$0x1FDA0] =	vst v63  }
0x40: {  	v3 =	vadd.s32 $0x1B, v29;
	v5 =	vadd.s32 $0x1D, v29;
	s7 =	sadd.s32 $0x400, s0;
	s12 =	ssub.s32 s9, s10;
	s9 =	sadd.s32 s6, s11;
	v63 =	vor.u32 $0x30, v29;
	[tilespmem:$0x1FEC0] =	vst v1  }
0x41: {  	v58 =	vadd.s32 $0x19, v29;
	v51 =	vadd.s32 $0x22, v29;
	v52 =	vadd.s32 $0x23, v29;
	s10 =	sadd.s32 s7, s11;
	s11 =	sadd.s32 s2, s11;
	s12 =	smax.u32 s12, $0x1;
	v41 =	vmovc v5;
	v38 =	vmovc v3;
	[tilespmem:$0x1FE50] =	vst v63  }
.LBB2_10:
0x42: {  	s21 =	sadd.s32 $0x1, s21  }
0x43: {  	p1 =	sne.s32 s21, s12  }
.Ltmp1:
0x44: {  	_ = 	snop;
	(pc) =	sbr.rel @!p1 .LBB2_11-.Ltmp1, $4  }
0x45: {  	s22 =	simm.s32 @!p0 $0x3  }
0x46: {  	_ =	swait.ge @!p0 [sflag:s22], $0xA000  }
0x47: {  	[sflag:s22] =	ssyncset.done @!p0 $0x0  }
0x48: {  	[sflag:s22] =	ssyncadd.s32 @!p0 $0xFFFF6000  }
.LBB2_1:
0x49: {  	[tilespmem:s4], [sflag:$0x5] =	stream.linear.gather [hbm4b:s0+s4], $0x1F80, $0x38;
	[tilespmem:$0x16880] =	vst v63  }
0x4a: {  	_ =	swait.ge [sflag:s13], $0x1F80  }
0x4b: {  	[sflag:s13] =	ssyncset.done $0x0  }
0x4c: {  	[sflag:s13] =	ssyncadd.s32 $0xFFFFE080  }
0x4d: {  	[tilespmem:s14], [sflag:$0x1] =	stream.linear.gather [hbm4b:s9+s4], $0x140, $0x38;
	[tilespmem:$0x16880] =	vst v63  }
.Ltmp2:
0x4e: {  	_ = 	snop;
	(pc) =	sbr.rel .LBB2_2-.Ltmp2, $4  }
0x4f: {  	_ = 	snop  }
0x50: {  	[tilespmem:s15], [sflag:$0x1] =	stream.linear.gather [hbm4b:s10+s4], $0x140, $0x38;
	[tilespmem:$0x16880] =	vst v63  }
0x51: {  	s22 =	simm.s32 $0x0  }
0x52: {  	[tilespmem:s16], [sflag:$0x1] =	stream.linear.gather [hbm4b:s11+s4], $0x140, $0x38;
	[tilespmem:$0x16880] =	vst v63  }
.LBB2_9:
0x53: {  	s22 =	sadd.s32 $0x1, s22  }
0x54: {  	p1 =	sne.s32 s22, $0x28  }
.Ltmp3:
0x55: {  	_ = 	snop;
	(pc) =	sbr.rel @!p1 .LBB2_10-.Ltmp3, $1  }
0x56: {  	_ =	sdelay $0x3  }
.LBB2_2:
0x57: {  	s23 =	sshll.u32 s22, $0x6  }
0x58: {  	s24 =	sor.u32 s5, s23  }
0x59: {  	p1 =	sgt.u32 s24, $0x9C3  }
.Ltmp4:
0x5a: {  	_ = 	snop;
	(pc) =	sbr.rel @p1 .LBB2_9-.Ltmp4, $1  }
0x5b: {  	_ =	sdelay $0x3  }
0x5c: {  	_ =	swait.ge [sflag:s17], $0x140  }
0x5d: {  	[sflag:s17] =	ssyncset.done $0x0  }
0x5e: {  	[sflag:s17] =	ssyncadd.s32 $0xFFFFFEC0  }
0x5f: {  	_ =	swait.ge [sflag:s17], $0x140  }
0x60: {  	s23 =	sor.u32 $0x20, s24;
	[sflag:s17] =	ssyncset.done $0x0  }
0x61: {  	p2 =	sgt.u32 s23, $0x9C3;
	[sflag:s17] =	ssyncadd.s32 $0xFFFFFEC0  }
0x62: {  	s25 =	smul.u32 @!p2 $0x28, s23;
	_ =	swait.ge [sflag:s17], $0x140  }
0x63: {  	s28 =	simm.s32 @!p2 $0x0;
	[sflag:s17] =	ssyncset.done $0x0  }
0x64: {  	s29 =	simm.s32 @!p2 $0x2100;
	s26 =	sadd.s32 @!p2 s6, s25;
	[sflag:s17] =	ssyncadd.s32 $0xFFFFFEC0  }
0x65: {  	[tilespmem:s29], [sflag:$0x2] =	stream.linear.gather @!p2 [hbm4b:s26+s28], $0x140, $0x38;
	[tilespmem:$0x16880] =	vst v63  }
0x66: {  	s26 =	sadd.s32 @!p2 s7, s25;
	s29 =	simm.s32 @!p2 $0x2400  }
0x67: {  	[tilespmem:s29], [sflag:$0x2] =	stream.linear.gather @!p2 [hbm4b:s26+s28], $0x140, $0x38;
	[tilespmem:$0x16880] =	vst v63  }
0x68: {  	p1 =	seq.s32 s22, $0x0;
	s25 =	sadd.s32 @!p2 s2, s25;
	s26 =	simm.s32 @!p2 $0x2700  }
0x69: {  	[tilespmem:s26], [sflag:$0x2] =	stream.linear.gather @!p2 [hbm4b:s25+s28], $0x140, $0x38;
	[tilespmem:$0x16880] =	vst v63  }
0x6a: {  	s25 =	simm.s32 @!p1 $0x3  }
0x6b: {  	_ =	swait.ge @!p1 [sflag:s25], $0xA000  }
0x6c: {  	v36 =	vld [tilespmem:$0x1FE20]  }
0x6d: {  	v43 =	vld [tilespmem:$0x1FE30]  }
0x6e: {  	s29 =	simm.s32 $0x2580;
	s26 =	simm.s32 $0x1F80;
	[sflag:s25] =	ssyncset.done @!p1 $0x0;
	v44 =	vld [tilespmem:$0x1FE40]  }
0x6f: {  	s28 =	simm.s32 $0x2280;
	v34 =	vld [tilespmem:$0x1FE50];
	[sflag:s25] =	ssyncadd.s32 @!p1 $0xFFFF6000;
	s25 =	simm.s32 $0x0  }
.LBB2_4:
0x70: {  	v0 =	vld [tilespmem:s28+$0x0]  }
0x71: {  	v1 =	vld [tilespmem:s29+$0x0]  }
0x72: {  	v16 =	vld [tilespmem:s26+$0x0];
	_ =	sdelay $0x2  }
0x73: {  	vm1 =	vgt.s32 v0, $0x0  }
0x74: {  	v0 =	vnsel vm1, $0x0, v0;
	vm1 =	vgt.s32 v1, $0x0  }
0x75: {  	v17 =	vld [tilespmem:$0x1FFE0];
	v1 =	vnsel vm1, $0x0, v1;
	vm1 =	vgt.s32 v16, $0x0;
	v0 =	vmin.u32 v0, $0x6  }
0x76: {  	v31 =	vld [tilespmem:$0x1FFD0];
	v16 =	vnsel vm1, $0x0, v16;
	v1 =	vmin.u32 v1, $0x2;
	v0 =	vmul.u32 $0x6, v0  }
0x77: {  	v30 =	vld [tilespmem:$0x1FFC0];
	v16 =	vmin.u32 v16, $0x5;
	v1 =	vmul.u32 $0x2A, v1  }
0x78: {  	v29 =	vld [tilespmem:$0x1FF80];
	v0 =	vadd.s32 v16, v0  }
0x79: {  	v42 =	vld [tilespmem:$0x1FF50];
	v0 =	vadd.s32 v1, v0  }
0x7a: {  	v13 =	vlaneseq.u32;
	v35 =	vld [tilespmem:$0x1FF40];
	v1 =	vshll.u32 v0, $0x6  }
0x7b: {  	v28 =	vld [tilespmem:$0x1FF30];
	v0 =	vor.u32 v13, v1  }
0x7c: {  	v25 =	vld [tilespmem:$0x1FF00];
	v16 =	vor.u32 v20, v1  }
0x7d: {  	v26 =	vld [tilespmem:$0x1FF10];
	v59 =	vor.u32 v21, v1  }
0x7e: {  	v24 =	vld [tilespmem:$0x1FEF0];
	v60 =	vor.u32 v22, v1  }
0x7f: {  	v27 =	vld [tilespmem:$0x1FF20];
	v14 =	vor.u32 v42, v1  }
0x80: {  	v0 =	vld.idx.msk [tilespmem:v0+s4+$0x0], $0xffff  }
0x81: {  	v61 =	vor.u32 v17, v1;
	v16 =	vld.idx.msk [tilespmem:v16+s4+$0x0], $0xffff  }
0x82: {  	v62 =	vor.u32 v31, v1;
	v59 =	vld.idx.msk [tilespmem:v59+s4+$0x0], $0xffff  }
0x83: {  	v63 =	vor.u32 v30, v1;
	v3 =	vld.idx.msk [tilespmem:v60+s4+$0x0], $0xffff  }
0x84: {  	v2 =	vor.u32 v29, v1;
	v9 =	vld.idx.msk [tilespmem:v14+s4+$0x0], $0xffff  }
0x85: {  	v4 =	vor.u32 v35, v1;
	v14 =	vld [tilespmem:$0x1FCD0]  }
0x86: {  	v5 =	vor.u32 v28, v1;
	v61 =	vld.idx.msk [tilespmem:v61+s4+$0x0], $0xffff  }
0x87: {  	v6 =	vor.u32 v25, v1;
	v62 =	vld.idx.msk [tilespmem:v62+s4+$0x0], $0xffff  }
0x88: {  	v8 =	vmov s25;
	v7 =	vor.u32 v26, v1;
	v63 =	vld.idx.msk [tilespmem:v63+s4+$0x0], $0xffff  }
0x89: {  	v8 =	vshll.u32 v8, $0x7;
	v10 =	vor.u32 v24, v1;
	v2 =	vld.idx.msk [tilespmem:v2+s4+$0x0], $0xffff  }
0x8a: {  	v11 =	vor.u32 v27, v1;
	v4 =	vld.idx.msk [tilespmem:v4+s4+$0x0], $0xffff;
	v60 =	vor.u32 v14, v8  }
0x8b: {  	v12 =	vor.u32 v18, v1;
	v5 =	vld.idx.msk [tilespmem:v5+s4+$0x0], $0xffff;
	v8 =	vor.u32 v13, v60  }
0x8c: {  	v6 =	vld.idx.msk [tilespmem:v6+s4+$0x0], $0xffff;
	v39 =	vor.u32 v20, v60  }
0x8d: {  	v7 =	vld.idx.msk [tilespmem:v7+s4+$0x0], $0xffff;
	v14 =	vor.u32 v21, v60  }
0x8e: {  	v10 =	vld.idx.msk [tilespmem:v10+s4+$0x0], $0xffff;
	v15 =	vor.u32 v22, v60  }
0x8f: {  	v11 =	vld.idx.msk [tilespmem:v11+s4+$0x0], $0xffff;
	v17 =	vor.u32 v17, v60  }
0x90: {  	v12 =	vld.idx.msk [tilespmem:v12+s4+$0x0], $0xffff;
	[tilespmem:v8+s18+$0x0] =	vst.idx.msk $0xffff, v0;
	v0 =	vor.u32 v31, v60  }
0x91: {  	v45 =	vor.u32 v30, v60;
	[tilespmem:v39+s18+$0x0] =	vst.idx.msk $0xffff, v16  }
0x92: {  	[tilespmem:v14+s18+$0x0] =	vst.idx.msk $0xffff, v59;
	v59 =	vor.u32 v29, v60  }
0x93: {  	[tilespmem:v15+s18+$0x0] =	vst.idx.msk $0xffff, v3;
	v3 =	vor.u32 v42, v60  }
0x94: {  	[tilespmem:v17+s18+$0x0] =	vst.idx.msk $0xffff, v61;
	v61 =	vor.u32 v35, v60  }
0x95: {  	[tilespmem:v0+s18+$0x0] =	vst.idx.msk $0xffff, v62;
	v0 =	vor.u32 v28, v60  }
0x96: {  	v17 =	vld [tilespmem:$0x1FCE0];
	[tilespmem:v45+s18+$0x0] =	vst.idx.msk $0xffff, v63;
	v63 =	vor.u32 v25, v60  }
0x97: {  	[tilespmem:v59+s18+$0x0] =	vst.idx.msk $0xffff, v2;
	v2 =	vor.u32 v26, v60  }
0x98: {  	[tilespmem:v3+s18+$0x0] =	vst.idx.msk $0xffff, v9;
	v3 =	vor.u32 v24, v60  }
0x99: {  	v14 =	vor.u32 v27, v60;
	[tilespmem:v61+s18+$0x0] =	vst.idx.msk $0xffff, v4  }
0x9a: {  	[tilespmem:v0+s18+$0x0] =	vst.idx.msk $0xffff, v5;
	v0 =	vor.u32 v18, v60  }
0x9b: {  	v32 =	vor.u32 v17, v1;
	[tilespmem:v63+s18+$0x0] =	vst.idx.msk $0xffff, v6  }
0x9c: {  	v33 =	vor.u32 v50, v1;
	[tilespmem:v2+s18+$0x0] =	vst.idx.msk $0xffff, v7  }
0x9d: {  	v35 =	vor.u32 v54, v1;
	[tilespmem:v3+s18+$0x0] =	vst.idx.msk $0xffff, v10  }
0x9e: {  	v39 =	vor.u32 v55, v1;
	v25 =	vld [tilespmem:$0x1FD00];
	[tilespmem:v14+s18+$0x0] =	vst.idx.msk $0xffff, v11  }
0x9f: {  	v42 =	vor.u32 v56, v1;
	v24 =	vld [tilespmem:$0x1FCF0];
	[tilespmem:v0+s18+$0x0] =	vst.idx.msk $0xffff, v12  }
0xa0: {  	v45 =	vor.u32 v57, v1;
	v5 =	vld.idx.msk [tilespmem:v32+s4+$0x0], $0xffff  }
0xa1: {  	v59 =	vor.u32 v58, v1;
	v4 =	vld.idx.msk [tilespmem:v33+s4+$0x0], $0xffff  }
0xa2: {  	v61 =	vor.u32 v37, v1;
	v6 =	vld.idx.msk [tilespmem:v35+s4+$0x0], $0xffff  }
0xa3: {  	v62 =	vor.u32 v38, v1;
	v7 =	vld.idx.msk [tilespmem:v39+s4+$0x0], $0xffff  }
0xa4: {  	v63 =	vor.u32 v40, v1;
	v8 =	vld.idx.msk [tilespmem:v42+s4+$0x0], $0xffff  }
0xa5: {  	v15 =	vor.u32 v46, v1;
	v9 =	vld.idx.msk [tilespmem:v45+s4+$0x0], $0xffff  }
0xa6: {  	v2 =	vor.u32 v24, v1;
	v10 =	vld.idx.msk [tilespmem:v59+s4+$0x0], $0xffff  }
0xa7: {  	v3 =	vor.u32 v25, v1;
	v11 =	vld.idx.msk [tilespmem:v61+s4+$0x0], $0xffff  }
0xa8: {  	v16 =	vor.u32 v47, v1;
	v12 =	vld.idx.msk [tilespmem:v62+s4+$0x0], $0xffff  }
0xa9: {  	v0 =	vor.u32 v53, v1;
	v13 =	vld.idx.msk [tilespmem:v63+s4+$0x0], $0xffff  }
0xaa: {  	v17 =	vor.u32 v17, v60;
	v32 =	vor.u32 v41, v1;
	v15 =	vld.idx.msk [tilespmem:v15+s4+$0x0], $0xffff  }
0xab: {  	v33 =	vor.u32 v24, v60;
	v2 =	vld.idx.msk [tilespmem:v2+s4+$0x0], $0xffff  }
0xac: {  	v35 =	vor.u32 v25, v60;
	v3 =	vld.idx.msk [tilespmem:v3+s4+$0x0], $0xffff  }
0xad: {  	v39 =	vor.u32 v50, v60;
	v16 =	vld.idx.msk [tilespmem:v16+s4+$0x0], $0xffff  }
0xae: {  	v42 =	vor.u32 v53, v60;
	v0 =	vld.idx.msk [tilespmem:v0+s4+$0x0], $0xffff  }
0xaf: {  	v45 =	vor.u32 v54, v60;
	v14 =	vld.idx.msk [tilespmem:v32+s4+$0x0], $0xffff;
	[tilespmem:v17+s18+$0x0] =	vst.idx.msk $0xffff, v5  }
0xb0: {  	[tilespmem:v33+s18+$0x0] =	vst.idx.msk $0xffff, v2;
	v2 =	vor.u32 v55, v60  }
0xb1: {  	[tilespmem:v35+s18+$0x0] =	vst.idx.msk $0xffff, v3;
	v3 =	vor.u32 v56, v60  }
0xb2: {  	v62 =	vor.u32 v57, v60;
	[tilespmem:v39+s18+$0x0] =	vst.idx.msk $0xffff, v4  }
0xb3: {  	[tilespmem:v42+s18+$0x0] =	vst.idx.msk $0xffff, v0;
	v0 =	vor.u32 v58, v60  }
0xb4: {  	v63 =	vor.u32 v37, v60;
	[tilespmem:v45+s18+$0x0] =	vst.idx.msk $0xffff, v6  }
0xb5: {  	[tilespmem:v2+s18+$0x0] =	vst.idx.msk $0xffff, v7;
	v2 =	vor.u32 v38, v60  }
0xb6: {  	[tilespmem:v3+s18+$0x0] =	vst.idx.msk $0xffff, v8;
	v3 =	vor.u32 v40, v60  }
0xb7: {  	v24 =	vld [tilespmem:$0x1FF90];
	[tilespmem:v62+s18+$0x0] =	vst.idx.msk $0xffff, v9;
	v9 =	vor.u32 v41, v60  }
0xb8: {  	v25 =	vld [tilespmem:$0x1FFA0];
	[tilespmem:v0+s18+$0x0] =	vst.idx.msk $0xffff, v10;
	v0 =	vor.u32 v46, v60  }
0xb9: {  	v26 =	vld [tilespmem:$0x1FFB0];
	[tilespmem:v63+s18+$0x0] =	vst.idx.msk $0xffff, v11;
	v11 =	vor.u32 v47, v60  }
0xba: {  	v27 =	vld [tilespmem:$0x1FDC0];
	[tilespmem:v2+s18+$0x0] =	vst.idx.msk $0xffff, v12;
	v2 =	vor.u32 v48, v1  }
0xbb: {  	v30 =	vld [tilespmem:$0x1FDF0];
	v32 =	vor.u32 v51, v1;
	[tilespmem:v3+s18+$0x0] =	vst.idx.msk $0xffff, v13  }
0xbc: {  	v28 =	vld [tilespmem:$0x1FDD0];
	v33 =	vor.u32 v24, v1;
	[tilespmem:v9+s18+$0x0] =	vst.idx.msk $0xffff, v14  }
0xbd: {  	v29 =	vld [tilespmem:$0x1FDE0];
	v35 =	vor.u32 v25, v1;
	[tilespmem:v0+s18+$0x0] =	vst.idx.msk $0xffff, v15  }
0xbe: {  	v31 =	vld [tilespmem:$0x1FE00];
	v39 =	vor.u32 v26, v1;
	[tilespmem:v11+s18+$0x0] =	vst.idx.msk $0xffff, v16  }
0xbf: {  	v42 =	vor.u32 v27, v1;
	v2 =	vld.idx.msk [tilespmem:v2+s4+$0x0], $0xffff  }
0xc0: {  	v4 =	vld.idx.msk [tilespmem:v32+s4+$0x0], $0xffff  }
0xc1: {  	v45 =	vor.u32 v28, v1;
	v5 =	vld.idx.msk [tilespmem:v33+s4+$0x0], $0xffff  }
0xc2: {  	v59 =	vor.u32 v29, v1;
	v6 =	vld.idx.msk [tilespmem:v35+s4+$0x0], $0xffff  }
0xc3: {  	v61 =	vor.u32 v30, v1;
	v7 =	vld.idx.msk [tilespmem:v39+s4+$0x0], $0xffff  }
0xc4: {  	v62 =	vor.u32 v31, v1;
	v8 =	vld.idx.msk [tilespmem:v42+s4+$0x0], $0xffff  }
0xc5: {  	v3 =	vor.u32 v49, v1;
	v32 =	vld [tilespmem:$0x1FE10]  }
0xc6: {  	v0 =	vor.u32 v52, v1;
	v9 =	vld.idx.msk [tilespmem:v45+s4+$0x0], $0xffff  }
0xc7: {  	v15 =	vor.u32 v43, v1;
	v10 =	vld.idx.msk [tilespmem:v59+s4+$0x0], $0xffff  }
0xc8: {  	v16 =	vor.u32 v44, v1;
	v11 =	vld.idx.msk [tilespmem:v61+s4+$0x0], $0xffff  }
0xc9: {  	v33 =	vor.u32 v36, v1;
	v12 =	vld.idx.msk [tilespmem:v62+s4+$0x0], $0xffff  }
0xca: {  	v17 =	vor.u32 v48, v60;
	v3 =	vld.idx.msk [tilespmem:v3+s4+$0x0], $0xffff;
	v63 =	vor.u32 v32, v1  }
0xcb: {  	v35 =	vor.u32 v49, v60;
	v0 =	vld.idx.msk [tilespmem:v0+s4+$0x0], $0xffff  }
0xcc: {  	v39 =	vor.u32 v51, v60;
	v15 =	vld.idx.msk [tilespmem:v15+s4+$0x0], $0xffff  }
0xcd: {  	v42 =	vor.u32 v52, v60;
	v16 =	vld.idx.msk [tilespmem:v16+s4+$0x0], $0xffff  }
0xce: {  	v45 =	vor.u32 v24, v60;
	v14 =	vld.idx.msk [tilespmem:v33+s4+$0x0], $0xffff  }
0xcf: {  	v13 =	vld.idx.msk [tilespmem:v63+s4+$0x0], $0xffff;
	[tilespmem:v17+s18+$0x0] =	vst.idx.msk $0xffff, v2;
	v2 =	vor.u32 v25, v60  }
0xd0: {  	[tilespmem:v35+s18+$0x0] =	vst.idx.msk $0xffff, v3;
	v3 =	vor.u32 v26, v60  }
0xd1: {  	v61 =	vor.u32 v27, v60;
	[tilespmem:v39+s18+$0x0] =	vst.idx.msk $0xffff, v4  }
0xd2: {  	[tilespmem:v42+s18+$0x0] =	vst.idx.msk $0xffff, v0;
	v0 =	vor.u32 v28, v60  }
0xd3: {  	v63 =	vor.u32 v29, v60;
	[tilespmem:v45+s18+$0x0] =	vst.idx.msk $0xffff, v5  }
0xd4: {  	[tilespmem:v2+s18+$0x0] =	vst.idx.msk $0xffff, v6;
	v2 =	vor.u32 v30, v60  }
0xd5: {  	[tilespmem:v3+s18+$0x0] =	vst.idx.msk $0xffff, v7;
	v3 =	vor.u32 v31, v60  }
0xd6: {  	v33 =	vor.u32 v32, v60;
	[tilespmem:v61+s18+$0x0] =	vst.idx.msk $0xffff, v8  }
0xd7: {  	v24 =	vld [tilespmem:$0x1FD10];
	[tilespmem:v0+s18+$0x0] =	vst.idx.msk $0xffff, v9;
	v0 =	vor.u32 v36, v60  }
0xd8: {  	v25 =	vld [tilespmem:$0x1FD20];
	[tilespmem:v63+s18+$0x0] =	vst.idx.msk $0xffff, v10  }
0xd9: {  	v39 =	vld [tilespmem:$0x1FD90];
	[tilespmem:v2+s18+$0x0] =	vst.idx.msk $0xffff, v11  }
0xda: {  	v35 =	vor.u32 v43, v60;
	v31 =	vld [tilespmem:$0x1FD30];
	[tilespmem:v3+s18+$0x0] =	vst.idx.msk $0xffff, v12  }
0xdb: {  	v9 =	vld [tilespmem:$0x1FDA0];
	v2 =	vor.u32 v44, v60;
	[tilespmem:v33+s18+$0x0] =	vst.idx.msk $0xffff, v13  }
0xdc: {  	v3 =	vld [tilespmem:$0x1FEB0];
	[tilespmem:v0+s18+$0x0] =	vst.idx.msk $0xffff, v14;
	v0 =	vor.u32 v34, v1  }
0xdd: {  	v13 =	vld [tilespmem:$0x1FE60]  }
0xde: {  	v33 =	vld [tilespmem:$0x1FD50]  }
0xdf: {  	v14 =	vld [tilespmem:$0x1FE70];
	[tilespmem:v35+s18+$0x0] =	vst.idx.msk $0xffff, v15  }
0xe0: {  	v35 =	vld [tilespmem:$0x1FEA0];
	[tilespmem:v2+s18+$0x0] =	vst.idx.msk $0xffff, v16  }
0xe1: {  	v8 =	vld.idx.msk [tilespmem:v0+s4+$0x0], $0xffff  }
0xe2: {  	v0 =	vld [tilespmem:$0x1FDB0]  }
0xe3: {  	v29 =	vld [tilespmem:$0x1FF60];
	v4 =	vor.u32 v24, v1  }
0xe4: {  	v30 =	vld [tilespmem:$0x1FF70];
	v32 =	vor.u32 v31, v1  }
0xe5: {  	v12 =	vld [tilespmem:$0x1FD40];
	v3 =	vsel vm0, v3, v9;
	v5 =	vsel vm0, v14, v13  }
0xe6: {  	v59 =	vcombine.low v39, v3;
	v39 =	vld [tilespmem:$0x1FE80];
	v62 =	vcombine.low v5, v33;
	v5 =	vsel vm0, v9, v35  }
0xe7: {  	v63 =	vcombine.low v5, v0;
	v0 =	vld [tilespmem:$0x1FE90]  }
0xe8: {  	v4 =	vld.idx.msk [tilespmem:v4+s4+$0x0], $0xffff  }
0xe9: {  	v17 =	vor.u32 v29, v1;
	v7 =	vld.idx.msk [tilespmem:v32+s4+$0x0], $0xffff  }
0xea: {  	v32 =	vld [tilespmem:$0x1FD60]  }
0xeb: {  	v45 =	vor.u32 v59, v1;
	v33 =	vld [tilespmem:$0x1FD80]  }
0xec: {  	v42 =	vsel vm0, v23, v19;
	v0 =	vsel vm0, v39, v0;
	v39 =	vld [tilespmem:$0x1FED0]  }
0xed: {  	v15 =	vor.u32 v30, v1;
	v61 =	vcombine.low v42, v12;
	v42 =	vld [tilespmem:$0x1FEC0]  }
0xee: {  	v2 =	vor.u32 v25, v1;
	v17 =	vld.idx.msk [tilespmem:v17+s4+$0x0], $0xffff  }
0xef: {  	v35 =	vld [tilespmem:$0x1FEE0];
	v5 =	vor.u32 v62, v1  }
0xf0: {  	v6 =	vld.idx.msk [tilespmem:v45+s4+$0x0], $0xffff;
	v45 =	vor.u32 v32, v1  }
0xf1: {  	v14 =	vor.u32 v33, v1;
	v16 =	vcombine.low v3, v39;
	v39 =	vld [tilespmem:$0x1FD70]  }
0xf2: {  	v15 =	vld.idx.msk [tilespmem:v15+s4+$0x0], $0xffff;
	v10 =	vor.u32 v63, v1;
	v0 =	vcombine.low v0, v42  }
0xf3: {  	v9 =	vor.u32 v61, v1;
	v2 =	vld.idx.msk [tilespmem:v2+s4+$0x0], $0xffff  }
0xf4: {  	v5 =	vld.idx.msk [tilespmem:v5+s4+$0x0], $0xffff;
	v11 =	vor.u32 v0, v1  }
0xf5: {  	v12 =	vld.idx.msk [tilespmem:v45+s4+$0x0], $0xffff;
	v13 =	vor.u32 v16, v1  }
0xf6: {  	v14 =	vld.idx.msk [tilespmem:v14+s4+$0x0], $0xffff;
	v42 =	vor.u32 v39, v1  }
0xf7: {  	v45 =	vmovc v54;
	v54 =	vmov v18;
	v18 =	vor.u32 v34, v60;
	v10 =	vld.idx.msk [tilespmem:v10+s4+$0x0], $0xffff;
	v1 =	vor.u32 v35, v1  }
0xf8: {  	v27 =	vmov v19;
	v19 =	vor.u32 v24, v60;
	v3 =	vld.idx.msk [tilespmem:v9+s4+$0x0], $0xffff  }
0xf9: {  	v24 =	vmov v20;
	v20 =	vor.u32 v25, v60;
	v11 =	vld.idx.msk [tilespmem:v11+s4+$0x0], $0xffff  }
0xfa: {  	v25 =	vmov v21;
	v21 =	vor.u32 v59, v60;
	v13 =	vld.idx.msk [tilespmem:v13+s4+$0x0], $0xffff  }
0xfb: {  	v26 =	vmov v22;
	v22 =	vor.u32 v31, v60;
	v9 =	vld.idx.msk [tilespmem:v42+s4+$0x0], $0xffff  }
0xfc: {  	v1 =	vld.idx.msk [tilespmem:v1+s4+$0x0], $0xffff;
	[tilespmem:v18+s18+$0x0] =	vst.idx.msk $0xffff, v8;
	v8 =	vor.u32 v61, v60  }
0xfd: {  	v42 =	vor.u32 v62, v60;
	[tilespmem:v19+s18+$0x0] =	vst.idx.msk $0xffff, v4  }
0xfe: {  	[tilespmem:v20+s18+$0x0] =	vst.idx.msk $0xffff, v2;
	v2 =	vor.u32 v63, v60  }
0xff: {  	v18 =	vmov v54;
	v54 =	vmov v45;
	v45 =	vor.u32 v0, v60;
	[tilespmem:v21+s18+$0x0] =	vst.idx.msk $0xffff, v6  }
0x100: {  	v32 =	vor.u32 v32, v60;
	[tilespmem:v22+s18+$0x0] =	vst.idx.msk $0xffff, v7  }
0x101: {  	v28 =	vmovc v23;
	v23 =	vmov v52;
	v52 =	vmov v51;
	[tilespmem:v8+s18+$0x0] =	vst.idx.msk $0xffff, v3;
	v3 =	vor.u32 v39, v60  }
0x102: {  	v51 =	vmovc v49;
	v49 =	vmov v48;
	v48 =	vmov v47;
	v39 =	vor.u32 v16, v60;
	[tilespmem:v42+s18+$0x0] =	vst.idx.msk $0xffff, v5  }
0x103: {  	v47 =	vmovc v46;
	v46 =	vmov v41;
	v41 =	vmov v40;
	[tilespmem:v2+s18+$0x0] =	vst.idx.msk $0xffff, v10;
	v2 =	vor.u32 v33, v60  }
0x104: {  	v40 =	vmovc v38;
	v38 =	vmov v37;
	v37 =	vmov v58;
	v42 =	vor.u32 v30, v60;
	[tilespmem:v45+s18+$0x0] =	vst.idx.msk $0xffff, v11  }
0x105: {  	v58 =	vmovc v57;
	v57 =	vmov v56;
	v56 =	vmov v55;
	v45 =	vor.u32 v29, v60;
	[tilespmem:v32+s18+$0x0] =	vst.idx.msk $0xffff, v12  }
0x106: {  	p3 =	sne.s32 s25, $0x130;
	[tilespmem:v3+s18+$0x0] =	vst.idx.msk $0xffff, v9;
	v3 =	vor.u32 v35, v60  }
.Ltmp5:
0x107: {  	[tilespmem:v39+s18+$0x0] =	vst.idx.msk $0xffff, v13;
	(pc) =	sbr.rel @p3 .LBB2_4-.Ltmp5, $4  }
0x108: {  	v55 =	vmovc v56;
	v56 =	vmov v57;
	v57 =	vmov v58;
	v58 =	vmov v37;
	[tilespmem:v2+s18+$0x0] =	vst.idx.msk $0xffff, v14  }
0x109: {  	v37 =	vmovc v38;
	v38 =	vmovc v40;
	v40 =	vmov v41;
	v41 =	vmov v46;
	v46 =	vmov v47;
	[tilespmem:v42+s18+$0x0] =	vst.idx.msk $0xffff, v15  }
0x10a: {  	s26 =	sadd.s32 $0x10, s26;
	v47 =	vmovc v48;
	v48 =	vmovc v49;
	v49 =	vmov v51;
	v51 =	vmov v52;
	v52 =	vmov v23;
	[tilespmem:v45+s18+$0x0] =	vst.idx.msk $0xffff, v17  }
0x10b: {  	s28 =	sadd.s32 $0x10, s28;
	s29 =	sadd.s32 $0x10, s29;
	s25 =	sadd.s32 $0x10, s25;
	v23 =	vmovc v28;
	v19 =	vmovc v27;
	v20 =	vmov v24;
	v21 =	vmov v25;
	v22 =	vmov v26;
	[tilespmem:v3+s18+$0x0] =	vst.idx.msk $0xffff, v1  }
.Ltmp6:
0x10c: {  	(pc) =	sbr.rel @p2 .LBB2_9-.Ltmp6, $3  }
0x10d: {  	s24 =	smul.u32 $0x1400, s24;
	_ =	sdelay $0x1  }
0x10e: {  	s24 =	sadd.s32 s8, s24  }
0x10f: {  	v7 =	vld [tilespmem:$0x1FF70];
	[hbm4b:s24+s4] =	stream.linear.scatter [tilespmem:s18], [sflag:$0x3], $0xA000, $0x38  }
0x110: {  	_ =	swait.ge [sflag:s19], $0x140  }
0x111: {  	[sflag:s19] =	ssyncset.done $0x0  }
0x112: {  	[sflag:s19] =	ssyncadd.s32 $0xFFFFFEC0  }
0x113: {  	p2 =	sgt.u32 s23, $0x9A3;
	_ =	swait.ge [sflag:s19], $0x140  }
0x114: {  	s24 =	smul.u32 @!p2 $0x140, s23;
	[sflag:s19] =	ssyncset.done $0x0  }
0x115: {  	[sflag:s19] =	ssyncadd.s32 $0xFFFFFEC0  }
0x116: {  	s24 =	sshrl.u32 @!p2 s24, $0x3;
	_ =	swait.ge [sflag:s19], $0x140  }
0x117: {  	s26 =	simm.s32 @!p2 $0x0;
	s24 =	sadd.s32 @!p2 $0x500, s24;
	[sflag:s19] =	ssyncset.done $0x0  }
0x118: {  	s28 =	simm.s32 @!p2 $0x1F80;
	s25 =	sadd.s32 @!p2 s6, s24;
	[sflag:s19] =	ssyncadd.s32 $0xFFFFFEC0  }
0x119: {  	[tilespmem:s28], [sflag:$0x1] =	stream.linear.gather @!p2 [hbm4b:s25+s26], $0x140, $0x38;
	[tilespmem:$0x16880] =	vst v63  }
0x11a: {  	s25 =	sadd.s32 @!p2 s7, s24;
	s28 =	simm.s32 @!p2 $0x2280  }
0x11b: {  	[tilespmem:s28], [sflag:$0x1] =	stream.linear.gather @!p2 [hbm4b:s25+s26], $0x140, $0x38;
	[tilespmem:$0x16880] =	vst v63  }
0x11c: {  	s24 =	sadd.s32 @!p2 s2, s24;
	s25 =	simm.s32 @!p2 $0x2580  }
0x11d: {  	[tilespmem:s25], [sflag:$0x1] =	stream.linear.gather @!p2 [hbm4b:s24+s26], $0x140, $0x38;
	[tilespmem:$0x16880] =	vst v63  }
0x11e: {  	s24 =	simm.s32 @!p1 $0x4  }
0x11f: {  	_ =	swait.ge @!p1 [sflag:s24], $0xA000  }
0x120: {  	s28 =	simm.s32 $0x2700;
	s25 =	simm.s32 $0x2100;
	[sflag:s24] =	ssyncset.done @!p1 $0x0  }
0x121: {  	s26 =	simm.s32 $0x2400;
	[sflag:s24] =	ssyncadd.s32 @!p1 $0xFFFF6000;
	s24 =	simm.s32 $0x0  }
.LBB2_7:
0x122: {  	v1 =	vld [tilespmem:s26+$0x0]  }
0x123: {  	v2 =	vld [tilespmem:s28+$0x0]  }
0x124: {  	v3 =	vld [tilespmem:s25+$0x0];
	_ =	sdelay $0x2  }
0x125: {  	vm1 =	vgt.s32 v1, $0x0  }
0x126: {  	v1 =	vnsel vm1, $0x0, v1;
	vm1 =	vgt.s32 v2, $0x0  }
0x127: {  	v2 =	vnsel vm1, $0x0, v2;
	vm1 =	vgt.s32 v3, $0x0;
	v1 =	vmin.u32 v1, $0x6  }
0x128: {  	v3 =	vnsel vm1, $0x0, v3;
	v2 =	vmin.u32 v2, $0x2;
	v1 =	vmul.u32 $0x6, v1  }
0x129: {  	v3 =	vmin.u32 v3, $0x5;
	v2 =	vmul.u32 $0x2A, v2  }
0x12a: {  	v1 =	vadd.s32 v3, v1  }
0x12b: {  	v1 =	vadd.s32 v2, v1  }
0x12c: {  	v23 =	vlaneseq.u32;
	v29 =	vld [tilespmem:$0x1FFE0];
	v60 =	vshll.u32 v1, $0x6  }
0x12d: {  	v31 =	vld [tilespmem:$0x1FFD0];
	v1 =	vor.u32 v23, v60  }
0x12e: {  	v32 =	vld [tilespmem:$0x1FFC0]  }
0x12f: {  	v33 =	vld [tilespmem:$0x1FF80]  }
0x130: {  	v34 =	vld [tilespmem:$0x1FF50]  }
0x131: {  	v44 =	vld [tilespmem:$0x1FF30]  }
0x132: {  	v6 =	vld.idx.msk [tilespmem:v1+s4+$0x0], $0xffff;
	v1 =	vor.u32 v31, v60  }
0x133: {  	v42 =	vld [tilespmem:$0x1FF40]  }
0x134: {  	v30 =	vld [tilespmem:$0x1FF00]  }
0x135: {  	v36 =	vld [tilespmem:$0x1FF10];
	v2 =	vor.u32 v20, v60  }
0x136: {  	v43 =	vld [tilespmem:$0x1FEF0];
	v3 =	vor.u32 v21, v60  }
0x137: {  	v11 =	vld.idx.msk [tilespmem:v1+s4+$0x0], $0xffff;
	v1 =	vor.u32 v44, v60  }
0x138: {  	v45 =	vld [tilespmem:$0x1FF20]  }
0x139: {  	v39 =	vld [tilespmem:$0x1FFF0];
	v4 =	vor.u32 v22, v60  }
0x13a: {  	v5 =	vor.u32 v29, v60;
	v2 =	vld.idx.msk [tilespmem:v2+s4+$0x0], $0xffff  }
0x13b: {  	v35 =	vmov v7;
	v7 =	vor.u32 v32, v60;
	v3 =	vld.idx.msk [tilespmem:v3+s4+$0x0], $0xffff  }
0x13c: {  	v8 =	vor.u32 v33, v60;
	v18 =	vld.idx.msk [tilespmem:v1+s4+$0x0], $0xffff  }
0x13d: {  	v9 =	vor.u32 v34, v60;
	v1 =	vld [tilespmem:$0x1FCD0]  }
0x13e: {  	v10 =	vor.u32 v42, v60;
	v4 =	vld.idx.msk [tilespmem:v4+s4+$0x0], $0xffff  }
0x13f: {  	v12 =	vor.u32 v30, v60;
	v5 =	vld.idx.msk [tilespmem:v5+s4+$0x0], $0xffff  }
0x140: {  	v14 =	vmov s24;
	v13 =	vor.u32 v36, v60;
	v7 =	vld.idx.msk [tilespmem:v7+s4+$0x0], $0xffff  }
0x141: {  	v14 =	vshll.u32 v14, $0x7;
	v15 =	vor.u32 v43, v60;
	v8 =	vld.idx.msk [tilespmem:v8+s4+$0x0], $0xffff  }
0x142: {  	v17 =	vor.u32 v45, v60;
	v9 =	vld.idx.msk [tilespmem:v9+s4+$0x0], $0xffff;
	v1 =	vor.u32 v1, v14  }
0x143: {  	v19 =	vor.u32 v39, v60;
	v10 =	vld.idx.msk [tilespmem:v10+s4+$0x0], $0xffff;
	v14 =	vor.u32 v23, v1  }
0x144: {  	v12 =	vld.idx.msk [tilespmem:v12+s4+$0x0], $0xffff;
	v20 =	vor.u32 v24, v1  }
0x145: {  	v13 =	vld.idx.msk [tilespmem:v13+s4+$0x0], $0xffff;
	v21 =	vor.u32 v25, v1  }
0x146: {  	v15 =	vld.idx.msk [tilespmem:v15+s4+$0x0], $0xffff;
	v22 =	vor.u32 v26, v1  }
0x147: {  	v17 =	vld.idx.msk [tilespmem:v17+s4+$0x0], $0xffff;
	v23 =	vor.u32 v29, v1  }
0x148: {  	v19 =	vld.idx.msk [tilespmem:v19+s4+$0x0], $0xffff;
	[tilespmem:v14+s20+$0x0] =	vst.idx.msk $0xffff, v6;
	v6 =	vor.u32 v31, v1  }
0x149: {  	[tilespmem:v20+s20+$0x0] =	vst.idx.msk $0xffff, v2;
	v2 =	vor.u32 v32, v1  }
0x14a: {  	[tilespmem:v21+s20+$0x0] =	vst.idx.msk $0xffff, v3;
	v3 =	vor.u32 v33, v1  }
0x14b: {  	[tilespmem:v22+s20+$0x0] =	vst.idx.msk $0xffff, v4;
	v4 =	vor.u32 v34, v1  }
0x14c: {  	[tilespmem:v23+s20+$0x0] =	vst.idx.msk $0xffff, v5;
	v5 =	vor.u32 v42, v1  }
0x14d: {  	[tilespmem:v6+s20+$0x0] =	vst.idx.msk $0xffff, v11;
	v6 =	vor.u32 v44, v1  }
0x14e: {  	v20 =	vld [tilespmem:$0x1FCE0];
	[tilespmem:v2+s20+$0x0] =	vst.idx.msk $0xffff, v7;
	v2 =	vor.u32 v30, v1  }
0x14f: {  	[tilespmem:v3+s20+$0x0] =	vst.idx.msk $0xffff, v8;
	v3 =	vor.u32 v36, v1  }
0x150: {  	[tilespmem:v4+s20+$0x0] =	vst.idx.msk $0xffff, v9;
	v4 =	vor.u32 v43, v1  }
0x151: {  	[tilespmem:v5+s20+$0x0] =	vst.idx.msk $0xffff, v10;
	v5 =	vor.u32 v45, v1  }
0x152: {  	[tilespmem:v6+s20+$0x0] =	vst.idx.msk $0xffff, v18;
	v6 =	vor.u32 v39, v1  }
0x153: {  	[tilespmem:v2+s20+$0x0] =	vst.idx.msk $0xffff, v12;
	v2 =	vor.u32 v20, v60  }
0x154: {  	v7 =	vor.u32 v54, v60;
	[tilespmem:v3+s20+$0x0] =	vst.idx.msk $0xffff, v13  }
0x155: {  	v8 =	vor.u32 v55, v60;
	[tilespmem:v4+s20+$0x0] =	vst.idx.msk $0xffff, v15  }
0x156: {  	v32 =	vor.u32 v56, v60;
	v21 =	vld [tilespmem:$0x1FCF0];
	[tilespmem:v5+s20+$0x0] =	vst.idx.msk $0xffff, v17  }
0x157: {  	v33 =	vor.u32 v57, v60;
	v22 =	vld [tilespmem:$0x1FD00];
	[tilespmem:v6+s20+$0x0] =	vst.idx.msk $0xffff, v19  }
0x158: {  	v34 =	vor.u32 v58, v60;
	v2 =	vld.idx.msk [tilespmem:v2+s4+$0x0], $0xffff  }
0x159: {  	v36 =	vor.u32 v37, v60;
	v7 =	vld.idx.msk [tilespmem:v7+s4+$0x0], $0xffff  }
0x15a: {  	v39 =	vor.u32 v38, v60;
	v8 =	vld.idx.msk [tilespmem:v8+s4+$0x0], $0xffff  }
0x15b: {  	v42 =	vor.u32 v40, v60;
	v9 =	vld.idx.msk [tilespmem:v32+s4+$0x0], $0xffff  }
0x15c: {  	v18 =	vor.u32 v47, v60;
	v10 =	vld.idx.msk [tilespmem:v33+s4+$0x0], $0xffff  }
0x15d: {  	v3 =	vor.u32 v21, v60;
	v11 =	vld.idx.msk [tilespmem:v34+s4+$0x0], $0xffff  }
0x15e: {  	v4 =	vor.u32 v22, v60;
	v12 =	vld.idx.msk [tilespmem:v36+s4+$0x0], $0xffff  }
0x15f: {  	v15 =	vor.u32 v41, v60;
	v13 =	vld.idx.msk [tilespmem:v39+s4+$0x0], $0xffff  }
0x160: {  	v5 =	vor.u32 v50, v60;
	v14 =	vld.idx.msk [tilespmem:v42+s4+$0x0], $0xffff  }
0x161: {  	v6 =	vor.u32 v53, v60;
	v18 =	vld.idx.msk [tilespmem:v18+s4+$0x0], $0xffff  }
0x162: {  	v17 =	vor.u32 v46, v60;
	v19 =	vor.u32 v20, v1;
	v3 =	vld.idx.msk [tilespmem:v3+s4+$0x0], $0xffff  }
0x163: {  	v20 =	vor.u32 v21, v1;
	v4 =	vld.idx.msk [tilespmem:v4+s4+$0x0], $0xffff  }
0x164: {  	v21 =	vor.u32 v22, v1;
	v15 =	vld.idx.msk [tilespmem:v15+s4+$0x0], $0xffff  }
0x165: {  	v22 =	vor.u32 v50, v1;
	v5 =	vld.idx.msk [tilespmem:v5+s4+$0x0], $0xffff  }
0x166: {  	v23 =	vor.u32 v53, v1;
	v6 =	vld.idx.msk [tilespmem:v6+s4+$0x0], $0xffff  }
0x167: {  	v17 =	vld.idx.msk [tilespmem:v17+s4+$0x0], $0xffff;
	[tilespmem:v19+s20+$0x0] =	vst.idx.msk $0xffff, v2;
	v2 =	vor.u32 v54, v1  }
0x168: {  	[tilespmem:v20+s20+$0x0] =	vst.idx.msk $0xffff, v3;
	v3 =	vor.u32 v55, v1  }
0x169: {  	[tilespmem:v21+s20+$0x0] =	vst.idx.msk $0xffff, v4;
	v4 =	vor.u32 v56, v1  }
0x16a: {  	[tilespmem:v22+s20+$0x0] =	vst.idx.msk $0xffff, v5;
	v5 =	vor.u32 v57, v1  }
0x16b: {  	[tilespmem:v23+s20+$0x0] =	vst.idx.msk $0xffff, v6;
	v6 =	vor.u32 v58, v1  }
0x16c: {  	[tilespmem:v2+s20+$0x0] =	vst.idx.msk $0xffff, v7;
	v2 =	vor.u32 v37, v1  }
0x16d: {  	v29 =	vld [tilespmem:$0x1FFB0];
	[tilespmem:v3+s20+$0x0] =	vst.idx.msk $0xffff, v8;
	v3 =	vor.u32 v38, v1  }
0x16e: {  	v30 =	vld [tilespmem:$0x1FFA0];
	[tilespmem:v4+s20+$0x0] =	vst.idx.msk $0xffff, v9;
	v4 =	vor.u32 v40, v1  }
0x16f: {  	v31 =	vld [tilespmem:$0x1FDC0];
	[tilespmem:v5+s20+$0x0] =	vst.idx.msk $0xffff, v10;
	v5 =	vor.u32 v41, v1  }
0x170: {  	v32 =	vld [tilespmem:$0x1FDD0];
	[tilespmem:v6+s20+$0x0] =	vst.idx.msk $0xffff, v11;
	v6 =	vor.u32 v46, v1  }
0x171: {  	v33 =	vld [tilespmem:$0x1FDE0];
	[tilespmem:v2+s20+$0x0] =	vst.idx.msk $0xffff, v12;
	v2 =	vor.u32 v47, v1  }
0x172: {  	v34 =	vld [tilespmem:$0x1FDF0];
	[tilespmem:v3+s20+$0x0] =	vst.idx.msk $0xffff, v13;
	v3 =	vor.u32 v48, v60  }
0x173: {  	v36 =	vld [tilespmem:$0x1FE00];
	v7 =	vor.u32 v30, v60;
	[tilespmem:v4+s20+$0x0] =	vst.idx.msk $0xffff, v14  }
0x174: {  	v39 =	vld [tilespmem:$0x1FE10];
	v8 =	vor.u32 v29, v60;
	[tilespmem:v5+s20+$0x0] =	vst.idx.msk $0xffff, v15  }
0x175: {  	v43 =	vor.u32 v31, v60;
	v42 =	vld [tilespmem:$0x1FE20];
	[tilespmem:v6+s20+$0x0] =	vst.idx.msk $0xffff, v17  }
0x176: {  	v44 =	vor.u32 v32, v60;
	v23 =	vld [tilespmem:$0x1FF90];
	[tilespmem:v2+s20+$0x0] =	vst.idx.msk $0xffff, v18  }
0x177: {  	v11 =	vor.u32 v33, v60;
	v3 =	vld.idx.msk [tilespmem:v3+s4+$0x0], $0xffff  }
0x178: {  	v7 =	vld.idx.msk [tilespmem:v7+s4+$0x0], $0xffff  }
0x179: {  	v8 =	vld.idx.msk [tilespmem:v8+s4+$0x0], $0xffff  }
0x17a: {  	v45 =	vor.u32 v34, v60;
	v9 =	vld.idx.msk [tilespmem:v43+s4+$0x0], $0xffff  }
0x17b: {  	v13 =	vor.u32 v36, v60;
	v10 =	vld.idx.msk [tilespmem:v44+s4+$0x0], $0xffff  }
0x17c: {  	v4 =	vor.u32 v49, v60;
	v11 =	vld.idx.msk [tilespmem:v11+s4+$0x0], $0xffff  }
0x17d: {  	v14 =	vor.u32 v39, v60;
	v43 =	vld [tilespmem:$0x1FE30]  }
0x17e: {  	v5 =	vor.u32 v51, v60;
	v44 =	vld [tilespmem:$0x1FE40]  }
0x17f: {  	v15 =	vor.u32 v42, v60;
	v12 =	vld.idx.msk [tilespmem:v45+s4+$0x0], $0xffff  }
0x180: {  	v6 =	vor.u32 v52, v60;
	v13 =	vld.idx.msk [tilespmem:v13+s4+$0x0], $0xffff  }
0x181: {  	v2 =	vor.u32 v23, v60;
	v4 =	vld.idx.msk [tilespmem:v4+s4+$0x0], $0xffff  }
0x182: {  	v14 =	vld.idx.msk [tilespmem:v14+s4+$0x0], $0xffff;
	v17 =	vor.u32 v43, v60  }
0x183: {  	v19 =	vor.u32 v48, v1;
	v5 =	vld.idx.msk [tilespmem:v5+s4+$0x0], $0xffff;
	v18 =	vor.u32 v44, v60  }
0x184: {  	v20 =	vor.u32 v49, v1;
	v15 =	vld.idx.msk [tilespmem:v15+s4+$0x0], $0xffff  }
0x185: {  	v21 =	vor.u32 v51, v1;
	v6 =	vld.idx.msk [tilespmem:v6+s4+$0x0], $0xffff  }
0x186: {  	v22 =	vor.u32 v52, v1;
	v2 =	vld.idx.msk [tilespmem:v2+s4+$0x0], $0xffff  }
0x187: {  	v23 =	vor.u32 v23, v1;
	v17 =	vld.idx.msk [tilespmem:v17+s4+$0x0], $0xffff  }
0x188: {  	v18 =	vld.idx.msk [tilespmem:v18+s4+$0x0], $0xffff;
	[tilespmem:v19+s20+$0x0] =	vst.idx.msk $0xffff, v3;
	v3 =	vor.u32 v30, v1  }
0x189: {  	[tilespmem:v20+s20+$0x0] =	vst.idx.msk $0xffff, v4;
	v4 =	vor.u32 v29, v1  }
0x18a: {  	[tilespmem:v21+s20+$0x0] =	vst.idx.msk $0xffff, v5;
	v5 =	vor.u32 v31, v1  }
0x18b: {  	[tilespmem:v22+s20+$0x0] =	vst.idx.msk $0xffff, v6;
	v6 =	vor.u32 v32, v1  }
0x18c: {  	[tilespmem:v23+s20+$0x0] =	vst.idx.msk $0xffff, v2;
	v2 =	vor.u32 v33, v1  }
0x18d: {  	[tilespmem:v3+s20+$0x0] =	vst.idx.msk $0xffff, v7;
	v3 =	vor.u32 v34, v1  }
0x18e: {  	v19 =	vld [tilespmem:$0x1FE50];
	[tilespmem:v4+s20+$0x0] =	vst.idx.msk $0xffff, v8;
	v4 =	vor.u32 v36, v1  }
0x18f: {  	[tilespmem:v5+s20+$0x0] =	vst.idx.msk $0xffff, v9;
	v5 =	vor.u32 v39, v1  }
0x190: {  	v30 =	vld [tilespmem:$0x1FF60];
	[tilespmem:v6+s20+$0x0] =	vst.idx.msk $0xffff, v10;
	v6 =	vor.u32 v42, v1  }
0x191: {  	v20 =	vld [tilespmem:$0x1FD10];
	[tilespmem:v2+s20+$0x0] =	vst.idx.msk $0xffff, v11;
	v2 =	vor.u32 v43, v1  }
0x192: {  	v29 =	vld [tilespmem:$0x1FEE0];
	[tilespmem:v3+s20+$0x0] =	vst.idx.msk $0xffff, v12;
	v3 =	vor.u32 v44, v1  }
0x193: {  	v31 =	vld [tilespmem:$0x1FD60];
	[tilespmem:v4+s20+$0x0] =	vst.idx.msk $0xffff, v13;
	v4 =	vor.u32 v19, v60  }
0x194: {  	v21 =	vld [tilespmem:$0x1FD20];
	v7 =	vor.u32 v61, v60;
	[tilespmem:v5+s20+$0x0] =	vst.idx.msk $0xffff, v14  }
0x195: {  	v23 =	vld [tilespmem:$0x1FD30];
	v8 =	vor.u32 v62, v60;
	[tilespmem:v6+s20+$0x0] =	vst.idx.msk $0xffff, v15  }
0x196: {  	v45 =	vor.u32 v63, v60;
	v39 =	vld [tilespmem:$0x1FD70];
	[tilespmem:v2+s20+$0x0] =	vst.idx.msk $0xffff, v17  }
0x197: {  	v10 =	vor.u32 v0, v60;
	v44 =	vld [tilespmem:$0x1FD80];
	[tilespmem:v3+s20+$0x0] =	vst.idx.msk $0xffff, v18  }
0x198: {  	v36 =	vor.u32 v31, v60;
	v4 =	vld.idx.msk [tilespmem:v4+s4+$0x0], $0xffff  }
0x199: {  	v43 =	vor.u32 v16, v60;
	v7 =	vld.idx.msk [tilespmem:v7+s4+$0x0], $0xffff  }
0x19a: {  	v5 =	vor.u32 v20, v60;
	v8 =	vld.idx.msk [tilespmem:v8+s4+$0x0], $0xffff  }
0x19b: {  	v42 =	vor.u32 v39, v60;
	v9 =	vld.idx.msk [tilespmem:v45+s4+$0x0], $0xffff  }
0x19c: {  	v6 =	vor.u32 v21, v60;
	v10 =	vld.idx.msk [tilespmem:v10+s4+$0x0], $0xffff  }
0x19d: {  	v15 =	vor.u32 v35, v60;
	v11 =	vld.idx.msk [tilespmem:v36+s4+$0x0], $0xffff  }
0x19e: {  	v2 =	vor.u32 v59, v60;
	v13 =	vld.idx.msk [tilespmem:v43+s4+$0x0], $0xffff  }
0x19f: {  	v17 =	vor.u32 v30, v60;
	v5 =	vld.idx.msk [tilespmem:v5+s4+$0x0], $0xffff  }
0x1a0: {  	v3 =	vor.u32 v23, v60;
	v12 =	vld.idx.msk [tilespmem:v42+s4+$0x0], $0xffff  }
0x1a1: {  	v18 =	vor.u32 v29, v60;
	v6 =	vld.idx.msk [tilespmem:v6+s4+$0x0], $0xffff  }
0x1a2: {  	v19 =	vor.u32 v19, v1;
	v45 =	vor.u32 v44, v60;
	v15 =	vld.idx.msk [tilespmem:v15+s4+$0x0], $0xffff  }
0x1a3: {  	v20 =	vor.u32 v20, v1;
	v2 =	vld.idx.msk [tilespmem:v2+s4+$0x0], $0xffff  }
0x1a4: {  	v21 =	vor.u32 v21, v1;
	v17 =	vld.idx.msk [tilespmem:v17+s4+$0x0], $0xffff  }
0x1a5: {  	v22 =	vor.u32 v59, v1;
	v3 =	vld.idx.msk [tilespmem:v3+s4+$0x0], $0xffff  }
0x1a6: {  	v23 =	vor.u32 v23, v1;
	v18 =	vld.idx.msk [tilespmem:v18+s4+$0x0], $0xffff  }
0x1a7: {  	v14 =	vld.idx.msk [tilespmem:v45+s4+$0x0], $0xffff;
	[tilespmem:v19+s20+$0x0] =	vst.idx.msk $0xffff, v4;
	v4 =	vor.u32 v61, v1  }
0x1a8: {  	[tilespmem:v20+s20+$0x0] =	vst.idx.msk $0xffff, v5;
	v5 =	vor.u32 v62, v1  }
0x1a9: {  	[tilespmem:v21+s20+$0x0] =	vst.idx.msk $0xffff, v6;
	v6 =	vor.u32 v63, v1  }
0x1aa: {  	[tilespmem:v22+s20+$0x0] =	vst.idx.msk $0xffff, v2;
	v2 =	vor.u32 v0, v1  }
0x1ab: {  	[tilespmem:v23+s20+$0x0] =	vst.idx.msk $0xffff, v3;
	v3 =	vor.u32 v31, v1  }
0x1ac: {  	[tilespmem:v4+s20+$0x0] =	vst.idx.msk $0xffff, v7;
	v4 =	vor.u32 v39, v1  }
0x1ad: {  	[tilespmem:v5+s20+$0x0] =	vst.idx.msk $0xffff, v8;
	v5 =	vor.u32 v16, v1  }
0x1ae: {  	[tilespmem:v6+s20+$0x0] =	vst.idx.msk $0xffff, v9;
	v6 =	vor.u32 v44, v1  }
0x1af: {  	[tilespmem:v2+s20+$0x0] =	vst.idx.msk $0xffff, v10;
	v2 =	vor.u32 v35, v1  }
0x1b0: {  	[tilespmem:v3+s20+$0x0] =	vst.idx.msk $0xffff, v11;
	v3 =	vor.u32 v30, v1  }
0x1b1: {  	p1 =	sne.s32 s24, $0x130;
	v1 =	vor.u32 v29, v1;
	[tilespmem:v4+s20+$0x0] =	vst.idx.msk $0xffff, v12  }
.Ltmp7:
0x1b2: {  	[tilespmem:v5+s20+$0x0] =	vst.idx.msk $0xffff, v13;
	(pc) =	sbr.rel @p1 .LBB2_7-.Ltmp7, $4  }
0x1b3: {  	[tilespmem:v6+s20+$0x0] =	vst.idx.msk $0xffff, v14  }
0x1b4: {  	[tilespmem:v2+s20+$0x0] =	vst.idx.msk $0xffff, v15  }
0x1b5: {  	s25 =	sadd.s32 $0x10, s25;
	[tilespmem:v3+s20+$0x0] =	vst.idx.msk $0xffff, v17  }
0x1b6: {  	s26 =	sadd.s32 $0x10, s26;
	s28 =	sadd.s32 $0x10, s28;
	s24 =	sadd.s32 $0x10, s24;
	v20 =	vmovc v24;
	v21 =	vmov v25;
	v22 =	vmov v26;
	v7 =	vmov v35;
	[tilespmem:v1+s20+$0x0] =	vst.idx.msk $0xffff, v18  }
.Ltmp8:
0x1b7: {  	(pc) =	sbr.rel .LBB2_9-.Ltmp8, $3  }
0x1b8: {  	s23 =	smul.u32 $0x1400, s23;
	_ =	sdelay $0x1  }
0x1b9: {  	s23 =	sadd.s32 s8, s23  }
0x1ba: {  	v18 =	vld [tilespmem:$0x1FFF0];
	v19 =	vmov v27;
	v23 =	vmov v28;
	[hbm4b:s23+s4] =	stream.linear.scatter [tilespmem:s20], [sflag:$0x4], $0xA000, $0x38  }
.LBB2_11:
0x1bb: {  	_ =	sfence.sel $0x180000  }
0x1bc: {  	[bflag:$0x0] =	sbarrier.arrive $0xFFFF  }
0x1bd: {  	p0 =	sne.s32 s3, $0x0;
	_ =	strace $0x90000047  }
0x1be: {  	s0 =	sadd.s32 @!p0 $0x100000, s1;
	[bflag:$0x2] =	sbarrier.arrive $0xFFFF  }
0x1bf: {  	[sflag:s0] =	ssyncadd.tile.s32 @!p0 $0x1;
	_ =	shalt  }
.Lfunc_end2:
_tile_overlayer_lowered:
.L_overlay_start_2:
0x1c0: {  	(tag) =	ssettag $0x2  }
0x1c1: {  	s0 =	rddreg [dreg:$0x0];
	s2 =	stileid.u32  }
0x1c2: {  	s1 =	rddreg [dreg:$0x1];
	p0 =	sne.s32 s2, $0x0  }
0x1c3: {  	s3 =	rddreg [dreg:$0x2];
	[bflag:$0x3] =	sbarrier.arrive $0xFFFF;
	s2 =	simm.s32 @!p0 $0x1C05  }
0x1c4: {  	[timem:s3], [sflag:s2] =	dma.local @!p0 [hbm:s0], s1  }
0x1c5: {  	s0 =	simm.s32 @!p0 $0x5  }
0x1c6: {  	_ =	swait.ge @!p0 [sflag:s0], s1  }
0x1c7: {  	s1 =	ssub.s32 @!p0 $0x0, s1;
	[sflag:s0] =	ssyncset.done @!p0 $0x0  }
0x1c8: {  	[sflag:s0] =	ssyncadd.s32 @!p0 s1  }
0x1c9: {  	[bflag:$0x3] =	sbarrier.arrive $0xFFFF  }
0x1ca: {  	_ =	shalt  }

</sc_bundles>
